<compile_context>
chip_gen: v7x
topology: tpu7x:2x2x1
jax: 0.10.2.dev20260603
libtpu: 0.0.44.dev20260713+nightly
codegen_flags: <defaults>
</compile_context>

<pallas_src>
import functools

import jax
import jax.numpy as jnp
from jax import lax
from jax.experimental import pallas as pl
from jax.experimental.pallas import tpu as pltpu
from jax.experimental.pallas import tpu_sc as plsc

_BN_EPS = 1e-5
_NS = 16
_KE = 128



def _segsum_sc(g2, src2, dst2, zeros_acc):
    n_chunks_total = src2.shape[0]
    nch = n_chunks_total // _NS
    acc_rows = zeros_acc.shape[0]
    rpz = acc_rows // _NS

    mesh = plsc.VectorSubcoreMesh(core_axis_name="c", subcore_axis_name="s")

    @functools.partial(
        pl.kernel,
        mesh=mesh,
        out_type=jax.ShapeDtypeStruct((2, acc_rows, 128), jnp.float32),
        scratch_types=[
            pltpu.VMEM((nch, _KE), jnp.int32),
            pltpu.VMEM((nch, _KE), jnp.int32),
            pltpu.VMEM((_KE, 128), jnp.float32),
            pltpu.VMEM_SHARED((acc_rows, 128), jnp.float32),
            pltpu.SemaphoreType.DMA,
        ],
    )
    def k(g2_h, src_h, dst_h, zero_h, out_h, sidx, didx, rows, acc, sem):
        cid = lax.axis_index("c")
        sid = lax.axis_index("s")
        pltpu.sync_copy(src_h.at[pl.ds(sid * nch, nch)], sidx)
        pltpu.sync_copy(dst_h.at[pl.ds(sid * nch, nch)], didx)
        pltpu.sync_copy(zero_h.at[pl.ds(sid * rpz, rpz)],
                        acc.at[pl.ds(sid * rpz, rpz)])
        plsc.subcore_barrier()

        @pl.loop(0, nch)
        def _(j):
            pltpu.async_copy(g2_h.at[cid].at[sidx.at[j]], rows, sem).wait()
            pltpu.sync_copy(rows, acc.at[didx.at[j]], add=True)

        plsc.subcore_barrier()
        pltpu.sync_copy(acc.at[pl.ds(sid * rpz, rpz)],
                        out_h.at[cid].at[pl.ds(sid * rpz, rpz)])

    return k(g2, src2, dst2, zeros_acc)


_SEGSUM = _segsum_sc



def _stage_a_body(dup_in, g_ref, a_ref, w_ref, b_ref, t1_ref, st_ref):
    z = jnp.concatenate([g_ref[0] + a_ref[0], g_ref[1] + a_ref[1]], axis=1)
    if dup_in:
        z = jnp.concatenate([z, z], axis=1)
    t = jnp.dot(z, w_ref[...], preferred_element_type=jnp.float32)
    t = t + b_ref[...]
    t1_ref[...] = t
    s = jnp.sum(t, axis=0, keepdims=True)
    st_ref[0] = jnp.concatenate(
        [s, jnp.zeros((7, t.shape[1]), jnp.float32)], axis=0)


def _mean_of(st, n_rows):
    return jnp.sum(st[:, 0:1, :], axis=0) * (1.0 / n_rows)


def _stage_dev_body(n_rows, t_ref, st_ref, dv_ref):
    m = _mean_of(st_ref[...], n_rows)
    d = t_ref[...] - m
    s = jnp.sum(d * d, axis=0, keepdims=True)
    dv_ref[0] = jnp.concatenate(
        [s, jnp.zeros((7, d.shape[1]), jnp.float32)], axis=0)


def _bn_apply(t, st, dv, ga, be, n_rows):
    m = _mean_of(st, n_rows)
    v = jnp.sum(dv[:, 0:1, :], axis=0) * (1.0 / n_rows)
    return ga * (t - m) / jnp.sqrt(v + _BN_EPS) + be


def _stage_b_body(n_rows, t1_ref, st_ref, dv_ref, ga_ref, be_ref, w1_ref,
                  b1_ref, t2_ref, st2_ref):
    u = jnp.maximum(_bn_apply(t1_ref[...], st_ref[...], dv_ref[...],
                              ga_ref[...], be_ref[...], n_rows), 0.0)
    t2 = jnp.dot(u, w1_ref[...], preferred_element_type=jnp.float32)
    t2 = t2 + b1_ref[...]
    t2_ref[...] = t2
    s = jnp.sum(t2, axis=0, keepdims=True)
    st2_ref[0] = jnp.concatenate(
        [s, jnp.zeros((7, t2.shape[1]), jnp.float32)], axis=0)


def _stage_c_split_body(n_rows, t2_ref, st_ref, dv_ref, ga_ref, be_ref,
                        out_ref):
    y = jnp.maximum(_bn_apply(t2_ref[...], st_ref[...], dv_ref[...],
                              ga_ref[...], be_ref[...], n_rows), 0.0)
    out_ref[0] = y[:, :128]
    out_ref[1] = y[:, 128:]


def _stage_c_skip_body(n_rows, t2_ref, st_ref, dv_ref, ga_ref, be_ref,
                       skip_ref, out_ref):
    y = jnp.maximum(_bn_apply(t2_ref[...], st_ref[...], dv_ref[...],
                              ga_ref[...], be_ref[...], n_rows), 0.0)
    out_ref[0] = skip_ref[0] + y[:, :128]
    out_ref[1] = skip_ref[1] + y[:, 128:]


def _stage_c_flat_body(n_rows, t2_ref, st_ref, dv_ref, ga_ref, be_ref,
                       out_ref):
    out_ref[...] = jnp.maximum(
        _bn_apply(t2_ref[...], st_ref[...], dv_ref[...], ga_ref[...],
                  be_ref[...], n_rows), 0.0)


def _mlp_tc(g2, agg2, params, skip2, flat_out):
    w0, b0, ga0, be0, w1, b1, ga1, be1 = params
    n = g2.shape[1]
    nb = 5
    rb = n // nb
    din = w0.shape[0]
    h = w0.shape[1]
    dout = w1.shape[1]
    dup_in = din == 512

    row2 = lambda v: v.reshape(1, -1)
    st_shape = jax.ShapeDtypeStruct((nb, 8, h), jnp.float32)
    full2 = lambda r, c: pl.BlockSpec((r, c), lambda i: (0, 0))
    st_spec = pl.BlockSpec((nb, 8, h), lambda i: (0, 0, 0))

    t1, st1 = pl.pallas_call(
        functools.partial(_stage_a_body, dup_in),
        grid=(nb,),
        in_specs=[
            pl.BlockSpec((2, rb, 128), lambda i: (0, i, 0)),
            pl.BlockSpec((2, rb, 128), lambda i: (0, i, 0)),
            full2(din, h), full2(1, h),
        ],
        out_specs=[
            pl.BlockSpec((rb, h), lambda i: (i, 0)),
            pl.BlockSpec((1, 8, h), lambda i: (i, 0, 0)),
        ],
        out_shape=[jax.ShapeDtypeStruct((n, h), jnp.float32), st_shape],
    )(g2, agg2, w0, row2(b0))

    def dev_pass(t, st, cols):
        return pl.pallas_call(
            functools.partial(_stage_dev_body, float(n)),
            grid=(nb,),
            in_specs=[
                pl.BlockSpec((rb, cols), lambda i: (i, 0)),
                pl.BlockSpec((nb, 8, cols), lambda i: (0, 0, 0)),
            ],
            out_specs=pl.BlockSpec((1, 8, cols), lambda i: (i, 0, 0)),
            out_shape=jax.ShapeDtypeStruct((nb, 8, cols), jnp.float32),
        )(t, st)

    dv1 = dev_pass(t1, st1, h)

    st2_shape = jax.ShapeDtypeStruct((nb, 8, dout), jnp.float32)
    t2, st2 = pl.pallas_call(
        functools.partial(_stage_b_body, float(n)),
        grid=(nb,),
        in_specs=[
            pl.BlockSpec((rb, h), lambda i: (i, 0)),
            st_spec, st_spec, full2(1, h), full2(1, h),
            full2(h, dout), full2(1, dout),
        ],
        out_specs=[
            pl.BlockSpec((rb, dout), lambda i: (i, 0)),
            pl.BlockSpec((1, 8, dout), lambda i: (i, 0, 0)),
        ],
        out_shape=[jax.ShapeDtypeStruct((n, dout), jnp.float32), st2_shape],
    )(t1, st1, dv1, row2(ga0), row2(be0), w1, b1.reshape(1, -1))

    dv2 = dev_pass(t2, st2, dout)

    st2_full = pl.BlockSpec((nb, 8, dout), lambda i: (0, 0, 0))
    c_in = [
        pl.BlockSpec((rb, dout), lambda i: (i, 0)),
        st2_full, st2_full, full2(1, dout), full2(1, dout),
    ]
    c_args = [t2, st2, dv2, row2(ga1), row2(be1)]
    if flat_out:
        return pl.pallas_call(
            functools.partial(_stage_c_flat_body, float(n)),
            grid=(nb,),
            in_specs=c_in,
            out_specs=pl.BlockSpec((rb, dout), lambda i: (i, 0)),
            out_shape=jax.ShapeDtypeStruct((n, dout), jnp.float32),
        )(*c_args)
    split_out = pl.BlockSpec((2, rb, 128), lambda i: (0, i, 0))
    out_shape = jax.ShapeDtypeStruct((2, n, 128), jnp.float32)
    if skip2 is None:
        return pl.pallas_call(
            functools.partial(_stage_c_split_body, float(n)),
            grid=(nb,),
            in_specs=c_in,
            out_specs=split_out,
            out_shape=out_shape,
        )(*c_args)
    return pl.pallas_call(
        functools.partial(_stage_c_skip_body, float(n)),
        grid=(nb,),
        in_specs=c_in + [pl.BlockSpec((2, rb, 128), lambda i: (0, i, 0))],
        out_specs=split_out,
        out_shape=out_shape,
    )(*c_args, skip2)



def kernel(x, edge_index0, enc_params, net_params, dec_params):
    n, d = x.shape
    e = edge_index0.shape[1]
    src = edge_index0[0]
    dst = edge_index0[1]

    chunk = _NS * _KE * 8
    e_pad = ((e + chunk - 1) // chunk) * chunk
    acc_rows = ((n + _NS * 8) // (_NS * 8)) * _NS * 8
    src_p = jnp.concatenate([src, jnp.zeros((e_pad - e,), jnp.int32)])
    dst_p = jnp.concatenate([dst, jnp.full((e_pad - e,), acc_rows - 1, jnp.int32)])
    src2 = src_p.reshape(-1, _KE)
    dst2 = dst_p.reshape(-1, _KE)
    zeros_acc = jnp.zeros((acc_rows, 128), jnp.float32)

    g = x.reshape(n, 2, 128).transpose(1, 0, 2)

    agg = _SEGSUM(g, src2, dst2, zeros_acc)
    g = _mlp_tc(g, agg, enc_params, None, False)
    g_skip = g
    for p in net_params:
        agg = _SEGSUM(g, src2, dst2, zeros_acc)
        g = _mlp_tc(g, agg, p, g_skip, False)
    agg = _SEGSUM(g, src2, dst2, zeros_acc)
    return _mlp_tc(g, agg, dec_params, None, True)

# --- scband reference (transcript-rebuilt; emitter-appended) ---
"""Pipeline reference for scband-toy-mpnn-1821066134187 (READ-ONLY COPY).

The authoritative reference and input builder live on the scoring server;
editing this copy changes nothing except your own understanding.
"""

import jax, jax.numpy as jnp
import numpy as np

N_NODES = 10000
N_EDGES = 160000
D_IN = 256
D_HID = 256
D_OUT = 256
N_LAYER = 3
BN_EPS = 1e-5


def _mk_mlp_params(key, din, dhid, dout):
    # MLP_batchnorm(din, dout, dhid, num_hidden=1, output_activation='relu')
    k0, k1 = jax.random.split(key)
    W0 = jax.random.normal(k0, (din, dhid), jnp.float32) / jnp.sqrt(din)
    b0 = jnp.zeros((dhid,), jnp.float32)
    g0 = jnp.ones((dhid,), jnp.float32)
    be0 = jnp.zeros((dhid,), jnp.float32)
    W1 = jax.random.normal(k1, (dhid, dout), jnp.float32) / jnp.sqrt(dhid)
    b1 = jnp.zeros((dout,), jnp.float32)
    g1 = jnp.ones((dout,), jnp.float32)
    be1 = jnp.zeros((dout,), jnp.float32)
    return (W0, b0, g0, be0, W1, b1, g1, be1)


def setup_inputs(seed: int = 0) -> dict:
    key = jax.random.key(seed)
    x = jax.random.normal(jax.random.fold_in(key, 0), (N_NODES, D_IN), jnp.float32)
    edge_index0 = jax.random.randint(jax.random.fold_in(key, 1), (2, N_EDGES), 0, N_NODES, dtype=jnp.int32)
    enc_params = _mk_mlp_params(jax.random.fold_in(key, 2), D_IN, D_HID, D_HID)
    net_params = tuple(
        _mk_mlp_params(jax.random.fold_in(key, 3 + i), 2 * D_HID, 2 * D_HID, D_HID)
        for i in range(N_LAYER)
    )
    dec_params = _mk_mlp_params(jax.random.fold_in(key, 100), 2 * D_HID, 2 * D_HID, D_OUT)
    return {
        "x": x,
        "edge_index0": edge_index0,
        "enc_params": enc_params,
        "net_params": net_params,
        "dec_params": dec_params,
    }


def _bn(h, g, b):
    # training-mode BatchNorm1d: batch statistics over node dimension
    m = jnp.mean(h, axis=0, keepdims=True)
    v = jnp.var(h, axis=0, keepdims=True)
    return g * (h - m) / jnp.sqrt(v + BN_EPS) + b


def _mlp(h, p):
    W0, b0, g0, be0, W1, b1, g1, be1 = p
    h = jax.nn.relu(_bn(h @ W0 + b0, g0, be0))
    h = h @ W1 + b1
    h = jax.nn.relu(_bn(h, g1, be1))
    return h


def _gin(h, src, dst, p, n):
    # GINConv with eps=0: MLP((1+eps)*x_i + sum_{j in N(i)} x_j)
    agg = jax.ops.segment_sum(h[src], dst, num_segments=n)
    return _mlp(h + agg, p)


def reference(x, edge_index0, enc_params, net_params, dec_params):
    n = x.shape[0]
    src = edge_index0[0]
    dst = edge_index0[1]
    h = _gin(x, src, dst, enc_params, n)
    h = jnp.concatenate([h, h], axis=-1)
    x0 = h
    for p in net_params:
        hh = _gin(h, src, dst, p, n)
        h = jnp.concatenate([hh, hh], axis=-1)
        h = jax.nn.relu(h)
        h = x0 + h  # skip_connect=True
    out = _gin(h, src, dst, dec_params, n)
    return out

if __name__ == "__main__":
    import jax
    _d = setup_inputs()
    print(jax.jit(kernel)(*tuple(_d.values())))

</pallas_src>

<mosaic_0001>
#map = affine_map<(d0, d1) -> (0, 0, 0)>
#map1 = affine_map<(d0, d1) -> (0, 0)>
module attributes {stable_mosaic.version = 14 : i64} {
  func.func @k(%arg0: i32, %arg1: i32, %arg2: memref<2x10000x128xf32, #tpu.memory_space<hbm>>, %arg3: memref<1280x128xi32, #tpu.memory_space<hbm>>, %arg4: memref<1280x128xi32, #tpu.memory_space<hbm>>, %arg5: memref<10112x128xf32, #tpu.memory_space<hbm>>, %arg6: memref<2x10112x128xf32, #tpu.memory_space<hbm>>, %arg7: memref<80x128xi32, #tpu.memory_space<vmem>>, %arg8: memref<80x128xi32, #tpu.memory_space<vmem>>, %arg9: memref<128x128xf32, #tpu.memory_space<vmem>>, %arg10: memref<10112x128xf32, #tpu.memory_space<vmem_shared>>, %arg11: memref<!tpu.dma_semaphore, #tpu.memory_space<semaphore_mem>>) attributes {dimension_semantics = [#tpu.dimension_semantics<core_parallel>, #tpu.dimension_semantics<subcore_parallel>], iteration_bounds = array<i64: 2, 16>, scalar_prefetch = 0 : i64, scratch_operands = 5 : i64, tpu.core_type = #tpu.core_type<sc_vector_subcore>, window_params = [{transform_indices = #map}, {transform_indices = #map1}, {transform_indices = #map1}, {transform_indices = #map1}, {transform_indices = #map}]} {
    %mul3A = arith.constant 80 : i32
    %mul3A_0 = arith.muli %arg1, %mul3A : i32
    "tpu.region"() ({
      %run_scoped3A = tpu.sem_alloc : memref<!tpu.dma_semaphore, #tpu.memory_space<semaphore_mem>>
      %dma_start3A = arith.constant 0 : i32
      %dma_start3A_16 = tpu.memref_slice %arg3[%mul3A_0, %dma_start3A] : memref<1280x128xi32, #tpu.memory_space<hbm>> -> memref<80x128xi32, #tpu.memory_space<hbm>>
      %dma_start3A_17 = arith.constant 0 : i32
      %dma_start3A_18 = tpu.memref_slice %arg3[%mul3A_0, %dma_start3A_17] : memref<1280x128xi32, #tpu.memory_space<hbm>> -> memref<80x128xi32, #tpu.memory_space<hbm>>
      tpu.enqueue_dma source(%dma_start3A_18 : memref<80x128xi32, #tpu.memory_space<hbm>>) target(%arg7 : memref<80x128xi32, #tpu.memory_space<vmem>>) target_semaphore(%run_scoped3A : memref<!tpu.dma_semaphore, #tpu.memory_space<semaphore_mem>>)
      %dma_wait3A = arith.constant 0 : i32
      %dma_wait3A_19 = tpu.memref_slice %arg3[%mul3A_0, %dma_wait3A] : memref<1280x128xi32, #tpu.memory_space<hbm>> -> memref<80x128xi32, #tpu.memory_space<hbm>>
      %dma_wait3A_20 = arith.constant 0 : i32
      %dma_wait3A_21 = tpu.memref_slice %arg3[%mul3A_0, %dma_wait3A_20] : memref<1280x128xi32, #tpu.memory_space<hbm>> -> memref<80x128xi32, #tpu.memory_space<hbm>>
      tpu.wait_dma2 semaphore(%run_scoped3A : memref<!tpu.dma_semaphore, #tpu.memory_space<semaphore_mem>>) src(%dma_wait3A_21 : memref<80x128xi32, #tpu.memory_space<hbm>>) dst(%arg7 : memref<80x128xi32, #tpu.memory_space<vmem>>)
      tpu.yield
    }) : () -> ()
    %mul3A_1 = arith.constant 80 : i32
    %mul3A_2 = arith.muli %arg1, %mul3A_1 : i32
    "tpu.region"() ({
      %run_scoped3A = tpu.sem_alloc : memref<!tpu.dma_semaphore, #tpu.memory_space<semaphore_mem>>
      %dma_start3A = arith.constant 0 : i32
      %dma_start3A_16 = tpu.memref_slice %arg4[%mul3A_2, %dma_start3A] : memref<1280x128xi32, #tpu.memory_space<hbm>> -> memref<80x128xi32, #tpu.memory_space<hbm>>
      %dma_start3A_17 = arith.constant 0 : i32
      %dma_start3A_18 = tpu.memref_slice %arg4[%mul3A_2, %dma_start3A_17] : memref<1280x128xi32, #tpu.memory_space<hbm>> -> memref<80x128xi32, #tpu.memory_space<hbm>>
      tpu.enqueue_dma source(%dma_start3A_18 : memref<80x128xi32, #tpu.memory_space<hbm>>) target(%arg8 : memref<80x128xi32, #tpu.memory_space<vmem>>) target_semaphore(%run_scoped3A : memref<!tpu.dma_semaphore, #tpu.memory_space<semaphore_mem>>)
      %dma_wait3A = arith.constant 0 : i32
      %dma_wait3A_19 = tpu.memref_slice %arg4[%mul3A_2, %dma_wait3A] : memref<1280x128xi32, #tpu.memory_space<hbm>> -> memref<80x128xi32, #tpu.memory_space<hbm>>
      %dma_wait3A_20 = arith.constant 0 : i32
      %dma_wait3A_21 = tpu.memref_slice %arg4[%mul3A_2, %dma_wait3A_20] : memref<1280x128xi32, #tpu.memory_space<hbm>> -> memref<80x128xi32, #tpu.memory_space<hbm>>
      tpu.wait_dma2 semaphore(%run_scoped3A : memref<!tpu.dma_semaphore, #tpu.memory_space<semaphore_mem>>) src(%dma_wait3A_21 : memref<80x128xi32, #tpu.memory_space<hbm>>) dst(%arg8 : memref<80x128xi32, #tpu.memory_space<vmem>>)
      tpu.yield
    }) : () -> ()
    %mul3A_3 = arith.constant 632 : i32
    %mul3A_4 = arith.muli %arg1, %mul3A_3 : i32
    %mul3A_5 = arith.constant 632 : i32
    %mul3A_6 = arith.muli %arg1, %mul3A_5 : i32
    "tpu.region"() ({
      %run_scoped3A = tpu.sem_alloc : memref<!tpu.dma_semaphore, #tpu.memory_space<semaphore_mem>>
      %dma_start3A = arith.constant 0 : i32
      %dma_start3A_16 = tpu.memref_slice %arg10[%mul3A_6, %dma_start3A] : memref<10112x128xf32, #tpu.memory_space<vmem_shared>> -> memref<632x128xf32, #tpu.memory_space<vmem_shared>>
      %dma_start3A_17 = arith.constant 0 : i32
      %dma_start3A_18 = tpu.memref_slice %arg5[%mul3A_4, %dma_start3A_17] : memref<10112x128xf32, #tpu.memory_space<hbm>> -> memref<632x128xf32, #tpu.memory_space<hbm>>
      tpu.enqueue_dma source(%dma_start3A_18 : memref<632x128xf32, #tpu.memory_space<hbm>>) target(%dma_start3A_16 : memref<632x128xf32, #tpu.memory_space<vmem_shared>>) target_semaphore(%run_scoped3A : memref<!tpu.dma_semaphore, #tpu.memory_space<semaphore_mem>>)
      %dma_wait3A = arith.constant 0 : i32
      %dma_wait3A_19 = tpu.memref_slice %arg10[%mul3A_6, %dma_wait3A] : memref<10112x128xf32, #tpu.memory_space<vmem_shared>> -> memref<632x128xf32, #tpu.memory_space<vmem_shared>>
      %dma_wait3A_20 = arith.constant 0 : i32
      %dma_wait3A_21 = tpu.memref_slice %arg5[%mul3A_4, %dma_wait3A_20] : memref<10112x128xf32, #tpu.memory_space<hbm>> -> memref<632x128xf32, #tpu.memory_space<hbm>>
      tpu.wait_dma2 semaphore(%run_scoped3A : memref<!tpu.dma_semaphore, #tpu.memory_space<semaphore_mem>>) src(%dma_wait3A_21 : memref<632x128xf32, #tpu.memory_space<hbm>>) dst(%dma_wait3A_19 : memref<632x128xf32, #tpu.memory_space<vmem_shared>>)
      tpu.yield
    }) : () -> ()
    %barrier3A = arith.constant 0 : index
    tpu.barrier barrier_id(%barrier3A)
    %scan3A = arith.constant 0 : i32
    %scan3A_7 = arith.constant 80 : i32
    %scan3A_8 = arith.addi %scan3A, %scan3A_7 : i32
    %scan3A_9 = arith.constant 1 : i32
    scf.for %scan3A_16 = %scan3A to %scan3A_8 step %scan3A_9  : i32 {
      %mul3A_17 = arith.constant 1 : i32
      %mul3A_18 = arith.muli %scan3A_16, %mul3A_17 : i32
      %add3A = arith.constant 0 : i32
      %add3A_19 = arith.addi %add3A, %mul3A_18 : i32
      %dma_start3A = arith.constant 0 : i32
      %dma_start3A_20 = tpu.memref_slice %arg7[%add3A_19, %dma_start3A] : memref<80x128xi32, #tpu.memory_space<vmem>> -> memref<1x128xi32, #tpu.memory_space<vmem>>
      %dma_start3A_21 = tpu.memref_squeeze %dma_start3A_20 : memref<1x128xi32, #tpu.memory_space<vmem>> -> memref<128xi32, #tpu.memory_space<vmem>>
      %dma_start3A_22 = arith.constant 0 : i32
      %dma_start3A_23 = arith.constant 0 : i32
      %dma_start3A_24 = tpu.memref_slice %arg2[%arg0, %dma_start3A_22, %dma_start3A_23] : memref<2x10000x128xf32, #tpu.memory_space<hbm>> -> memref<1x10000x128xf32, #tpu.memory_space<hbm>>
      %dma_start3A_25 = tpu.memref_squeeze %dma_start3A_24 : memref<1x10000x128xf32, #tpu.memory_space<hbm>> -> memref<10000x128xf32, #tpu.memory_space<hbm>>
      %dma_start3A_26 = arith.constant 0 : i32
      %dma_start3A_27 = arith.constant 0 : i32
      %dma_start3A_28 = tpu.memref_slice %dma_start3A_25[%dma_start3A_26, %dma_start3A_27] : memref<10000x128xf32, #tpu.memory_space<hbm>> -> memref<10000x128xf32, #tpu.memory_space<hbm>>
      tpu.enqueue_indirect_dma source(%dma_start3A_28 : memref<10000x128xf32, #tpu.memory_space<hbm>>) target(%arg9 : memref<128x128xf32, #tpu.memory_space<vmem>>) offsets(%dma_start3A_21 : memref<128xi32, #tpu.memory_space<vmem>>) semaphore(%arg11 : memref<!tpu.dma_semaphore, #tpu.memory_space<semaphore_mem>>)
      %dma_wait3A = arith.constant 0 : i32
      %dma_wait3A_29 = tpu.memref_slice %arg7[%add3A_19, %dma_wait3A] : memref<80x128xi32, #tpu.memory_space<vmem>> -> memref<1x128xi32, #tpu.memory_space<vmem>>
      %dma_wait3A_30 = tpu.memref_squeeze %dma_wait3A_29 : memref<1x128xi32, #tpu.memory_space<vmem>> -> memref<128xi32, #tpu.memory_space<vmem>>
      %dma_wait3A_31 = arith.constant 0 : i32
      %dma_wait3A_32 = arith.constant 0 : i32
      %dma_wait3A_33 = tpu.memref_slice %arg2[%arg0, %dma_wait3A_31, %dma_wait3A_32] : memref<2x10000x128xf32, #tpu.memory_space<hbm>> -> memref<1x10000x128xf32, #tpu.memory_space<hbm>>
      %dma_wait3A_34 = tpu.memref_squeeze %dma_wait3A_33 : memref<1x10000x128xf32, #tpu.memory_space<hbm>> -> memref<10000x128xf32, #tpu.memory_space<hbm>>
      %dma_wait3A_35 = arith.constant 0 : i32
      %dma_wait3A_36 = arith.constant 0 : i32
      %dma_wait3A_37 = tpu.memref_slice %dma_wait3A_34[%dma_wait3A_35, %dma_wait3A_36] : memref<10000x128xf32, #tpu.memory_space<hbm>> -> memref<10000x128xf32, #tpu.memory_space<hbm>>
      tpu.wait_indirect_dma semaphore(%arg11 : memref<!tpu.dma_semaphore, #tpu.memory_space<semaphore_mem>>) src(%dma_wait3A_37 : memref<10000x128xf32, #tpu.memory_space<hbm>>) dst(%arg9 : memref<128x128xf32, #tpu.memory_space<vmem>>)
      "tpu.region"() ({
        %run_scoped3A = tpu.sem_alloc : memref<!tpu.dma_semaphore, #tpu.memory_space<semaphore_mem>>
        %dma_start3A_38 = arith.constant 0 : i32
        %dma_start3A_39 = tpu.memref_slice %arg8[%add3A_19, %dma_start3A_38] : memref<80x128xi32, #tpu.memory_space<vmem>> -> memref<1x128xi32, #tpu.memory_space<vmem>>
        %dma_start3A_40 = tpu.memref_squeeze %dma_start3A_39 : memref<1x128xi32, #tpu.memory_space<vmem>> -> memref<128xi32, #tpu.memory_space<vmem>>
        %dma_start3A_41 = arith.constant 0 : i32
        %dma_start3A_42 = arith.constant 0 : i32
        %dma_start3A_43 = tpu.memref_slice %arg10[%dma_start3A_41, %dma_start3A_42] : memref<10112x128xf32, #tpu.memory_space<vmem_shared>> -> memref<10112x128xf32, #tpu.memory_space<vmem_shared>>
        tpu.enqueue_indirect_dma source(%arg9 : memref<128x128xf32, #tpu.memory_space<vmem>>) target(%dma_start3A_43 : memref<10112x128xf32, #tpu.memory_space<vmem_shared>>) offsets(%dma_start3A_40 : memref<128xi32, #tpu.memory_space<vmem>>) semaphore(%run_scoped3A : memref<!tpu.dma_semaphore, #tpu.memory_space<semaphore_mem>>) {add = true}
        %dma_wait3A_44 = arith.constant 0 : i32
        %dma_wait3A_45 = tpu.memref_slice %arg8[%add3A_19, %dma_wait3A_44] : memref<80x128xi32, #tpu.memory_space<vmem>> -> memref<1x128xi32, #tpu.memory_space<vmem>>
        %dma_wait3A_46 = tpu.memref_squeeze %dma_wait3A_45 : memref<1x128xi32, #tpu.memory_space<vmem>> -> memref<128xi32, #tpu.memory_space<vmem>>
        %dma_wait3A_47 = arith.constant 0 : i32
        %dma_wait3A_48 = arith.constant 0 : i32
        %dma_wait3A_49 = tpu.memref_slice %arg10[%dma_wait3A_47, %dma_wait3A_48] : memref<10112x128xf32, #tpu.memory_space<vmem_shared>> -> memref<10112x128xf32, #tpu.memory_space<vmem_shared>>
        tpu.wait_indirect_dma semaphore(%run_scoped3A : memref<!tpu.dma_semaphore, #tpu.memory_space<semaphore_mem>>) src(%arg9 : memref<128x128xf32, #tpu.memory_space<vmem>>) dst(%dma_wait3A_49 : memref<10112x128xf32, #tpu.memory_space<vmem_shared>>)
        tpu.yield
      }) : () -> ()
    }
    %scan3A_10 = arith.constant 80 : i32
    %barrier3A_11 = arith.constant 0 : index
    tpu.barrier barrier_id(%barrier3A_11)
    %mul3A_12 = arith.constant 632 : i32
    %mul3A_13 = arith.muli %arg1, %mul3A_12 : i32
    %mul3A_14 = arith.constant 632 : i32
    %mul3A_15 = arith.muli %arg1, %mul3A_14 : i32
    "tpu.region"() ({
      %run_scoped3A = tpu.sem_alloc : memref<!tpu.dma_semaphore, #tpu.memory_space<semaphore_mem>>
      %dma_start3A = arith.constant 0 : i32
      %dma_start3A_16 = arith.constant 0 : i32
      %dma_start3A_17 = tpu.memref_slice %arg6[%arg0, %dma_start3A, %dma_start3A_16] : memref<2x10112x128xf32, #tpu.memory_space<hbm>> -> memref<1x10112x128xf32, #tpu.memory_space<hbm>>
      %dma_start3A_18 = tpu.memref_squeeze %dma_start3A_17 : memref<1x10112x128xf32, #tpu.memory_space<hbm>> -> memref<10112x128xf32, #tpu.memory_space<hbm>>
      %dma_start3A_19 = arith.constant 0 : i32
      %dma_start3A_20 = tpu.memref_slice %dma_start3A_18[%mul3A_15, %dma_start3A_19] : memref<10112x128xf32, #tpu.memory_space<hbm>> -> memref<632x128xf32, #tpu.memory_space<hbm>>
      %dma_start3A_21 = arith.constant 0 : i32
      %dma_start3A_22 = tpu.memref_slice %arg10[%mul3A_13, %dma_start3A_21] : memref<10112x128xf32, #tpu.memory_space<vmem_shared>> -> memref<632x128xf32, #tpu.memory_space<vmem_shared>>
      tpu.enqueue_dma source(%dma_start3A_22 : memref<632x128xf32, #tpu.memory_space<vmem_shared>>) target(%dma_start3A_20 : memref<632x128xf32, #tpu.memory_space<hbm>>) target_semaphore(%run_scoped3A : memref<!tpu.dma_semaphore, #tpu.memory_space<semaphore_mem>>)
      %dma_wait3A = arith.constant 0 : i32
      %dma_wait3A_23 = arith.constant 0 : i32
      %dma_wait3A_24 = tpu.memref_slice %arg6[%arg0, %dma_wait3A, %dma_wait3A_23] : memref<2x10112x128xf32, #tpu.memory_space<hbm>> -> memref<1x10112x128xf32, #tpu.memory_space<hbm>>
      %dma_wait3A_25 = tpu.memref_squeeze %dma_wait3A_24 : memref<1x10112x128xf32, #tpu.memory_space<hbm>> -> memref<10112x128xf32, #tpu.memory_space<hbm>>
      %dma_wait3A_26 = arith.constant 0 : i32
      %dma_wait3A_27 = tpu.memref_slice %dma_wait3A_25[%mul3A_15, %dma_wait3A_26] : memref<10112x128xf32, #tpu.memory_space<hbm>> -> memref<632x128xf32, #tpu.memory_space<hbm>>
      %dma_wait3A_28 = arith.constant 0 : i32
      %dma_wait3A_29 = tpu.memref_slice %arg10[%mul3A_13, %dma_wait3A_28] : memref<10112x128xf32, #tpu.memory_space<vmem_shared>> -> memref<632x128xf32, #tpu.memory_space<vmem_shared>>
      tpu.wait_dma2 semaphore(%run_scoped3A : memref<!tpu.dma_semaphore, #tpu.memory_space<semaphore_mem>>) src(%dma_wait3A_29 : memref<632x128xf32, #tpu.memory_space<vmem_shared>>) dst(%dma_wait3A_27 : memref<632x128xf32, #tpu.memory_space<hbm>>)
      tpu.yield
    }) : () -> ()
    return
  }
}

#map = affine_map<(d0, d1) -> (0, 0, 0)>
#map1 = affine_map<(d0, d1) -> (0, 0)>
module attributes {stable_mosaic.version = 14 : i64} {
  func.func @k(%arg0: i32, %arg1: i32, %arg2: memref<2x10000x128xf32, #tpu.memory_space<hbm>>, %arg3: memref<1280x128xi32, #tpu.memory_space<hbm>>, %arg4: memref<1280x128xi32, #tpu.memory_space<hbm>>, %arg5: memref<10112x128xf32, #tpu.memory_space<hbm>>, %arg6: memref<2x10112x128xf32, #tpu.memory_space<hbm>>, %arg7: memref<80x128xi32, #tpu.memory_space<vmem>>, %arg8: memref<80x128xi32, #tpu.memory_space<vmem>>, %arg9: memref<128x128xf32, #tpu.memory_space<vmem>>, %arg10: memref<10112x128xf32, #tpu.memory_space<vmem_shared>>, %arg11: memref<!tpu.dma_semaphore, #tpu.memory_space<semaphore_mem>>) attributes {dimension_semantics = [#tpu.dimension_semantics<core_parallel>, #tpu.dimension_semantics<subcore_parallel>], iteration_bounds = array<i64: 2, 16>, scalar_prefetch = 0 : i64, scratch_operands = 5 : i64, tpu.core_type = #tpu.core_type<sc_vector_subcore>, window_params = [{transform_indices = #map}, {transform_indices = #map1}, {transform_indices = #map1}, {transform_indices = #map1}, {transform_indices = #map}]} {
    %mul3A = arith.constant 80 : i32
    %mul3A_0 = arith.muli %arg1, %mul3A : i32
    "tpu.region"() ({
      %run_scoped3A = tpu.sem_alloc : memref<!tpu.dma_semaphore, #tpu.memory_space<semaphore_mem>>
      %dma_start3A = arith.constant 0 : i32
      %dma_start3A_16 = tpu.memref_slice %arg3[%mul3A_0, %dma_start3A] : memref<1280x128xi32, #tpu.memory_space<hbm>> -> memref<80x128xi32, #tpu.memory_space<hbm>>
      %dma_start3A_17 = arith.constant 0 : i32
      %dma_start3A_18 = tpu.memref_slice %arg3[%mul3A_0, %dma_start3A_17] : memref<1280x128xi32, #tpu.memory_space<hbm>> -> memref<80x128xi32, #tpu.memory_space<hbm>>
      tpu.enqueue_dma source(%dma_start3A_18 : memref<80x128xi32, #tpu.memory_space<hbm>>) target(%arg7 : memref<80x128xi32, #tpu.memory_space<vmem>>) target_semaphore(%run_scoped3A : memref<!tpu.dma_semaphore, #tpu.memory_space<semaphore_mem>>)
      %dma_wait3A = arith.constant 0 : i32
      %dma_wait3A_19 = tpu.memref_slice %arg3[%mul3A_0, %dma_wait3A] : memref<1280x128xi32, #tpu.memory_space<hbm>> -> memref<80x128xi32, #tpu.memory_space<hbm>>
      %dma_wait3A_20 = arith.constant 0 : i32
      %dma_wait3A_21 = tpu.memref_slice %arg3[%mul3A_0, %dma_wait3A_20] : memref<1280x128xi32, #tpu.memory_space<hbm>> -> memref<80x128xi32, #tpu.memory_space<hbm>>
      tpu.wait_dma2 semaphore(%run_scoped3A : memref<!tpu.dma_semaphore, #tpu.memory_space<semaphore_mem>>) src(%dma_wait3A_21 : memref<80x128xi32, #tpu.memory_space<hbm>>) dst(%arg7 : memref<80x128xi32, #tpu.memory_space<vmem>>)
      tpu.yield
    }) : () -> ()
    %mul3A_1 = arith.constant 80 : i32
    %mul3A_2 = arith.muli %arg1, %mul3A_1 : i32
    "tpu.region"() ({
      %run_scoped3A = tpu.sem_alloc : memref<!tpu.dma_semaphore, #tpu.memory_space<semaphore_mem>>
      %dma_start3A = arith.constant 0 : i32
      %dma_start3A_16 = tpu.memref_slice %arg4[%mul3A_2, %dma_start3A] : memref<1280x128xi32, #tpu.memory_space<hbm>> -> memref<80x128xi32, #tpu.memory_space<hbm>>
      %dma_start3A_17 = arith.constant 0 : i32
      %dma_start3A_18 = tpu.memref_slice %arg4[%mul3A_2, %dma_start3A_17] : memref<1280x128xi32, #tpu.memory_space<hbm>> -> memref<80x128xi32, #tpu.memory_space<hbm>>
      tpu.enqueue_dma source(%dma_start3A_18 : memref<80x128xi32, #tpu.memory_space<hbm>>) target(%arg8 : memref<80x128xi32, #tpu.memory_space<vmem>>) target_semaphore(%run_scoped3A : memref<!tpu.dma_semaphore, #tpu.memory_space<semaphore_mem>>)
      %dma_wait3A = arith.constant 0 : i32
      %dma_wait3A_19 = tpu.memref_slice %arg4[%mul3A_2, %dma_wait3A] : memref<1280x128xi32, #tpu.memory_space<hbm>> -> memref<80x128xi32, #tpu.memory_space<hbm>>
      %dma_wait3A_20 = arith.constant 0 : i32
      %dma_wait3A_21 = tpu.memref_slice %arg4[%mul3A_2, %dma_wait3A_20] : memref<1280x128xi32, #tpu.memory_space<hbm>> -> memref<80x128xi32, #tpu.memory_space<hbm>>
      tpu.wait_dma2 semaphore(%run_scoped3A : memref<!tpu.dma_semaphore, #tpu.memory_space<semaphore_mem>>) src(%dma_wait3A_21 : memref<80x128xi32, #tpu.memory_space<hbm>>) dst(%arg8 : memref<80x128xi32, #tpu.memory_space<vmem>>)
      tpu.yield
    }) : () -> ()
    %mul3A_3 = arith.constant 632 : i32
    %mul3A_4 = arith.muli %arg1, %mul3A_3 : i32
    %mul3A_5 = arith.constant 632 : i32
    %mul3A_6 = arith.muli %arg1, %mul3A_5 : i32
    "tpu.region"() ({
      %run_scoped3A = tpu.sem_alloc : memref<!tpu.dma_semaphore, #tpu.memory_space<semaphore_mem>>
      %dma_start3A = arith.constant 0 : i32
      %dma_start3A_16 = tpu.memref_slice %arg10[%mul3A_6, %dma_start3A] : memref<10112x128xf32, #tpu.memory_space<vmem_shared>> -> memref<632x128xf32, #tpu.memory_space<vmem_shared>>
      %dma_start3A_17 = arith.constant 0 : i32
      %dma_start3A_18 = tpu.memref_slice %arg5[%mul3A_4, %dma_start3A_17] : memref<10112x128xf32, #tpu.memory_space<hbm>> -> memref<632x128xf32, #tpu.memory_space<hbm>>
      tpu.enqueue_dma source(%dma_start3A_18 : memref<632x128xf32, #tpu.memory_space<hbm>>) target(%dma_start3A_16 : memref<632x128xf32, #tpu.memory_space<vmem_shared>>) target_semaphore(%run_scoped3A : memref<!tpu.dma_semaphore, #tpu.memory_space<semaphore_mem>>)
      %dma_wait3A = arith.constant 0 : i32
      %dma_wait3A_19 = tpu.memref_slice %arg10[%mul3A_6, %dma_wait3A] : memref<10112x128xf32, #tpu.memory_space<vmem_shared>> -> memref<632x128xf32, #tpu.memory_space<vmem_shared>>
      %dma_wait3A_20 = arith.constant 0 : i32
      %dma_wait3A_21 = tpu.memref_slice %arg5[%mul3A_4, %dma_wait3A_20] : memref<10112x128xf32, #tpu.memory_space<hbm>> -> memref<632x128xf32, #tpu.memory_space<hbm>>
      tpu.wait_dma2 semaphore(%run_scoped3A : memref<!tpu.dma_semaphore, #tpu.memory_space<semaphore_mem>>) src(%dma_wait3A_21 : memref<632x128xf32, #tpu.memory_space<hbm>>) dst(%dma_wait3A_19 : memref<632x128xf32, #tpu.memory_space<vmem_shared>>)
      tpu.yield
    }) : () -> ()
    %barrier3A = arith.constant 0 : index
    tpu.barrier barrier_id(%barrier3A)
    %scan3A = arith.constant 0 : i32
    %scan3A_7 = arith.constant 80 : i32
    %scan3A_8 = arith.addi %scan3A, %scan3A_7 : i32
    %scan3A_9 = arith.constant 1 : i32
    scf.for %scan3A_16 = %scan3A to %scan3A_8 step %scan3A_9  : i32 {
      %mul3A_17 = arith.constant 1 : i32
      %mul3A_18 = arith.muli %scan3A_16, %mul3A_17 : i32
      %add3A = arith.constant 0 : i32
      %add3A_19 = arith.addi %add3A, %mul3A_18 : i32
      %dma_start3A = arith.constant 0 : i32
      %dma_start3A_20 = tpu.memref_slice %arg7[%add3A_19, %dma_start3A] : memref<80x128xi32, #tpu.memory_space<vmem>> -> memref<1x128xi32, #tpu.memory_space<vmem>>
      %dma_start3A_21 = tpu.memref_squeeze %dma_start3A_20 : memref<1x128xi32, #tpu.memory_space<vmem>> -> memref<128xi32, #tpu.memory_space<vmem>>
      %dma_start3A_22 = arith.constant 0 : i32
      %dma_start3A_23 = arith.constant 0 : i32
      %dma_start3A_24 = tpu.memref_slice %arg2[%arg0, %dma_start3A_22, %dma_start3A_23] : memref<2x10000x128xf32, #tpu.memory_space<hbm>> -> memref<1x10000x128xf32, #tpu.memory_space<hbm>>
      %dma_start3A_25 = tpu.memref_squeeze %dma_start3A_24 : memref<1x10000x128xf32, #tpu.memory_space<hbm>> -> memref<10000x128xf32, #tpu.memory_space<hbm>>
      %dma_start3A_26 = arith.constant 0 : i32
      %dma_start3A_27 = arith.constant 0 : i32
      %dma_start3A_28 = tpu.memref_slice %dma_start3A_25[%dma_start3A_26, %dma_start3A_27] : memref<10000x128xf32, #tpu.memory_space<hbm>> -> memref<10000x128xf32, #tpu.memory_space<hbm>>
      tpu.enqueue_indirect_dma source(%dma_start3A_28 : memref<10000x128xf32, #tpu.memory_space<hbm>>) target(%arg9 : memref<128x128xf32, #tpu.memory_space<vmem>>) offsets(%dma_start3A_21 : memref<128xi32, #tpu.memory_space<vmem>>) semaphore(%arg11 : memref<!tpu.dma_semaphore, #tpu.memory_space<semaphore_mem>>)
      %dma_wait3A = arith.constant 0 : i32
      %dma_wait3A_29 = tpu.memref_slice %arg7[%add3A_19, %dma_wait3A] : memref<80x128xi32, #tpu.memory_space<vmem>> -> memref<1x128xi32, #tpu.memory_space<vmem>>
      %dma_wait3A_30 = tpu.memref_squeeze %dma_wait3A_29 : memref<1x128xi32, #tpu.memory_space<vmem>> -> memref<128xi32, #tpu.memory_space<vmem>>
      %dma_wait3A_31 = arith.constant 0 : i32
      %dma_wait3A_32 = arith.constant 0 : i32
      %dma_wait3A_33 = tpu.memref_slice %arg2[%arg0, %dma_wait3A_31, %dma_wait3A_32] : memref<2x10000x128xf32, #tpu.memory_space<hbm>> -> memref<1x10000x128xf32, #tpu.memory_space<hbm>>
      %dma_wait3A_34 = tpu.memref_squeeze %dma_wait3A_33 : memref<1x10000x128xf32, #tpu.memory_space<hbm>> -> memref<10000x128xf32, #tpu.memory_space<hbm>>
      %dma_wait3A_35 = arith.constant 0 : i32
      %dma_wait3A_36 = arith.constant 0 : i32
      %dma_wait3A_37 = tpu.memref_slice %dma_wait3A_34[%dma_wait3A_35, %dma_wait3A_36] : memref<10000x128xf32, #tpu.memory_space<hbm>> -> memref<10000x128xf32, #tpu.memory_space<hbm>>
      tpu.wait_indirect_dma semaphore(%arg11 : memref<!tpu.dma_semaphore, #tpu.memory_space<semaphore_mem>>) src(%dma_wait3A_37 : memref<10000x128xf32, #tpu.memory_space<hbm>>) dst(%arg9 : memref<128x128xf32, #tpu.memory_space<vmem>>)
      "tpu.region"() ({
        %run_scoped3A = tpu.sem_alloc : memref<!tpu.dma_semaphore, #tpu.memory_space<semaphore_mem>>
        %dma_start3A_38 = arith.constant 0 : i32
        %dma_start3A_39 = tpu.memref_slice %arg8[%add3A_19, %dma_start3A_38] : memref<80x128xi32, #tpu.memory_space<vmem>> -> memref<1x128xi32, #tpu.memory_space<vmem>>
        %dma_start3A_40 = tpu.memref_squeeze %dma_start3A_39 : memref<1x128xi32, #tpu.memory_space<vmem>> -> memref<128xi32, #tpu.memory_space<vmem>>
        %dma_start3A_41 = arith.constant 0 : i32
        %dma_start3A_42 = arith.constant 0 : i32
        %dma_start3A_43 = tpu.memref_slice %arg10[%dma_start3A_41, %dma_start3A_42] : memref<10112x128xf32, #tpu.memory_space<vmem_shared>> -> memref<10112x128xf32, #tpu.memory_space<vmem_shared>>
        tpu.enqueue_indirect_dma source(%arg9 : memref<128x128xf32, #tpu.memory_space<vmem>>) target(%dma_start3A_43 : memref<10112x128xf32, #tpu.memory_space<vmem_shared>>) offsets(%dma_start3A_40 : memref<128xi32, #tpu.memory_space<vmem>>) semaphore(%run_scoped3A : memref<!tpu.dma_semaphore, #tpu.memory_space<semaphore_mem>>) {add = true}
        %dma_wait3A_44 = arith.constant 0 : i32
        %dma_wait3A_45 = tpu.memref_slice %arg8[%add3A_19, %dma_wait3A_44] : memref<80x128xi32, #tpu.memory_space<vmem>> -> memref<1x128xi32, #tpu.memory_space<vmem>>
        %dma_wait3A_46 = tpu.memref_squeeze %dma_wait3A_45 : memref<1x128xi32, #tpu.memory_space<vmem>> -> memref<128xi32, #tpu.memory_space<vmem>>
        %dma_wait3A_47 = arith.constant 0 : i32
        %dma_wait3A_48 = arith.constant 0 : i32
        %dma_wait3A_49 = tpu.memref_slice %arg10[%dma_wait3A_47, %dma_wait3A_48] : memref<10112x128xf32, #tpu.memory_space<vmem_shared>> -> memref<10112x128xf32, #tpu.memory_space<vmem_shared>>
        tpu.wait_indirect_dma semaphore(%run_scoped3A : memref<!tpu.dma_semaphore, #tpu.memory_space<semaphore_mem>>) src(%arg9 : memref<128x128xf32, #tpu.memory_space<vmem>>) dst(%dma_wait3A_49 : memref<10112x128xf32, #tpu.memory_space<vmem_shared>>)
        tpu.yield
      }) : () -> ()
    }
    %scan3A_10 = arith.constant 80 : i32
    %barrier3A_11 = arith.constant 0 : index
    tpu.barrier barrier_id(%barrier3A_11)
    %mul3A_12 = arith.constant 632 : i32
    %mul3A_13 = arith.muli %arg1, %mul3A_12 : i32
    %mul3A_14 = arith.constant 632 : i32
    %mul3A_15 = arith.muli %arg1, %mul3A_14 : i32
    "tpu.region"() ({
      %run_scoped3A = tpu.sem_alloc : memref<!tpu.dma_semaphore, #tpu.memory_space<semaphore_mem>>
      %dma_start3A = arith.constant 0 : i32
      %dma_start3A_16 = arith.constant 0 : i32
      %dma_start3A_17 = tpu.memref_slice %arg6[%arg0, %dma_start3A, %dma_start3A_16] : memref<2x10112x128xf32, #tpu.memory_space<hbm>> -> memref<1x10112x128xf32, #tpu.memory_space<hbm>>
      %dma_start3A_18 = tpu.memref_squeeze %dma_start3A_17 : memref<1x10112x128xf32, #tpu.memory_space<hbm>> -> memref<10112x128xf32, #tpu.memory_space<hbm>>
      %dma_start3A_19 = arith.constant 0 : i32
      %dma_start3A_20 = tpu.memref_slice %dma_start3A_18[%mul3A_15, %dma_start3A_19] : memref<10112x128xf32, #tpu.memory_space<hbm>> -> memref<632x128xf32, #tpu.memory_space<hbm>>
      %dma_start3A_21 = arith.constant 0 : i32
      %dma_start3A_22 = tpu.memref_slice %arg10[%mul3A_13, %dma_start3A_21] : memref<10112x128xf32, #tpu.memory_space<vmem_shared>> -> memref<632x128xf32, #tpu.memory_space<vmem_shared>>
      tpu.enqueue_dma source(%dma_start3A_22 : memref<632x128xf32, #tpu.memory_space<vmem_shared>>) target(%dma_start3A_20 : memref<632x128xf32, #tpu.memory_space<hbm>>) target_semaphore(%run_scoped3A : memref<!tpu.dma_semaphore, #tpu.memory_space<semaphore_mem>>)
      %dma_wait3A = arith.constant 0 : i32
      %dma_wait3A_23 = arith.constant 0 : i32
      %dma_wait3A_24 = tpu.memref_slice %arg6[%arg0, %dma_wait3A, %dma_wait3A_23] : memref<2x10112x128xf32, #tpu.memory_space<hbm>> -> memref<1x10112x128xf32, #tpu.memory_space<hbm>>
      %dma_wait3A_25 = tpu.memref_squeeze %dma_wait3A_24 : memref<1x10112x128xf32, #tpu.memory_space<hbm>> -> memref<10112x128xf32, #tpu.memory_space<hbm>>
      %dma_wait3A_26 = arith.constant 0 : i32
      %dma_wait3A_27 = tpu.memref_slice %dma_wait3A_25[%mul3A_15, %dma_wait3A_26] : memref<10112x128xf32, #tpu.memory_space<hbm>> -> memref<632x128xf32, #tpu.memory_space<hbm>>
      %dma_wait3A_28 = arith.constant 0 : i32
      %dma_wait3A_29 = tpu.memref_slice %arg10[%mul3A_13, %dma_wait3A_28] : memref<10112x128xf32, #tpu.memory_space<vmem_shared>> -> memref<632x128xf32, #tpu.memory_space<vmem_shared>>
      tpu.wait_dma2 semaphore(%run_scoped3A : memref<!tpu.dma_semaphore, #tpu.memory_space<semaphore_mem>>) src(%dma_wait3A_29 : memref<632x128xf32, #tpu.memory_space<vmem_shared>>) dst(%dma_wait3A_27 : memref<632x128xf32, #tpu.memory_space<hbm>>)
      tpu.yield
    }) : () -> ()
    return
  }
}

#map = affine_map<(d0, d1) -> (0, 0, 0)>
#map1 = affine_map<(d0, d1) -> (0, 0)>
module attributes {stable_mosaic.version = 14 : i64} {
  func.func @k(%arg0: i32, %arg1: i32, %arg2: memref<2x10000x128xf32, #tpu.memory_space<hbm>>, %arg3: memref<1280x128xi32, #tpu.memory_space<hbm>>, %arg4: memref<1280x128xi32, #tpu.memory_space<hbm>>, %arg5: memref<10112x128xf32, #tpu.memory_space<hbm>>, %arg6: memref<2x10112x128xf32, #tpu.memory_space<hbm>>, %arg7: memref<80x128xi32, #tpu.memory_space<vmem>>, %arg8: memref<80x128xi32, #tpu.memory_space<vmem>>, %arg9: memref<128x128xf32, #tpu.memory_space<vmem>>, %arg10: memref<10112x128xf32, #tpu.memory_space<vmem_shared>>, %arg11: memref<!tpu.dma_semaphore, #tpu.memory_space<semaphore_mem>>) attributes {dimension_semantics = [#tpu.dimension_semantics<core_parallel>, #tpu.dimension_semantics<subcore_parallel>], iteration_bounds = array<i64: 2, 16>, scalar_prefetch = 0 : i64, scratch_operands = 5 : i64, tpu.core_type = #tpu.core_type<sc_vector_subcore>, window_params = [{transform_indices = #map}, {transform_indices = #map1}, {transform_indices = #map1}, {transform_indices = #map1}, {transform_indices = #map}]} {
    %mul3A = arith.constant 80 : i32
    %mul3A_0 = arith.muli %arg1, %mul3A : i32
    "tpu.region"() ({
      %run_scoped3A = tpu.sem_alloc : memref<!tpu.dma_semaphore, #tpu.memory_space<semaphore_mem>>
      %dma_start3A = arith.constant 0 : i32
      %dma_start3A_16 = tpu.memref_slice %arg3[%mul3A_0, %dma_start3A] : memref<1280x128xi32, #tpu.memory_space<hbm>> -> memref<80x128xi32, #tpu.memory_space<hbm>>
      %dma_start3A_17 = arith.constant 0 : i32
      %dma_start3A_18 = tpu.memref_slice %arg3[%mul3A_0, %dma_start3A_17] : memref<1280x128xi32, #tpu.memory_space<hbm>> -> memref<80x128xi32, #tpu.memory_space<hbm>>
      tpu.enqueue_dma source(%dma_start3A_18 : memref<80x128xi32, #tpu.memory_space<hbm>>) target(%arg7 : memref<80x128xi32, #tpu.memory_space<vmem>>) target_semaphore(%run_scoped3A : memref<!tpu.dma_semaphore, #tpu.memory_space<semaphore_mem>>)
      %dma_wait3A = arith.constant 0 : i32
      %dma_wait3A_19 = tpu.memref_slice %arg3[%mul3A_0, %dma_wait3A] : memref<1280x128xi32, #tpu.memory_space<hbm>> -> memref<80x128xi32, #tpu.memory_space<hbm>>
      %dma_wait3A_20 = arith.constant 0 : i32
      %dma_wait3A_21 = tpu.memref_slice %arg3[%mul3A_0, %dma_wait3A_20] : memref<1280x128xi32, #tpu.memory_space<hbm>> -> memref<80x128xi32, #tpu.memory_space<hbm>>
      tpu.wait_dma2 semaphore(%run_scoped3A : memref<!tpu.dma_semaphore, #tpu.memory_space<semaphore_mem>>) src(%dma_wait3A_21 : memref<80x128xi32, #tpu.memory_space<hbm>>) dst(%arg7 : memref<80x128xi32, #tpu.memory_space<vmem>>)
      tpu.yield
    }) : () -> ()
    %mul3A_1 = arith.constant 80 : i32
    %mul3A_2 = arith.muli %arg1, %mul3A_1 : i32
    "tpu.region"() ({
      %run_scoped3A = tpu.sem_alloc : memref<!tpu.dma_semaphore, #tpu.memory_space<semaphore_mem>>
      %dma_start3A = arith.constant 0 : i32
      %dma_start3A_16 = tpu.memref_slice %arg4[%mul3A_2, %dma_start3A] : memref<1280x128xi32, #tpu.memory_space<hbm>> -> memref<80x128xi32, #tpu.memory_space<hbm>>
      %dma_start3A_17 = arith.constant 0 : i32
      %dma_start3A_18 = tpu.memref_slice %arg4[%mul3A_2, %dma_start3A_17] : memref<1280x128xi32, #tpu.memory_space<hbm>> -> memref<80x128xi32, #tpu.memory_space<hbm>>
      tpu.enqueue_dma source(%dma_start3A_18 : memref<80x128xi32, #tpu.memory_space<hbm>>) target(%arg8 : memref<80x128xi32, #tpu.memory_space<vmem>>) target_semaphore(%run_scoped3A : memref<!tpu.dma_semaphore, #tpu.memory_space<semaphore_mem>>)
      %dma_wait3A = arith.constant 0 : i32
      %dma_wait3A_19 = tpu.memref_slice %arg4[%mul3A_2, %dma_wait3A] : memref<1280x128xi32, #tpu.memory_space<hbm>> -> memref<80x128xi32, #tpu.memory_space<hbm>>
      %dma_wait3A_20 = arith.constant 0 : i32
      %dma_wait3A_21 = tpu.memref_slice %arg4[%mul3A_2, %dma_wait3A_20] : memref<1280x128xi32, #tpu.memory_space<hbm>> -> memref<80x128xi32, #tpu.memory_space<hbm>>
      tpu.wait_dma2 semaphore(%run_scoped3A : memref<!tpu.dma_semaphore, #tpu.memory_space<semaphore_mem>>) src(%dma_wait3A_21 : memref<80x128xi32, #tpu.memory_space<hbm>>) dst(%arg8 : memref<80x128xi32, #tpu.memory_space<vmem>>)
      tpu.yield
    }) : () -> ()
    %mul3A_3 = arith.constant 632 : i32
    %mul3A_4 = arith.muli %arg1, %mul3A_3 : i32
    %mul3A_5 = arith.constant 632 : i32
    %mul3A_6 = arith.muli %arg1, %mul3A_5 : i32
    "tpu.region"() ({
      %run_scoped3A = tpu.sem_alloc : memref<!tpu.dma_semaphore, #tpu.memory_space<semaphore_mem>>
      %dma_start3A = arith.constant 0 : i32
      %dma_start3A_16 = tpu.memref_slice %arg10[%mul3A_6, %dma_start3A] : memref<10112x128xf32, #tpu.memory_space<vmem_shared>> -> memref<632x128xf32, #tpu.memory_space<vmem_shared>>
      %dma_start3A_17 = arith.constant 0 : i32
      %dma_start3A_18 = tpu.memref_slice %arg5[%mul3A_4, %dma_start3A_17] : memref<10112x128xf32, #tpu.memory_space<hbm>> -> memref<632x128xf32, #tpu.memory_space<hbm>>
      tpu.enqueue_dma source(%dma_start3A_18 : memref<632x128xf32, #tpu.memory_space<hbm>>) target(%dma_start3A_16 : memref<632x128xf32, #tpu.memory_space<vmem_shared>>) target_semaphore(%run_scoped3A : memref<!tpu.dma_semaphore, #tpu.memory_space<semaphore_mem>>)
      %dma_wait3A = arith.constant 0 : i32
      %dma_wait3A_19 = tpu.memref_slice %arg10[%mul3A_6, %dma_wait3A] : memref<10112x128xf32, #tpu.memory_space<vmem_shared>> -> memref<632x128xf32, #tpu.memory_space<vmem_shared>>
      %dma_wait3A_20 = arith.constant 0 : i32
      %dma_wait3A_21 = tpu.memref_slice %arg5[%mul3A_4, %dma_wait3A_20] : memref<10112x128xf32, #tpu.memory_space<hbm>> -> memref<632x128xf32, #tpu.memory_space<hbm>>
      tpu.wait_dma2 semaphore(%run_scoped3A : memref<!tpu.dma_semaphore, #tpu.memory_space<semaphore_mem>>) src(%dma_wait3A_21 : memref<632x128xf32, #tpu.memory_space<hbm>>) dst(%dma_wait3A_19 : memref<632x128xf32, #tpu.memory_space<vmem_shared>>)
      tpu.yield
    }) : () -> ()
    %barrier3A = arith.constant 0 : index
    tpu.barrier barrier_id(%barrier3A)
    %scan3A = arith.constant 0 : i32
    %scan3A_7 = arith.constant 80 : i32
    %scan3A_8 = arith.addi %scan3A, %scan3A_7 : i32
    %scan3A_9 = arith.constant 1 : i32
    scf.for %scan3A_16 = %scan3A to %scan3A_8 step %scan3A_9  : i32 {
      %mul3A_17 = arith.constant 1 : i32
      %mul3A_18 = arith.muli %scan3A_16, %mul3A_17 : i32
      %add3A = arith.constant 0 : i32
      %add3A_19 = arith.addi %add3A, %mul3A_18 : i32
      %dma_start3A = arith.constant 0 : i32
      %dma_start3A_20 = tpu.memref_slice %arg7[%add3A_19, %dma_start3A] : memref<80x128xi32, #tpu.memory_space<vmem>> -> memref<1x128xi32, #tpu.memory_space<vmem>>
      %dma_start3A_21 = tpu.memref_squeeze %dma_start3A_20 : memref<1x128xi32, #tpu.memory_space<vmem>> -> memref<128xi32, #tpu.memory_space<vmem>>
      %dma_start3A_22 = arith.constant 0 : i32
      %dma_start3A_23 = arith.constant 0 : i32
      %dma_start3A_24 = tpu.memref_slice %arg2[%arg0, %dma_start3A_22, %dma_start3A_23] : memref<2x10000x128xf32, #tpu.memory_space<hbm>> -> memref<1x10000x128xf32, #tpu.memory_space<hbm>>
      %dma_start3A_25 = tpu.memref_squeeze %dma_start3A_24 : memref<1x10000x128xf32, #tpu.memory_space<hbm>> -> memref<10000x128xf32, #tpu.memory_space<hbm>>
      %dma_start3A_26 = arith.constant 0 : i32
      %dma_start3A_27 = arith.constant 0 : i32
      %dma_start3A_28 = tpu.memref_slice %dma_start3A_25[%dma_start3A_26, %dma_start3A_27] : memref<10000x128xf32, #tpu.memory_space<hbm>> -> memref<10000x128xf32, #tpu.memory_space<hbm>>
      tpu.enqueue_indirect_dma source(%dma_start3A_28 : memref<10000x128xf32, #tpu.memory_space<hbm>>) target(%arg9 : memref<128x128xf32, #tpu.memory_space<vmem>>) offsets(%dma_start3A_21 : memref<128xi32, #tpu.memory_space<vmem>>) semaphore(%arg11 : memref<!tpu.dma_semaphore, #tpu.memory_space<semaphore_mem>>)
      %dma_wait3A = arith.constant 0 : i32
      %dma_wait3A_29 = tpu.memref_slice %arg7[%add3A_19, %dma_wait3A] : memref<80x128xi32, #tpu.memory_space<vmem>> -> memref<1x128xi32, #tpu.memory_space<vmem>>
      %dma_wait3A_30 = tpu.memref_squeeze %dma_wait3A_29 : memref<1x128xi32, #tpu.memory_space<vmem>> -> memref<128xi32, #tpu.memory_space<vmem>>
      %dma_wait3A_31 = arith.constant 0 : i32
      %dma_wait3A_32 = arith.constant 0 : i32
      %dma_wait3A_33 = tpu.memref_slice %arg2[%arg0, %dma_wait3A_31, %dma_wait3A_32] : memref<2x10000x128xf32, #tpu.memory_space<hbm>> -> memref<1x10000x128xf32, #tpu.memory_space<hbm>>
      %dma_wait3A_34 = tpu.memref_squeeze %dma_wait3A_33 : memref<1x10000x128xf32, #tpu.memory_space<hbm>> -> memref<10000x128xf32, #tpu.memory_space<hbm>>
      %dma_wait3A_35 = arith.constant 0 : i32
      %dma_wait3A_36 = arith.constant 0 : i32
      %dma_wait3A_37 = tpu.memref_slice %dma_wait3A_34[%dma_wait3A_35, %dma_wait3A_36] : memref<10000x128xf32, #tpu.memory_space<hbm>> -> memref<10000x128xf32, #tpu.memory_space<hbm>>
      tpu.wait_indirect_dma semaphore(%arg11 : memref<!tpu.dma_semaphore, #tpu.memory_space<semaphore_mem>>) src(%dma_wait3A_37 : memref<10000x128xf32, #tpu.memory_space<hbm>>) dst(%arg9 : memref<128x128xf32, #tpu.memory_space<vmem>>)
      "tpu.region"() ({
        %run_scoped3A = tpu.sem_alloc : memref<!tpu.dma_semaphore, #tpu.memory_space<semaphore_mem>>
        %dma_start3A_38 = arith.constant 0 : i32
        %dma_start3A_39 = tpu.memref_slice %arg8[%add3A_19, %dma_start3A_38] : memref<80x128xi32, #tpu.memory_space<vmem>> -> memref<1x128xi32, #tpu.memory_space<vmem>>
        %dma_start3A_40 = tpu.memref_squeeze %dma_start3A_39 : memref<1x128xi32, #tpu.memory_space<vmem>> -> memref<128xi32, #tpu.memory_space<vmem>>
        %dma_start3A_41 = arith.constant 0 : i32
        %dma_start3A_42 = arith.constant 0 : i32
        %dma_start3A_43 = tpu.memref_slice %arg10[%dma_start3A_41, %dma_start3A_42] : memref<10112x128xf32, #tpu.memory_space<vmem_shared>> -> memref<10112x128xf32, #tpu.memory_space<vmem_shared>>
        tpu.enqueue_indirect_dma source(%arg9 : memref<128x128xf32, #tpu.memory_space<vmem>>) target(%dma_start3A_43 : memref<10112x128xf32, #tpu.memory_space<vmem_shared>>) offsets(%dma_start3A_40 : memref<128xi32, #tpu.memory_space<vmem>>) semaphore(%run_scoped3A : memref<!tpu.dma_semaphore, #tpu.memory_space<semaphore_mem>>) {add = true}
        %dma_wait3A_44 = arith.constant 0 : i32
        %dma_wait3A_45 = tpu.memref_slice %arg8[%add3A_19, %dma_wait3A_44] : memref<80x128xi32, #tpu.memory_space<vmem>> -> memref<1x128xi32, #tpu.memory_space<vmem>>
        %dma_wait3A_46 = tpu.memref_squeeze %dma_wait3A_45 : memref<1x128xi32, #tpu.memory_space<vmem>> -> memref<128xi32, #tpu.memory_space<vmem>>
        %dma_wait3A_47 = arith.constant 0 : i32
        %dma_wait3A_48 = arith.constant 0 : i32
        %dma_wait3A_49 = tpu.memref_slice %arg10[%dma_wait3A_47, %dma_wait3A_48] : memref<10112x128xf32, #tpu.memory_space<vmem_shared>> -> memref<10112x128xf32, #tpu.memory_space<vmem_shared>>
        tpu.wait_indirect_dma semaphore(%run_scoped3A : memref<!tpu.dma_semaphore, #tpu.memory_space<semaphore_mem>>) src(%arg9 : memref<128x128xf32, #tpu.memory_space<vmem>>) dst(%dma_wait3A_49 : memref<10112x128xf32, #tpu.memory_space<vmem_shared>>)
        tpu.yield
      }) : () -> ()
    }
    %scan3A_10 = arith.constant 80 : i32
    %barrier3A_11 = arith.constant 0 : index
    tpu.barrier barrier_id(%barrier3A_11)
    %mul3A_12 = arith.constant 632 : i32
    %mul3A_13 = arith.muli %arg1, %mul3A_12 : i32
    %mul3A_14 = arith.constant 632 : i32
    %mul3A_15 = arith.muli %arg1, %mul3A_14 : i32
    "tpu.region"() ({
      %run_scoped3A = tpu.sem_alloc : memref<!tpu.dma_semaphore, #tpu.memory_space<semaphore_mem>>
      %dma_start3A = arith.constant 0 : i32
      %dma_start3A_16 = arith.constant 0 : i32
      %dma_start3A_17 = tpu.memref_slice %arg6[%arg0, %dma_start3A, %dma_start3A_16] : memref<2x10112x128xf32, #tpu.memory_space<hbm>> -> memref<1x10112x128xf32, #tpu.memory_space<hbm>>
      %dma_start3A_18 = tpu.memref_squeeze %dma_start3A_17 : memref<1x10112x128xf32, #tpu.memory_space<hbm>> -> memref<10112x128xf32, #tpu.memory_space<hbm>>
      %dma_start3A_19 = arith.constant 0 : i32
      %dma_start3A_20 = tpu.memref_slice %dma_start3A_18[%mul3A_15, %dma_start3A_19] : memref<10112x128xf32, #tpu.memory_space<hbm>> -> memref<632x128xf32, #tpu.memory_space<hbm>>
      %dma_start3A_21 = arith.constant 0 : i32
      %dma_start3A_22 = tpu.memref_slice %arg10[%mul3A_13, %dma_start3A_21] : memref<10112x128xf32, #tpu.memory_space<vmem_shared>> -> memref<632x128xf32, #tpu.memory_space<vmem_shared>>
      tpu.enqueue_dma source(%dma_start3A_22 : memref<632x128xf32, #tpu.memory_space<vmem_shared>>) target(%dma_start3A_20 : memref<632x128xf32, #tpu.memory_space<hbm>>) target_semaphore(%run_scoped3A : memref<!tpu.dma_semaphore, #tpu.memory_space<semaphore_mem>>)
      %dma_wait3A = arith.constant 0 : i32
      %dma_wait3A_23 = arith.constant 0 : i32
      %dma_wait3A_24 = tpu.memref_slice %arg6[%arg0, %dma_wait3A, %dma_wait3A_23] : memref<2x10112x128xf32, #tpu.memory_space<hbm>> -> memref<1x10112x128xf32, #tpu.memory_space<hbm>>
      %dma_wait3A_25 = tpu.memref_squeeze %dma_wait3A_24 : memref<1x10112x128xf32, #tpu.memory_space<hbm>> -> memref<10112x128xf32, #tpu.memory_space<hbm>>
      %dma_wait3A_26 = arith.constant 0 : i32
      %dma_wait3A_27 = tpu.memref_slice %dma_wait3A_25[%mul3A_15, %dma_wait3A_26] : memref<10112x128xf32, #tpu.memory_space<hbm>> -> memref<632x128xf32, #tpu.memory_space<hbm>>
      %dma_wait3A_28 = arith.constant 0 : i32
      %dma_wait3A_29 = tpu.memref_slice %arg10[%mul3A_13, %dma_wait3A_28] : memref<10112x128xf32, #tpu.memory_space<vmem_shared>> -> memref<632x128xf32, #tpu.memory_space<vmem_shared>>
      tpu.wait_dma2 semaphore(%run_scoped3A : memref<!tpu.dma_semaphore, #tpu.memory_space<semaphore_mem>>) src(%dma_wait3A_29 : memref<632x128xf32, #tpu.memory_space<vmem_shared>>) dst(%dma_wait3A_27 : memref<632x128xf32, #tpu.memory_space<hbm>>)
      tpu.yield
    }) : () -> ()
    return
  }
}

#map = affine_map<(d0, d1) -> (0, 0, 0)>
#map1 = affine_map<(d0, d1) -> (0, 0)>
module attributes {stable_mosaic.version = 14 : i64} {
  func.func @k(%arg0: i32, %arg1: i32, %arg2: memref<2x10000x128xf32, #tpu.memory_space<hbm>>, %arg3: memref<1280x128xi32, #tpu.memory_space<hbm>>, %arg4: memref<1280x128xi32, #tpu.memory_space<hbm>>, %arg5: memref<10112x128xf32, #tpu.memory_space<hbm>>, %arg6: memref<2x10112x128xf32, #tpu.memory_space<hbm>>, %arg7: memref<80x128xi32, #tpu.memory_space<vmem>>, %arg8: memref<80x128xi32, #tpu.memory_space<vmem>>, %arg9: memref<128x128xf32, #tpu.memory_space<vmem>>, %arg10: memref<10112x128xf32, #tpu.memory_space<vmem_shared>>, %arg11: memref<!tpu.dma_semaphore, #tpu.memory_space<semaphore_mem>>) attributes {dimension_semantics = [#tpu.dimension_semantics<core_parallel>, #tpu.dimension_semantics<subcore_parallel>], iteration_bounds = array<i64: 2, 16>, scalar_prefetch = 0 : i64, scratch_operands = 5 : i64, tpu.core_type = #tpu.core_type<sc_vector_subcore>, window_params = [{transform_indices = #map}, {transform_indices = #map1}, {transform_indices = #map1}, {transform_indices = #map1}, {transform_indices = #map}]} {
    %mul3A = arith.constant 80 : i32
    %mul3A_0 = arith.muli %arg1, %mul3A : i32
    "tpu.region"() ({
      %run_scoped3A = tpu.sem_alloc : memref<!tpu.dma_semaphore, #tpu.memory_space<semaphore_mem>>
      %dma_start3A = arith.constant 0 : i32
      %dma_start3A_16 = tpu.memref_slice %arg3[%mul3A_0, %dma_start3A] : memref<1280x128xi32, #tpu.memory_space<hbm>> -> memref<80x128xi32, #tpu.memory_space<hbm>>
      %dma_start3A_17 = arith.constant 0 : i32
      %dma_start3A_18 = tpu.memref_slice %arg3[%mul3A_0, %dma_start3A_17] : memref<1280x128xi32, #tpu.memory_space<hbm>> -> memref<80x128xi32, #tpu.memory_space<hbm>>
      tpu.enqueue_dma source(%dma_start3A_18 : memref<80x128xi32, #tpu.memory_space<hbm>>) target(%arg7 : memref<80x128xi32, #tpu.memory_space<vmem>>) target_semaphore(%run_scoped3A : memref<!tpu.dma_semaphore, #tpu.memory_space<semaphore_mem>>)
      %dma_wait3A = arith.constant 0 : i32
      %dma_wait3A_19 = tpu.memref_slice %arg3[%mul3A_0, %dma_wait3A] : memref<1280x128xi32, #tpu.memory_space<hbm>> -> memref<80x128xi32, #tpu.memory_space<hbm>>
      %dma_wait3A_20 = arith.constant 0 : i32
      %dma_wait3A_21 = tpu.memref_slice %arg3[%mul3A_0, %dma_wait3A_20] : memref<1280x128xi32, #tpu.memory_space<hbm>> -> memref<80x128xi32, #tpu.memory_space<hbm>>
      tpu.wait_dma2 semaphore(%run_scoped3A : memref<!tpu.dma_semaphore, #tpu.memory_space<semaphore_mem>>) src(%dma_wait3A_21 : memref<80x128xi32, #tpu.memory_space<hbm>>) dst(%arg7 : memref<80x128xi32, #tpu.memory_space<vmem>>)
      tpu.yield
    }) : () -> ()
    %mul3A_1 = arith.constant 80 : i32
    %mul3A_2 = arith.muli %arg1, %mul3A_1 : i32
    "tpu.region"() ({
      %run_scoped3A = tpu.sem_alloc : memref<!tpu.dma_semaphore, #tpu.memory_space<semaphore_mem>>
      %dma_start3A = arith.constant 0 : i32
      %dma_start3A_16 = tpu.memref_slice %arg4[%mul3A_2, %dma_start3A] : memref<1280x128xi32, #tpu.memory_space<hbm>> -> memref<80x128xi32, #tpu.memory_space<hbm>>
      %dma_start3A_17 = arith.constant 0 : i32
      %dma_start3A_18 = tpu.memref_slice %arg4[%mul3A_2, %dma_start3A_17] : memref<1280x128xi32, #tpu.memory_space<hbm>> -> memref<80x128xi32, #tpu.memory_space<hbm>>
      tpu.enqueue_dma source(%dma_start3A_18 : memref<80x128xi32, #tpu.memory_space<hbm>>) target(%arg8 : memref<80x128xi32, #tpu.memory_space<vmem>>) target_semaphore(%run_scoped3A : memref<!tpu.dma_semaphore, #tpu.memory_space<semaphore_mem>>)
      %dma_wait3A = arith.constant 0 : i32
      %dma_wait3A_19 = tpu.memref_slice %arg4[%mul3A_2, %dma_wait3A] : memref<1280x128xi32, #tpu.memory_space<hbm>> -> memref<80x128xi32, #tpu.memory_space<hbm>>
      %dma_wait3A_20 = arith.constant 0 : i32
      %dma_wait3A_21 = tpu.memref_slice %arg4[%mul3A_2, %dma_wait3A_20] : memref<1280x128xi32, #tpu.memory_space<hbm>> -> memref<80x128xi32, #tpu.memory_space<hbm>>
      tpu.wait_dma2 semaphore(%run_scoped3A : memref<!tpu.dma_semaphore, #tpu.memory_space<semaphore_mem>>) src(%dma_wait3A_21 : memref<80x128xi32, #tpu.memory_space<hbm>>) dst(%arg8 : memref<80x128xi32, #tpu.memory_space<vmem>>)
      tpu.yield
    }) : () -> ()
    %mul3A_3 = arith.constant 632 : i32
    %mul3A_4 = arith.muli %arg1, %mul3A_3 : i32
    %mul3A_5 = arith.constant 632 : i32
    %mul3A_6 = arith.muli %arg1, %mul3A_5 : i32
    "tpu.region"() ({
      %run_scoped3A = tpu.sem_alloc : memref<!tpu.dma_semaphore, #tpu.memory_space<semaphore_mem>>
      %dma_start3A = arith.constant 0 : i32
      %dma_start3A_16 = tpu.memref_slice %arg10[%mul3A_6, %dma_start3A] : memref<10112x128xf32, #tpu.memory_space<vmem_shared>> -> memref<632x128xf32, #tpu.memory_space<vmem_shared>>
      %dma_start3A_17 = arith.constant 0 : i32
      %dma_start3A_18 = tpu.memref_slice %arg5[%mul3A_4, %dma_start3A_17] : memref<10112x128xf32, #tpu.memory_space<hbm>> -> memref<632x128xf32, #tpu.memory_space<hbm>>
      tpu.enqueue_dma source(%dma_start3A_18 : memref<632x128xf32, #tpu.memory_space<hbm>>) target(%dma_start3A_16 : memref<632x128xf32, #tpu.memory_space<vmem_shared>>) target_semaphore(%run_scoped3A : memref<!tpu.dma_semaphore, #tpu.memory_space<semaphore_mem>>)
      %dma_wait3A = arith.constant 0 : i32
      %dma_wait3A_19 = tpu.memref_slice %arg10[%mul3A_6, %dma_wait3A] : memref<10112x128xf32, #tpu.memory_space<vmem_shared>> -> memref<632x128xf32, #tpu.memory_space<vmem_shared>>
      %dma_wait3A_20 = arith.constant 0 : i32
      %dma_wait3A_21 = tpu.memref_slice %arg5[%mul3A_4, %dma_wait3A_20] : memref<10112x128xf32, #tpu.memory_space<hbm>> -> memref<632x128xf32, #tpu.memory_space<hbm>>
      tpu.wait_dma2 semaphore(%run_scoped3A : memref<!tpu.dma_semaphore, #tpu.memory_space<semaphore_mem>>) src(%dma_wait3A_21 : memref<632x128xf32, #tpu.memory_space<hbm>>) dst(%dma_wait3A_19 : memref<632x128xf32, #tpu.memory_space<vmem_shared>>)
      tpu.yield
    }) : () -> ()
    %barrier3A = arith.constant 0 : index
    tpu.barrier barrier_id(%barrier3A)
    %scan3A = arith.constant 0 : i32
    %scan3A_7 = arith.constant 80 : i32
    %scan3A_8 = arith.addi %scan3A, %scan3A_7 : i32
    %scan3A_9 = arith.constant 1 : i32
    scf.for %scan3A_16 = %scan3A to %scan3A_8 step %scan3A_9  : i32 {
      %mul3A_17 = arith.constant 1 : i32
      %mul3A_18 = arith.muli %scan3A_16, %mul3A_17 : i32
      %add3A = arith.constant 0 : i32
      %add3A_19 = arith.addi %add3A, %mul3A_18 : i32
      %dma_start3A = arith.constant 0 : i32
      %dma_start3A_20 = tpu.memref_slice %arg7[%add3A_19, %dma_start3A] : memref<80x128xi32, #tpu.memory_space<vmem>> -> memref<1x128xi32, #tpu.memory_space<vmem>>
      %dma_start3A_21 = tpu.memref_squeeze %dma_start3A_20 : memref<1x128xi32, #tpu.memory_space<vmem>> -> memref<128xi32, #tpu.memory_space<vmem>>
      %dma_start3A_22 = arith.constant 0 : i32
      %dma_start3A_23 = arith.constant 0 : i32
      %dma_start3A_24 = tpu.memref_slice %arg2[%arg0, %dma_start3A_22, %dma_start3A_23] : memref<2x10000x128xf32, #tpu.memory_space<hbm>> -> memref<1x10000x128xf32, #tpu.memory_space<hbm>>
      %dma_start3A_25 = tpu.memref_squeeze %dma_start3A_24 : memref<1x10000x128xf32, #tpu.memory_space<hbm>> -> memref<10000x128xf32, #tpu.memory_space<hbm>>
      %dma_start3A_26 = arith.constant 0 : i32
      %dma_start3A_27 = arith.constant 0 : i32
      %dma_start3A_28 = tpu.memref_slice %dma_start3A_25[%dma_start3A_26, %dma_start3A_27] : memref<10000x128xf32, #tpu.memory_space<hbm>> -> memref<10000x128xf32, #tpu.memory_space<hbm>>
      tpu.enqueue_indirect_dma source(%dma_start3A_28 : memref<10000x128xf32, #tpu.memory_space<hbm>>) target(%arg9 : memref<128x128xf32, #tpu.memory_space<vmem>>) offsets(%dma_start3A_21 : memref<128xi32, #tpu.memory_space<vmem>>) semaphore(%arg11 : memref<!tpu.dma_semaphore, #tpu.memory_space<semaphore_mem>>)
      %dma_wait3A = arith.constant 0 : i32
      %dma_wait3A_29 = tpu.memref_slice %arg7[%add3A_19, %dma_wait3A] : memref<80x128xi32, #tpu.memory_space<vmem>> -> memref<1x128xi32, #tpu.memory_space<vmem>>
      %dma_wait3A_30 = tpu.memref_squeeze %dma_wait3A_29 : memref<1x128xi32, #tpu.memory_space<vmem>> -> memref<128xi32, #tpu.memory_space<vmem>>
      %dma_wait3A_31 = arith.constant 0 : i32
      %dma_wait3A_32 = arith.constant 0 : i32
      %dma_wait3A_33 = tpu.memref_slice %arg2[%arg0, %dma_wait3A_31, %dma_wait3A_32] : memref<2x10000x128xf32, #tpu.memory_space<hbm>> -> memref<1x10000x128xf32, #tpu.memory_space<hbm>>
      %dma_wait3A_34 = tpu.memref_squeeze %dma_wait3A_33 : memref<1x10000x128xf32, #tpu.memory_space<hbm>> -> memref<10000x128xf32, #tpu.memory_space<hbm>>
      %dma_wait3A_35 = arith.constant 0 : i32
      %dma_wait3A_36 = arith.constant 0 : i32
      %dma_wait3A_37 = tpu.memref_slice %dma_wait3A_34[%dma_wait3A_35, %dma_wait3A_36] : memref<10000x128xf32, #tpu.memory_space<hbm>> -> memref<10000x128xf32, #tpu.memory_space<hbm>>
      tpu.wait_indirect_dma semaphore(%arg11 : memref<!tpu.dma_semaphore, #tpu.memory_space<semaphore_mem>>) src(%dma_wait3A_37 : memref<10000x128xf32, #tpu.memory_space<hbm>>) dst(%arg9 : memref<128x128xf32, #tpu.memory_space<vmem>>)
      "tpu.region"() ({
        %run_scoped3A = tpu.sem_alloc : memref<!tpu.dma_semaphore, #tpu.memory_space<semaphore_mem>>
        %dma_start3A_38 = arith.constant 0 : i32
        %dma_start3A_39 = tpu.memref_slice %arg8[%add3A_19, %dma_start3A_38] : memref<80x128xi32, #tpu.memory_space<vmem>> -> memref<1x128xi32, #tpu.memory_space<vmem>>
        %dma_start3A_40 = tpu.memref_squeeze %dma_start3A_39 : memref<1x128xi32, #tpu.memory_space<vmem>> -> memref<128xi32, #tpu.memory_space<vmem>>
        %dma_start3A_41 = arith.constant 0 : i32
        %dma_start3A_42 = arith.constant 0 : i32
        %dma_start3A_43 = tpu.memref_slice %arg10[%dma_start3A_41, %dma_start3A_42] : memref<10112x128xf32, #tpu.memory_space<vmem_shared>> -> memref<10112x128xf32, #tpu.memory_space<vmem_shared>>
        tpu.enqueue_indirect_dma source(%arg9 : memref<128x128xf32, #tpu.memory_space<vmem>>) target(%dma_start3A_43 : memref<10112x128xf32, #tpu.memory_space<vmem_shared>>) offsets(%dma_start3A_40 : memref<128xi32, #tpu.memory_space<vmem>>) semaphore(%run_scoped3A : memref<!tpu.dma_semaphore, #tpu.memory_space<semaphore_mem>>) {add = true}
        %dma_wait3A_44 = arith.constant 0 : i32
        %dma_wait3A_45 = tpu.memref_slice %arg8[%add3A_19, %dma_wait3A_44] : memref<80x128xi32, #tpu.memory_space<vmem>> -> memref<1x128xi32, #tpu.memory_space<vmem>>
        %dma_wait3A_46 = tpu.memref_squeeze %dma_wait3A_45 : memref<1x128xi32, #tpu.memory_space<vmem>> -> memref<128xi32, #tpu.memory_space<vmem>>
        %dma_wait3A_47 = arith.constant 0 : i32
        %dma_wait3A_48 = arith.constant 0 : i32
        %dma_wait3A_49 = tpu.memref_slice %arg10[%dma_wait3A_47, %dma_wait3A_48] : memref<10112x128xf32, #tpu.memory_space<vmem_shared>> -> memref<10112x128xf32, #tpu.memory_space<vmem_shared>>
        tpu.wait_indirect_dma semaphore(%run_scoped3A : memref<!tpu.dma_semaphore, #tpu.memory_space<semaphore_mem>>) src(%arg9 : memref<128x128xf32, #tpu.memory_space<vmem>>) dst(%dma_wait3A_49 : memref<10112x128xf32, #tpu.memory_space<vmem_shared>>)
        tpu.yield
      }) : () -> ()
    }
    %scan3A_10 = arith.constant 80 : i32
    %barrier3A_11 = arith.constant 0 : index
    tpu.barrier barrier_id(%barrier3A_11)
    %mul3A_12 = arith.constant 632 : i32
    %mul3A_13 = arith.muli %arg1, %mul3A_12 : i32
    %mul3A_14 = arith.constant 632 : i32
    %mul3A_15 = arith.muli %arg1, %mul3A_14 : i32
    "tpu.region"() ({
      %run_scoped3A = tpu.sem_alloc : memref<!tpu.dma_semaphore, #tpu.memory_space<semaphore_mem>>
      %dma_start3A = arith.constant 0 : i32
      %dma_start3A_16 = arith.constant 0 : i32
      %dma_start3A_17 = tpu.memref_slice %arg6[%arg0, %dma_start3A, %dma_start3A_16] : memref<2x10112x128xf32, #tpu.memory_space<hbm>> -> memref<1x10112x128xf32, #tpu.memory_space<hbm>>
      %dma_start3A_18 = tpu.memref_squeeze %dma_start3A_17 : memref<1x10112x128xf32, #tpu.memory_space<hbm>> -> memref<10112x128xf32, #tpu.memory_space<hbm>>
      %dma_start3A_19 = arith.constant 0 : i32
      %dma_start3A_20 = tpu.memref_slice %dma_start3A_18[%mul3A_15, %dma_start3A_19] : memref<10112x128xf32, #tpu.memory_space<hbm>> -> memref<632x128xf32, #tpu.memory_space<hbm>>
      %dma_start3A_21 = arith.constant 0 : i32
      %dma_start3A_22 = tpu.memref_slice %arg10[%mul3A_13, %dma_start3A_21] : memref<10112x128xf32, #tpu.memory_space<vmem_shared>> -> memref<632x128xf32, #tpu.memory_space<vmem_shared>>
      tpu.enqueue_dma source(%dma_start3A_22 : memref<632x128xf32, #tpu.memory_space<vmem_shared>>) target(%dma_start3A_20 : memref<632x128xf32, #tpu.memory_space<hbm>>) target_semaphore(%run_scoped3A : memref<!tpu.dma_semaphore, #tpu.memory_space<semaphore_mem>>)
      %dma_wait3A = arith.constant 0 : i32
      %dma_wait3A_23 = arith.constant 0 : i32
      %dma_wait3A_24 = tpu.memref_slice %arg6[%arg0, %dma_wait3A, %dma_wait3A_23] : memref<2x10112x128xf32, #tpu.memory_space<hbm>> -> memref<1x10112x128xf32, #tpu.memory_space<hbm>>
      %dma_wait3A_25 = tpu.memref_squeeze %dma_wait3A_24 : memref<1x10112x128xf32, #tpu.memory_space<hbm>> -> memref<10112x128xf32, #tpu.memory_space<hbm>>
      %dma_wait3A_26 = arith.constant 0 : i32
      %dma_wait3A_27 = tpu.memref_slice %dma_wait3A_25[%mul3A_15, %dma_wait3A_26] : memref<10112x128xf32, #tpu.memory_space<hbm>> -> memref<632x128xf32, #tpu.memory_space<hbm>>
      %dma_wait3A_28 = arith.constant 0 : i32
      %dma_wait3A_29 = tpu.memref_slice %arg10[%mul3A_13, %dma_wait3A_28] : memref<10112x128xf32, #tpu.memory_space<vmem_shared>> -> memref<632x128xf32, #tpu.memory_space<vmem_shared>>
      tpu.wait_dma2 semaphore(%run_scoped3A : memref<!tpu.dma_semaphore, #tpu.memory_space<semaphore_mem>>) src(%dma_wait3A_29 : memref<632x128xf32, #tpu.memory_space<vmem_shared>>) dst(%dma_wait3A_27 : memref<632x128xf32, #tpu.memory_space<hbm>>)
      tpu.yield
    }) : () -> ()
    return
  }
}

#map = affine_map<(d0, d1) -> (0, 0, 0)>
#map1 = affine_map<(d0, d1) -> (0, 0)>
module attributes {stable_mosaic.version = 14 : i64} {
  func.func @k(%arg0: i32, %arg1: i32, %arg2: memref<2x10000x128xf32, #tpu.memory_space<hbm>>, %arg3: memref<1280x128xi32, #tpu.memory_space<hbm>>, %arg4: memref<1280x128xi32, #tpu.memory_space<hbm>>, %arg5: memref<10112x128xf32, #tpu.memory_space<hbm>>, %arg6: memref<2x10112x128xf32, #tpu.memory_space<hbm>>, %arg7: memref<80x128xi32, #tpu.memory_space<vmem>>, %arg8: memref<80x128xi32, #tpu.memory_space<vmem>>, %arg9: memref<128x128xf32, #tpu.memory_space<vmem>>, %arg10: memref<10112x128xf32, #tpu.memory_space<vmem_shared>>, %arg11: memref<!tpu.dma_semaphore, #tpu.memory_space<semaphore_mem>>) attributes {dimension_semantics = [#tpu.dimension_semantics<core_parallel>, #tpu.dimension_semantics<subcore_parallel>], iteration_bounds = array<i64: 2, 16>, scalar_prefetch = 0 : i64, scratch_operands = 5 : i64, tpu.core_type = #tpu.core_type<sc_vector_subcore>, window_params = [{transform_indices = #map}, {transform_indices = #map1}, {transform_indices = #map1}, {transform_indices = #map1}, {transform_indices = #map}]} {
    %mul3A = arith.constant 80 : i32
    %mul3A_0 = arith.muli %arg1, %mul3A : i32
    "tpu.region"() ({
      %run_scoped3A = tpu.sem_alloc : memref<!tpu.dma_semaphore, #tpu.memory_space<semaphore_mem>>
      %dma_start3A = arith.constant 0 : i32
      %dma_start3A_16 = tpu.memref_slice %arg3[%mul3A_0, %dma_start3A] : memref<1280x128xi32, #tpu.memory_space<hbm>> -> memref<80x128xi32, #tpu.memory_space<hbm>>
      %dma_start3A_17 = arith.constant 0 : i32
      %dma_start3A_18 = tpu.memref_slice %arg3[%mul3A_0, %dma_start3A_17] : memref<1280x128xi32, #tpu.memory_space<hbm>> -> memref<80x128xi32, #tpu.memory_space<hbm>>
      tpu.enqueue_dma source(%dma_start3A_18 : memref<80x128xi32, #tpu.memory_space<hbm>>) target(%arg7 : memref<80x128xi32, #tpu.memory_space<vmem>>) target_semaphore(%run_scoped3A : memref<!tpu.dma_semaphore, #tpu.memory_space<semaphore_mem>>)
      %dma_wait3A = arith.constant 0 : i32
      %dma_wait3A_19 = tpu.memref_slice %arg3[%mul3A_0, %dma_wait3A] : memref<1280x128xi32, #tpu.memory_space<hbm>> -> memref<80x128xi32, #tpu.memory_space<hbm>>
      %dma_wait3A_20 = arith.constant 0 : i32
      %dma_wait3A_21 = tpu.memref_slice %arg3[%mul3A_0, %dma_wait3A_20] : memref<1280x128xi32, #tpu.memory_space<hbm>> -> memref<80x128xi32, #tpu.memory_space<hbm>>
      tpu.wait_dma2 semaphore(%run_scoped3A : memref<!tpu.dma_semaphore, #tpu.memory_space<semaphore_mem>>) src(%dma_wait3A_21 : memref<80x128xi32, #tpu.memory_space<hbm>>) dst(%arg7 : memref<80x128xi32, #tpu.memory_space<vmem>>)
      tpu.yield
    }) : () -> ()
    %mul3A_1 = arith.constant 80 : i32
    %mul3A_2 = arith.muli %arg1, %mul3A_1 : i32
    "tpu.region"() ({
      %run_scoped3A = tpu.sem_alloc : memref<!tpu.dma_semaphore, #tpu.memory_space<semaphore_mem>>
      %dma_start3A = arith.constant 0 : i32
      %dma_start3A_16 = tpu.memref_slice %arg4[%mul3A_2, %dma_start3A] : memref<1280x128xi32, #tpu.memory_space<hbm>> -> memref<80x128xi32, #tpu.memory_space<hbm>>
      %dma_start3A_17 = arith.constant 0 : i32
      %dma_start3A_18 = tpu.memref_slice %arg4[%mul3A_2, %dma_start3A_17] : memref<1280x128xi32, #tpu.memory_space<hbm>> -> memref<80x128xi32, #tpu.memory_space<hbm>>
      tpu.enqueue_dma source(%dma_start3A_18 : memref<80x128xi32, #tpu.memory_space<hbm>>) target(%arg8 : memref<80x128xi32, #tpu.memory_space<vmem>>) target_semaphore(%run_scoped3A : memref<!tpu.dma_semaphore, #tpu.memory_space<semaphore_mem>>)
      %dma_wait3A = arith.constant 0 : i32
      %dma_wait3A_19 = tpu.memref_slice %arg4[%mul3A_2, %dma_wait3A] : memref<1280x128xi32, #tpu.memory_space<hbm>> -> memref<80x128xi32, #tpu.memory_space<hbm>>
      %dma_wait3A_20 = arith.constant 0 : i32
      %dma_wait3A_21 = tpu.memref_slice %arg4[%mul3A_2, %dma_wait3A_20] : memref<1280x128xi32, #tpu.memory_space<hbm>> -> memref<80x128xi32, #tpu.memory_space<hbm>>
      tpu.wait_dma2 semaphore(%run_scoped3A : memref<!tpu.dma_semaphore, #tpu.memory_space<semaphore_mem>>) src(%dma_wait3A_21 : memref<80x128xi32, #tpu.memory_space<hbm>>) dst(%arg8 : memref<80x128xi32, #tpu.memory_space<vmem>>)
      tpu.yield
    }) : () -> ()
    %mul3A_3 = arith.constant 632 : i32
    %mul3A_4 = arith.muli %arg1, %mul3A_3 : i32
    %mul3A_5 = arith.constant 632 : i32
    %mul3A_6 = arith.muli %arg1, %mul3A_5 : i32
    "tpu.region"() ({
      %run_scoped3A = tpu.sem_alloc : memref<!tpu.dma_semaphore, #tpu.memory_space<semaphore_mem>>
      %dma_start3A = arith.constant 0 : i32
      %dma_start3A_16 = tpu.memref_slice %arg10[%mul3A_6, %dma_start3A] : memref<10112x128xf32, #tpu.memory_space<vmem_shared>> -> memref<632x128xf32, #tpu.memory_space<vmem_shared>>
      %dma_start3A_17 = arith.constant 0 : i32
      %dma_start3A_18 = tpu.memref_slice %arg5[%mul3A_4, %dma_start3A_17] : memref<10112x128xf32, #tpu.memory_space<hbm>> -> memref<632x128xf32, #tpu.memory_space<hbm>>
      tpu.enqueue_dma source(%dma_start3A_18 : memref<632x128xf32, #tpu.memory_space<hbm>>) target(%dma_start3A_16 : memref<632x128xf32, #tpu.memory_space<vmem_shared>>) target_semaphore(%run_scoped3A : memref<!tpu.dma_semaphore, #tpu.memory_space<semaphore_mem>>)
      %dma_wait3A = arith.constant 0 : i32
      %dma_wait3A_19 = tpu.memref_slice %arg10[%mul3A_6, %dma_wait3A] : memref<10112x128xf32, #tpu.memory_space<vmem_shared>> -> memref<632x128xf32, #tpu.memory_space<vmem_shared>>
      %dma_wait3A_20 = arith.constant 0 : i32
      %dma_wait3A_21 = tpu.memref_slice %arg5[%mul3A_4, %dma_wait3A_20] : memref<10112x128xf32, #tpu.memory_space<hbm>> -> memref<632x128xf32, #tpu.memory_space<hbm>>
      tpu.wait_dma2 semaphore(%run_scoped3A : memref<!tpu.dma_semaphore, #tpu.memory_space<semaphore_mem>>) src(%dma_wait3A_21 : memref<632x128xf32, #tpu.memory_space<hbm>>) dst(%dma_wait3A_19 : memref<632x128xf32, #tpu.memory_space<vmem_shared>>)
      tpu.yield
    }) : () -> ()
    %barrier3A = arith.constant 0 : index
    tpu.barrier barrier_id(%barrier3A)
    %scan3A = arith.constant 0 : i32
    %scan3A_7 = arith.constant 80 : i32
    %scan3A_8 = arith.addi %scan3A, %scan3A_7 : i32
    %scan3A_9 = arith.constant 1 : i32
    scf.for %scan3A_16 = %scan3A to %scan3A_8 step %scan3A_9  : i32 {
      %mul3A_17 = arith.constant 1 : i32
      %mul3A_18 = arith.muli %scan3A_16, %mul3A_17 : i32
      %add3A = arith.constant 0 : i32
      %add3A_19 = arith.addi %add3A, %mul3A_18 : i32
      %dma_start3A = arith.constant 0 : i32
      %dma_start3A_20 = tpu.memref_slice %arg7[%add3A_19, %dma_start3A] : memref<80x128xi32, #tpu.memory_space<vmem>> -> memref<1x128xi32, #tpu.memory_space<vmem>>
      %dma_start3A_21 = tpu.memref_squeeze %dma_start3A_20 : memref<1x128xi32, #tpu.memory_space<vmem>> -> memref<128xi32, #tpu.memory_space<vmem>>
      %dma_start3A_22 = arith.constant 0 : i32
      %dma_start3A_23 = arith.constant 0 : i32
      %dma_start3A_24 = tpu.memref_slice %arg2[%arg0, %dma_start3A_22, %dma_start3A_23] : memref<2x10000x128xf32, #tpu.memory_space<hbm>> -> memref<1x10000x128xf32, #tpu.memory_space<hbm>>
      %dma_start3A_25 = tpu.memref_squeeze %dma_start3A_24 : memref<1x10000x128xf32, #tpu.memory_space<hbm>> -> memref<10000x128xf32, #tpu.memory_space<hbm>>
      %dma_start3A_26 = arith.constant 0 : i32
      %dma_start3A_27 = arith.constant 0 : i32
      %dma_start3A_28 = tpu.memref_slice %dma_start3A_25[%dma_start3A_26, %dma_start3A_27] : memref<10000x128xf32, #tpu.memory_space<hbm>> -> memref<10000x128xf32, #tpu.memory_space<hbm>>
      tpu.enqueue_indirect_dma source(%dma_start3A_28 : memref<10000x128xf32, #tpu.memory_space<hbm>>) target(%arg9 : memref<128x128xf32, #tpu.memory_space<vmem>>) offsets(%dma_start3A_21 : memref<128xi32, #tpu.memory_space<vmem>>) semaphore(%arg11 : memref<!tpu.dma_semaphore, #tpu.memory_space<semaphore_mem>>)
      %dma_wait3A = arith.constant 0 : i32
      %dma_wait3A_29 = tpu.memref_slice %arg7[%add3A_19, %dma_wait3A] : memref<80x128xi32, #tpu.memory_space<vmem>> -> memref<1x128xi32, #tpu.memory_space<vmem>>
      %dma_wait3A_30 = tpu.memref_squeeze %dma_wait3A_29 : memref<1x128xi32, #tpu.memory_space<vmem>> -> memref<128xi32, #tpu.memory_space<vmem>>
      %dma_wait3A_31 = arith.constant 0 : i32
      %dma_wait3A_32 = arith.constant 0 : i32
      %dma_wait3A_33 = tpu.memref_slice %arg2[%arg0, %dma_wait3A_31, %dma_wait3A_32] : memref<2x10000x128xf32, #tpu.memory_space<hbm>> -> memref<1x10000x128xf32, #tpu.memory_space<hbm>>
      %dma_wait3A_34 = tpu.memref_squeeze %dma_wait3A_33 : memref<1x10000x128xf32, #tpu.memory_space<hbm>> -> memref<10000x128xf32, #tpu.memory_space<hbm>>
      %dma_wait3A_35 = arith.constant 0 : i32
      %dma_wait3A_36 = arith.constant 0 : i32
      %dma_wait3A_37 = tpu.memref_slice %dma_wait3A_34[%dma_wait3A_35, %dma_wait3A_36] : memref<10000x128xf32, #tpu.memory_space<hbm>> -> memref<10000x128xf32, #tpu.memory_space<hbm>>
      tpu.wait_indirect_dma semaphore(%arg11 : memref<!tpu.dma_semaphore, #tpu.memory_space<semaphore_mem>>) src(%dma_wait3A_37 : memref<10000x128xf32, #tpu.memory_space<hbm>>) dst(%arg9 : memref<128x128xf32, #tpu.memory_space<vmem>>)
      "tpu.region"() ({
        %run_scoped3A = tpu.sem_alloc : memref<!tpu.dma_semaphore, #tpu.memory_space<semaphore_mem>>
        %dma_start3A_38 = arith.constant 0 : i32
        %dma_start3A_39 = tpu.memref_slice %arg8[%add3A_19, %dma_start3A_38] : memref<80x128xi32, #tpu.memory_space<vmem>> -> memref<1x128xi32, #tpu.memory_space<vmem>>
        %dma_start3A_40 = tpu.memref_squeeze %dma_start3A_39 : memref<1x128xi32, #tpu.memory_space<vmem>> -> memref<128xi32, #tpu.memory_space<vmem>>
        %dma_start3A_41 = arith.constant 0 : i32
        %dma_start3A_42 = arith.constant 0 : i32
        %dma_start3A_43 = tpu.memref_slice %arg10[%dma_start3A_41, %dma_start3A_42] : memref<10112x128xf32, #tpu.memory_space<vmem_shared>> -> memref<10112x128xf32, #tpu.memory_space<vmem_shared>>
        tpu.enqueue_indirect_dma source(%arg9 : memref<128x128xf32, #tpu.memory_space<vmem>>) target(%dma_start3A_43 : memref<10112x128xf32, #tpu.memory_space<vmem_shared>>) offsets(%dma_start3A_40 : memref<128xi32, #tpu.memory_space<vmem>>) semaphore(%run_scoped3A : memref<!tpu.dma_semaphore, #tpu.memory_space<semaphore_mem>>) {add = true}
        %dma_wait3A_44 = arith.constant 0 : i32
        %dma_wait3A_45 = tpu.memref_slice %arg8[%add3A_19, %dma_wait3A_44] : memref<80x128xi32, #tpu.memory_space<vmem>> -> memref<1x128xi32, #tpu.memory_space<vmem>>
        %dma_wait3A_46 = tpu.memref_squeeze %dma_wait3A_45 : memref<1x128xi32, #tpu.memory_space<vmem>> -> memref<128xi32, #tpu.memory_space<vmem>>
        %dma_wait3A_47 = arith.constant 0 : i32
        %dma_wait3A_48 = arith.constant 0 : i32
        %dma_wait3A_49 = tpu.memref_slice %arg10[%dma_wait3A_47, %dma_wait3A_48] : memref<10112x128xf32, #tpu.memory_space<vmem_shared>> -> memref<10112x128xf32, #tpu.memory_space<vmem_shared>>
        tpu.wait_indirect_dma semaphore(%run_scoped3A : memref<!tpu.dma_semaphore, #tpu.memory_space<semaphore_mem>>) src(%arg9 : memref<128x128xf32, #tpu.memory_space<vmem>>) dst(%dma_wait3A_49 : memref<10112x128xf32, #tpu.memory_space<vmem_shared>>)
        tpu.yield
      }) : () -> ()
    }
    %scan3A_10 = arith.constant 80 : i32
    %barrier3A_11 = arith.constant 0 : index
    tpu.barrier barrier_id(%barrier3A_11)
    %mul3A_12 = arith.constant 632 : i32
    %mul3A_13 = arith.muli %arg1, %mul3A_12 : i32
    %mul3A_14 = arith.constant 632 : i32
    %mul3A_15 = arith.muli %arg1, %mul3A_14 : i32
    "tpu.region"() ({
      %run_scoped3A = tpu.sem_alloc : memref<!tpu.dma_semaphore, #tpu.memory_space<semaphore_mem>>
      %dma_start3A = arith.constant 0 : i32
      %dma_start3A_16 = arith.constant 0 : i32
      %dma_start3A_17 = tpu.memref_slice %arg6[%arg0, %dma_start3A, %dma_start3A_16] : memref<2x10112x128xf32, #tpu.memory_space<hbm>> -> memref<1x10112x128xf32, #tpu.memory_space<hbm>>
      %dma_start3A_18 = tpu.memref_squeeze %dma_start3A_17 : memref<1x10112x128xf32, #tpu.memory_space<hbm>> -> memref<10112x128xf32, #tpu.memory_space<hbm>>
      %dma_start3A_19 = arith.constant 0 : i32
      %dma_start3A_20 = tpu.memref_slice %dma_start3A_18[%mul3A_15, %dma_start3A_19] : memref<10112x128xf32, #tpu.memory_space<hbm>> -> memref<632x128xf32, #tpu.memory_space<hbm>>
      %dma_start3A_21 = arith.constant 0 : i32
      %dma_start3A_22 = tpu.memref_slice %arg10[%mul3A_13, %dma_start3A_21] : memref<10112x128xf32, #tpu.memory_space<vmem_shared>> -> memref<632x128xf32, #tpu.memory_space<vmem_shared>>
      tpu.enqueue_dma source(%dma_start3A_22 : memref<632x128xf32, #tpu.memory_space<vmem_shared>>) target(%dma_start3A_20 : memref<632x128xf32, #tpu.memory_space<hbm>>) target_semaphore(%run_scoped3A : memref<!tpu.dma_semaphore, #tpu.memory_space<semaphore_mem>>)
      %dma_wait3A = arith.constant 0 : i32
      %dma_wait3A_23 = arith.constant 0 : i32
      %dma_wait3A_24 = tpu.memref_slice %arg6[%arg0, %dma_wait3A, %dma_wait3A_23] : memref<2x10112x128xf32, #tpu.memory_space<hbm>> -> memref<1x10112x128xf32, #tpu.memory_space<hbm>>
      %dma_wait3A_25 = tpu.memref_squeeze %dma_wait3A_24 : memref<1x10112x128xf32, #tpu.memory_space<hbm>> -> memref<10112x128xf32, #tpu.memory_space<hbm>>
      %dma_wait3A_26 = arith.constant 0 : i32
      %dma_wait3A_27 = tpu.memref_slice %dma_wait3A_25[%mul3A_15, %dma_wait3A_26] : memref<10112x128xf32, #tpu.memory_space<hbm>> -> memref<632x128xf32, #tpu.memory_space<hbm>>
      %dma_wait3A_28 = arith.constant 0 : i32
      %dma_wait3A_29 = tpu.memref_slice %arg10[%mul3A_13, %dma_wait3A_28] : memref<10112x128xf32, #tpu.memory_space<vmem_shared>> -> memref<632x128xf32, #tpu.memory_space<vmem_shared>>
      tpu.wait_dma2 semaphore(%run_scoped3A : memref<!tpu.dma_semaphore, #tpu.memory_space<semaphore_mem>>) src(%dma_wait3A_29 : memref<632x128xf32, #tpu.memory_space<vmem_shared>>) dst(%dma_wait3A_27 : memref<632x128xf32, #tpu.memory_space<hbm>>)
      tpu.yield
    }) : () -> ()
    return
  }
}

module attributes {stable_mosaic.version = 14 : i64} {
  func.func @_stage_a_body(%arg0: i32, %arg1: memref<2x2000x128xf32, #tpu.memory_space<vmem>>, %arg2: memref<2x2000x128xf32, #tpu.memory_space<vmem>>, %arg3: memref<256x256xf32, #tpu.memory_space<vmem>>, %arg4: memref<1x256xf32, #tpu.memory_space<vmem>>, %arg5: memref<2000x256xf32, #tpu.memory_space<vmem>>, %arg6: memref<1x8x256xf32, #tpu.memory_space<vmem>>) attributes {dimension_semantics = [#tpu.dimension_semantics<arbitrary>], iteration_bounds = array<i64: 5>, scalar_prefetch = 0 : i64, scratch_operands = 0 : i64, tpu.core_type = #tpu.core_type<tc>, window_params = [{transform_indices = @transform_0, window_bounds = array<i64: 2, 2000, 128>}, {transform_indices = @transform_1, window_bounds = array<i64: 2, 2000, 128>}, {pipeline_mode = #tpu.pipeline_mode<synchronous>, transform_indices = @transform_2, window_bounds = array<i64: 256, 256>}, {pipeline_mode = #tpu.pipeline_mode<synchronous>, transform_indices = @transform_3, window_bounds = array<i64: 1, 256>}, {transform_indices = @transform_4, window_bounds = array<i64: 2000, 256>}, {transform_indices = @transform_5, window_bounds = array<i64: 1, 8, 256>}]} {
    %get3A = arith.constant 0 : index
    %get3A_0 = arith.constant 0 : index
    %get3A_1 = arith.constant 0 : index
    %get3A_2 = vector.load %arg1[%get3A, %get3A_0, %get3A_1] : memref<2x2000x128xf32, #tpu.memory_space<vmem>>, vector<1x2000x128xf32>
    %get3A_3 = vector.shape_cast %get3A_2 : vector<1x2000x128xf32> to vector<2000x128xf32>
    %get3A_4 = arith.constant 0 : index
    %get3A_5 = arith.constant 0 : index
    %get3A_6 = arith.constant 0 : index
    %get3A_7 = vector.load %arg2[%get3A_4, %get3A_5, %get3A_6] : memref<2x2000x128xf32, #tpu.memory_space<vmem>>, vector<1x2000x128xf32>
    %get3A_8 = vector.shape_cast %get3A_7 : vector<1x2000x128xf32> to vector<2000x128xf32>
    %add3A = arith.addf %get3A_3, %get3A_8 : vector<2000x128xf32>
    %get3A_9 = arith.constant 1 : index
    %get3A_10 = arith.constant 0 : index
    %get3A_11 = arith.constant 0 : index
    %get3A_12 = vector.load %arg1[%get3A_9, %get3A_10, %get3A_11] : memref<2x2000x128xf32, #tpu.memory_space<vmem>>, vector<1x2000x128xf32>
    %get3A_13 = vector.shape_cast %get3A_12 : vector<1x2000x128xf32> to vector<2000x128xf32>
    %get3A_14 = arith.constant 1 : index
    %get3A_15 = arith.constant 0 : index
    %get3A_16 = arith.constant 0 : index
    %get3A_17 = vector.load %arg2[%get3A_14, %get3A_15, %get3A_16] : memref<2x2000x128xf32, #tpu.memory_space<vmem>>, vector<1x2000x128xf32>
    %get3A_18 = vector.shape_cast %get3A_17 : vector<1x2000x128xf32> to vector<2000x128xf32>
    %add3A_19 = arith.addf %get3A_13, %get3A_18 : vector<2000x128xf32>
    %concatenate3A = tpu.concatenate %add3A, %add3A_19 in 1 : vector<2000x128xf32>, vector<2000x128xf32> -> vector<2000x256xf32>
    %get3A_20 = arith.constant 0 : index
    %get3A_21 = arith.constant 0 : index
    %get3A_22 = vector.load %arg3[%get3A_20, %get3A_21] : memref<256x256xf32, #tpu.memory_space<vmem>>, vector<256x256xf32>
    %dot_general3A = arith.constant dense<0.000000e+00> : vector<2000x256xf32>
    %dot_general3A_23 = tpu.matmul %concatenate3A, %get3A_22, %dot_general3A {dimension_numbers = #tpu.dot_dimension_numbers<[1], [0], [0], [1], [0, 0, 1, 1], [], []>, transpose_lhs_hint = false} : vector<2000x256xf32>, vector<256x256xf32>, vector<2000x256xf32> -> vector<2000x256xf32>
    %get3A_24 = arith.constant 0 : index
    %get3A_25 = arith.constant 0 : index
    %get3A_26 = vector.load %arg4[%get3A_24, %get3A_25] : memref<1x256xf32, #tpu.memory_space<vmem>>, vector<1x256xf32>
    %add3A_27 = vector.broadcast %get3A_26 : vector<1x256xf32> to vector<2000x256xf32>
    %add3A_28 = arith.addf %dot_general3A_23, %add3A_27 : vector<2000x256xf32>
    %swap3A = arith.constant 0 : index
    %swap3A_29 = arith.constant 0 : index
    %swap3A_30 = vector.load %arg5[%swap3A, %swap3A_29] : memref<2000x256xf32, #tpu.memory_space<vmem>>, vector<2000x256xf32>
    tpu.vector_store %arg5[%swap3A, %swap3A_29], %add3A_28 {strides = array<i32>} : memref<2000x256xf32, #tpu.memory_space<vmem>>, vector<2000x256xf32>,
    %reduce_sum3A = arith.constant dense<0.000000e+00> : vector<256xf32>
    %reduce_sum3A_31 = vector.multi_reduction <add>, %add3A_28, %reduce_sum3A [0] : vector<2000x256xf32> to vector<256xf32>
    %broadcast_in_dim3A = vector.shape_cast %reduce_sum3A_31 : vector<256xf32> to vector<1x256xf32>
    %broadcast_in_dim3A_32 = arith.constant 0.000000e+00 : f32
    %broadcast_in_dim3A_33 = vector.broadcast %broadcast_in_dim3A_32 : f32 to vector<7x256xf32>
    %concatenate3A_34 = tpu.concatenate %broadcast_in_dim3A, %broadcast_in_dim3A_33 in 0 : vector<1x256xf32>, vector<7x256xf32> -> vector<8x256xf32>
    %swap3A_35 = arith.constant 0 : index
    %swap3A_36 = arith.constant 0 : index
    %swap3A_37 = arith.constant 0 : index
    %swap3A_38 = vector.load %arg6[%swap3A_35, %swap3A_36, %swap3A_37] : memref<1x8x256xf32, #tpu.memory_space<vmem>>, vector<1x8x256xf32>
    %swap3A_39 = vector.shape_cast %swap3A_38 : vector<1x8x256xf32> to vector<8x256xf32>
    %swap3A_40 = vector.shape_cast %concatenate3A_34 : vector<8x256xf32> to vector<1x8x256xf32>
    tpu.vector_store %arg6[%swap3A_35, %swap3A_36, %swap3A_37], %swap3A_40 {strides = array<i32>} : memref<1x8x256xf32, #tpu.memory_space<vmem>>, vector<1x8x256xf32>,
    return
  }
  func.func @transform_0(%arg0: i32) -> (i32, i32, i32) {
    %c0_i32 = arith.constant 0 : i32
    %c0_i32_0 = arith.constant 0 : i32
    %c0_i32_1 = arith.constant 0 : i32
    return %c0_i32, %arg0, %c0_i32_0 : i32, i32, i32
  }
  func.func @transform_1(%arg0: i32) -> (i32, i32, i32) {
    %c0_i32 = arith.constant 0 : i32
    %c0_i32_0 = arith.constant 0 : i32
    %c0_i32_1 = arith.constant 0 : i32
    return %c0_i32, %arg0, %c0_i32_0 : i32, i32, i32
  }
  func.func @transform_2(%arg0: i32) -> (i32, i32) {
    %c0_i32 = arith.constant 0 : i32
    %c0_i32_0 = arith.constant 0 : i32
    %c0_i32_1 = arith.constant 0 : i32
    return %c0_i32, %c0_i32_0 : i32, i32
  }
  func.func @transform_3(%arg0: i32) -> (i32, i32) {
    %c0_i32 = arith.constant 0 : i32
    %c0_i32_0 = arith.constant 0 : i32
    %c0_i32_1 = arith.constant 0 : i32
    return %c0_i32, %c0_i32_0 : i32, i32
  }
  func.func @transform_4(%arg0: i32) -> (i32, i32) {
    %c0_i32 = arith.constant 0 : i32
    %c0_i32_0 = arith.constant 0 : i32
    return %arg0, %c0_i32 : i32, i32
  }
  func.func @transform_5(%arg0: i32) -> (i32, i32, i32) {
    %c0_i32 = arith.constant 0 : i32
    %c0_i32_0 = arith.constant 0 : i32
    %c0_i32_1 = arith.constant 0 : i32
    return %arg0, %c0_i32, %c0_i32_0 : i32, i32, i32
  }
}

module attributes {stable_mosaic.version = 14 : i64} {
  func.func @_stage_dev_body(%arg0: i32, %arg1: memref<2000x256xf32, #tpu.memory_space<vmem>>, %arg2: memref<5x8x256xf32, #tpu.memory_space<vmem>>, %arg3: memref<1x8x256xf32, #tpu.memory_space<vmem>>) attributes {dimension_semantics = [#tpu.dimension_semantics<arbitrary>], iteration_bounds = array<i64: 5>, scalar_prefetch = 0 : i64, scratch_operands = 0 : i64, tpu.core_type = #tpu.core_type<tc>, window_params = [{transform_indices = @transform_0, window_bounds = array<i64: 2000, 256>}, {pipeline_mode = #tpu.pipeline_mode<synchronous>, transform_indices = @transform_1, window_bounds = array<i64: 5, 8, 256>}, {transform_indices = @transform_2, window_bounds = array<i64: 1, 8, 256>}]} {
    %get3A = arith.constant 0 : index
    %get3A_0 = arith.constant 0 : index
    %get3A_1 = arith.constant 0 : index
    %get3A_2 = vector.load %arg2[%get3A, %get3A_0, %get3A_1] : memref<5x8x256xf32, #tpu.memory_space<vmem>>, vector<5x8x256xf32>
    %slice3A = vector.extract_strided_slice %get3A_2 {offsets = [0, 0, 0], sizes = [5, 1, 256], strides = [1, 1, 1]} : vector<5x8x256xf32> to vector<5x1x256xf32>
    %reduce_sum3A = arith.constant dense<0.000000e+00> : vector<1x256xf32>
    %reduce_sum3A_3 = vector.multi_reduction <add>, %slice3A, %reduce_sum3A [0] : vector<5x1x256xf32> to vector<1x256xf32>
    %mul3A = arith.constant 9.99999974E-5 : f32
    %mul3A_4 = vector.broadcast %mul3A : f32 to vector<1x256xf32>
    %mul3A_5 = arith.mulf %reduce_sum3A_3, %mul3A_4 : vector<1x256xf32>
    %get3A_6 = arith.constant 0 : index
    %get3A_7 = arith.constant 0 : index
    %get3A_8 = vector.load %arg1[%get3A_6, %get3A_7] : memref<2000x256xf32, #tpu.memory_space<vmem>>, vector<2000x256xf32>
    %sub3A = vector.broadcast %mul3A_5 : vector<1x256xf32> to vector<2000x256xf32>
    %sub3A_9 = arith.subf %get3A_8, %sub3A : vector<2000x256xf32>
    %mul3A_10 = arith.mulf %sub3A_9, %sub3A_9 : vector<2000x256xf32>
    %reduce_sum3A_11 = arith.constant dense<0.000000e+00> : vector<256xf32>
    %reduce_sum3A_12 = vector.multi_reduction <add>, %mul3A_10, %reduce_sum3A_11 [0] : vector<2000x256xf32> to vector<256xf32>
    %broadcast_in_dim3A = vector.shape_cast %reduce_sum3A_12 : vector<256xf32> to vector<1x256xf32>
    %broadcast_in_dim3A_13 = arith.constant 0.000000e+00 : f32
    %broadcast_in_dim3A_14 = vector.broadcast %broadcast_in_dim3A_13 : f32 to vector<7x256xf32>
    %concatenate3A = tpu.concatenate %broadcast_in_dim3A, %broadcast_in_dim3A_14 in 0 : vector<1x256xf32>, vector<7x256xf32> -> vector<8x256xf32>
    %swap3A = arith.constant 0 : index
    %swap3A_15 = arith.constant 0 : index
    %swap3A_16 = arith.constant 0 : index
    %swap3A_17 = vector.load %arg3[%swap3A, %swap3A_15, %swap3A_16] : memref<1x8x256xf32, #tpu.memory_space<vmem>>, vector<1x8x256xf32>
    %swap3A_18 = vector.shape_cast %swap3A_17 : vector<1x8x256xf32> to vector<8x256xf32>
    %swap3A_19 = vector.shape_cast %concatenate3A : vector<8x256xf32> to vector<1x8x256xf32>
    tpu.vector_store %arg3[%swap3A, %swap3A_15, %swap3A_16], %swap3A_19 {strides = array<i32>} : memref<1x8x256xf32, #tpu.memory_space<vmem>>, vector<1x8x256xf32>,
    return
  }
  func.func @transform_0(%arg0: i32) -> (i32, i32) {
    %c0_i32 = arith.constant 0 : i32
    %c0_i32_0 = arith.constant 0 : i32
    return %arg0, %c0_i32 : i32, i32
  }
  func.func @transform_1(%arg0: i32) -> (i32, i32, i32) {
    %c0_i32 = arith.constant 0 : i32
    %c0_i32_0 = arith.constant 0 : i32
    %c0_i32_1 = arith.constant 0 : i32
    %c0_i32_2 = arith.constant 0 : i32
    return %c0_i32, %c0_i32_0, %c0_i32_1 : i32, i32, i32
  }
  func.func @transform_2(%arg0: i32) -> (i32, i32, i32) {
    %c0_i32 = arith.constant 0 : i32
    %c0_i32_0 = arith.constant 0 : i32
    %c0_i32_1 = arith.constant 0 : i32
    return %arg0, %c0_i32, %c0_i32_0 : i32, i32, i32
  }
}

module attributes {stable_mosaic.version = 14 : i64} {
  func.func @_stage_b_body(%arg0: i32, %arg1: memref<2000x256xf32, #tpu.memory_space<vmem>>, %arg2: memref<5x8x256xf32, #tpu.memory_space<vmem>>, %arg3: memref<5x8x256xf32, #tpu.memory_space<vmem>>, %arg4: memref<1x256xf32, #tpu.memory_space<vmem>>, %arg5: memref<1x256xf32, #tpu.memory_space<vmem>>, %arg6: memref<256x256xf32, #tpu.memory_space<vmem>>, %arg7: memref<1x256xf32, #tpu.memory_space<vmem>>, %arg8: memref<2000x256xf32, #tpu.memory_space<vmem>>, %arg9: memref<1x8x256xf32, #tpu.memory_space<vmem>>) attributes {dimension_semantics = [#tpu.dimension_semantics<arbitrary>], iteration_bounds = array<i64: 5>, scalar_prefetch = 0 : i64, scratch_operands = 0 : i64, tpu.core_type = #tpu.core_type<tc>, window_params = [{transform_indices = @transform_0, window_bounds = array<i64: 2000, 256>}, {pipeline_mode = #tpu.pipeline_mode<synchronous>, transform_indices = @transform_1, window_bounds = array<i64: 5, 8, 256>}, {pipeline_mode = #tpu.pipeline_mode<synchronous>, transform_indices = @transform_2, window_bounds = array<i64: 5, 8, 256>}, {pipeline_mode = #tpu.pipeline_mode<synchronous>, transform_indices = @transform_3, window_bounds = array<i64: 1, 256>}, {pipeline_mode = #tpu.pipeline_mode<synchronous>, transform_indices = @transform_4, window_bounds = array<i64: 1, 256>}, {pipeline_mode = #tpu.pipeline_mode<synchronous>, transform_indices = @transform_5, window_bounds = array<i64: 256, 256>}, {pipeline_mode = #tpu.pipeline_mode<synchronous>, transform_indices = @transform_6, window_bounds = array<i64: 1, 256>}, {transform_indices = @transform_7, window_bounds = array<i64: 2000, 256>}, {transform_indices = @transform_8, window_bounds = array<i64: 1, 8, 256>}]} {
    %get3A = arith.constant 0 : index
    %get3A_0 = arith.constant 0 : index
    %get3A_1 = vector.load %arg1[%get3A, %get3A_0] : memref<2000x256xf32, #tpu.memory_space<vmem>>, vector<2000x256xf32>
    %get3A_2 = arith.constant 0 : index
    %get3A_3 = arith.constant 0 : index
    %get3A_4 = arith.constant 0 : index
    %get3A_5 = vector.load %arg2[%get3A_2, %get3A_3, %get3A_4] : memref<5x8x256xf32, #tpu.memory_space<vmem>>, vector<5x8x256xf32>
    %get3A_6 = arith.constant 0 : index
    %get3A_7 = arith.constant 0 : index
    %get3A_8 = arith.constant 0 : index
    %get3A_9 = vector.load %arg3[%get3A_6, %get3A_7, %get3A_8] : memref<5x8x256xf32, #tpu.memory_space<vmem>>, vector<5x8x256xf32>
    %get3A_10 = arith.constant 0 : index
    %get3A_11 = arith.constant 0 : index
    %get3A_12 = vector.load %arg4[%get3A_10, %get3A_11] : memref<1x256xf32, #tpu.memory_space<vmem>>, vector<1x256xf32>
    %get3A_13 = arith.constant 0 : index
    %get3A_14 = arith.constant 0 : index
    %get3A_15 = vector.load %arg5[%get3A_13, %get3A_14] : memref<1x256xf32, #tpu.memory_space<vmem>>, vector<1x256xf32>
    %slice3A = vector.extract_strided_slice %get3A_5 {offsets = [0, 0, 0], sizes = [5, 1, 256], strides = [1, 1, 1]} : vector<5x8x256xf32> to vector<5x1x256xf32>
    %reduce_sum3A = arith.constant dense<0.000000e+00> : vector<1x256xf32>
    %reduce_sum3A_16 = vector.multi_reduction <add>, %slice3A, %reduce_sum3A [0] : vector<5x1x256xf32> to vector<1x256xf32>
    %mul3A = arith.constant 9.99999974E-5 : f32
    %mul3A_17 = vector.broadcast %mul3A : f32 to vector<1x256xf32>
    %mul3A_18 = arith.mulf %reduce_sum3A_16, %mul3A_17 : vector<1x256xf32>
    %slice3A_19 = vector.extract_strided_slice %get3A_9 {offsets = [0, 0, 0], sizes = [5, 1, 256], strides = [1, 1, 1]} : vector<5x8x256xf32> to vector<5x1x256xf32>
    %reduce_sum3A_20 = arith.constant dense<0.000000e+00> : vector<1x256xf32>
    %reduce_sum3A_21 = vector.multi_reduction <add>, %slice3A_19, %reduce_sum3A_20 [0] : vector<5x1x256xf32> to vector<1x256xf32>
    %mul3A_22 = arith.constant 9.99999974E-5 : f32
    %mul3A_23 = vector.broadcast %mul3A_22 : f32 to vector<1x256xf32>
    %mul3A_24 = arith.mulf %reduce_sum3A_21, %mul3A_23 : vector<1x256xf32>
    %sub3A = vector.broadcast %mul3A_18 : vector<1x256xf32> to vector<2000x256xf32>
    %sub3A_25 = arith.subf %get3A_1, %sub3A : vector<2000x256xf32>
    %mul3A_26 = vector.broadcast %get3A_12 : vector<1x256xf32> to vector<2000x256xf32>
    %mul3A_27 = arith.mulf %mul3A_26, %sub3A_25 : vector<2000x256xf32>
    %add3A = arith.constant 9.99999974E-6 : f32
    %add3A_28 = vector.broadcast %add3A : f32 to vector<1x256xf32>
    %add3A_29 = arith.addf %mul3A_24, %add3A_28 : vector<1x256xf32>
    %sqrt3A = math.sqrt %add3A_29 : vector<1x256xf32>
    %div3A = vector.broadcast %sqrt3A : vector<1x256xf32> to vector<2000x256xf32>
    %div3A_30 = arith.divf %mul3A_27, %div3A : vector<2000x256xf32>
    %add3A_31 = vector.broadcast %get3A_15 : vector<1x256xf32> to vector<2000x256xf32>
    %add3A_32 = arith.addf %div3A_30, %add3A_31 : vector<2000x256xf32>
    %max3A = arith.constant 0.000000e+00 : f32
    %max3A_33 = vector.broadcast %max3A : f32 to vector<2000x256xf32>
    %max3A_34 = arith.maximumf %add3A_32, %max3A_33 : vector<2000x256xf32>
    %get3A_35 = arith.constant 0 : index
    %get3A_36 = arith.constant 0 : index
    %get3A_37 = vector.load %arg6[%get3A_35, %get3A_36] : memref<256x256xf32, #tpu.memory_space<vmem>>, vector<256x256xf32>
    %dot_general3A = arith.constant dense<0.000000e+00> : vector<2000x256xf32>
    %dot_general3A_38 = tpu.matmul %max3A_34, %get3A_37, %dot_general3A {dimension_numbers = #tpu.dot_dimension_numbers<[1], [0], [0], [1], [0, 0, 1, 1], [], []>, transpose_lhs_hint = false} : vector<2000x256xf32>, vector<256x256xf32>, vector<2000x256xf32> -> vector<2000x256xf32>
    %get3A_39 = arith.constant 0 : index
    %get3A_40 = arith.constant 0 : index
    %get3A_41 = vector.load %arg7[%get3A_39, %get3A_40] : memref<1x256xf32, #tpu.memory_space<vmem>>, vector<1x256xf32>
    %add3A_42 = vector.broadcast %get3A_41 : vector<1x256xf32> to vector<2000x256xf32>
    %add3A_43 = arith.addf %dot_general3A_38, %add3A_42 : vector<2000x256xf32>
    %swap3A = arith.constant 0 : index
    %swap3A_44 = arith.constant 0 : index
    %swap3A_45 = vector.load %arg8[%swap3A, %swap3A_44] : memref<2000x256xf32, #tpu.memory_space<vmem>>, vector<2000x256xf32>
    tpu.vector_store %arg8[%swap3A, %swap3A_44], %add3A_43 {strides = array<i32>} : memref<2000x256xf32, #tpu.memory_space<vmem>>, vector<2000x256xf32>,
    %reduce_sum3A_46 = arith.constant dense<0.000000e+00> : vector<256xf32>
    %reduce_sum3A_47 = vector.multi_reduction <add>, %add3A_43, %reduce_sum3A_46 [0] : vector<2000x256xf32> to vector<256xf32>
    %broadcast_in_dim3A = vector.shape_cast %reduce_sum3A_47 : vector<256xf32> to vector<1x256xf32>
    %broadcast_in_dim3A_48 = arith.constant 0.000000e+00 : f32
    %broadcast_in_dim3A_49 = vector.broadcast %broadcast_in_dim3A_48 : f32 to vector<7x256xf32>
    %concatenate3A = tpu.concatenate %broadcast_in_dim3A, %broadcast_in_dim3A_49 in 0 : vector<1x256xf32>, vector<7x256xf32> -> vector<8x256xf32>
    %swap3A_50 = arith.constant 0 : index
    %swap3A_51 = arith.constant 0 : index
    %swap3A_52 = arith.constant 0 : index
    %swap3A_53 = vector.load %arg9[%swap3A_50, %swap3A_51, %swap3A_52] : memref<1x8x256xf32, #tpu.memory_space<vmem>>, vector<1x8x256xf32>
    %swap3A_54 = vector.shape_cast %swap3A_53 : vector<1x8x256xf32> to vector<8x256xf32>
    %swap3A_55 = vector.shape_cast %concatenate3A : vector<8x256xf32> to vector<1x8x256xf32>
    tpu.vector_store %arg9[%swap3A_50, %swap3A_51, %swap3A_52], %swap3A_55 {strides = array<i32>} : memref<1x8x256xf32, #tpu.memory_space<vmem>>, vector<1x8x256xf32>,
    return
  }
  func.func @transform_0(%arg0: i32) -> (i32, i32) {
    %c0_i32 = arith.constant 0 : i32
    %c0_i32_0 = arith.constant 0 : i32
    return %arg0, %c0_i32 : i32, i32
  }
  func.func @transform_1(%arg0: i32) -> (i32, i32, i32) {
    %c0_i32 = arith.constant 0 : i32
    %c0_i32_0 = arith.constant 0 : i32
    %c0_i32_1 = arith.constant 0 : i32
    %c0_i32_2 = arith.constant 0 : i32
    return %c0_i32, %c0_i32_0, %c0_i32_1 : i32, i32, i32
  }
  func.func @transform_2(%arg0: i32) -> (i32, i32, i32) {
    %c0_i32 = arith.constant 0 : i32
    %c0_i32_0 = arith.constant 0 : i32
    %c0_i32_1 = arith.constant 0 : i32
    %c0_i32_2 = arith.constant 0 : i32
    return %c0_i32, %c0_i32_0, %c0_i32_1 : i32, i32, i32
  }
  func.func @transform_3(%arg0: i32) -> (i32, i32) {
    %c0_i32 = arith.constant 0 : i32
    %c0_i32_0 = arith.constant 0 : i32
    %c0_i32_1 = arith.constant 0 : i32
    return %c0_i32, %c0_i32_0 : i32, i32
  }
  func.func @transform_4(%arg0: i32) -> (i32, i32) {
    %c0_i32 = arith.constant 0 : i32
    %c0_i32_0 = arith.constant 0 : i32
    %c0_i32_1 = arith.constant 0 : i32
    return %c0_i32, %c0_i32_0 : i32, i32
  }
  func.func @transform_5(%arg0: i32) -> (i32, i32) {
    %c0_i32 = arith.constant 0 : i32
    %c0_i32_0 = arith.constant 0 : i32
    %c0_i32_1 = arith.constant 0 : i32
    return %c0_i32, %c0_i32_0 : i32, i32
  }
  func.func @transform_6(%arg0: i32) -> (i32, i32) {
    %c0_i32 = arith.constant 0 : i32
    %c0_i32_0 = arith.constant 0 : i32
    %c0_i32_1 = arith.constant 0 : i32
    return %c0_i32, %c0_i32_0 : i32, i32
  }
  func.func @transform_7(%arg0: i32) -> (i32, i32) {
    %c0_i32 = arith.constant 0 : i32
    %c0_i32_0 = arith.constant 0 : i32
    return %arg0, %c0_i32 : i32, i32
  }
  func.func @transform_8(%arg0: i32) -> (i32, i32, i32) {
    %c0_i32 = arith.constant 0 : i32
    %c0_i32_0 = arith.constant 0 : i32
    %c0_i32_1 = arith.constant 0 : i32
    return %arg0, %c0_i32, %c0_i32_0 : i32, i32, i32
  }
}

module attributes {stable_mosaic.version = 14 : i64} {
  func.func @_stage_c_split_body(%arg0: i32, %arg1: memref<2000x256xf32, #tpu.memory_space<vmem>>, %arg2: memref<5x8x256xf32, #tpu.memory_space<vmem>>, %arg3: memref<5x8x256xf32, #tpu.memory_space<vmem>>, %arg4: memref<1x256xf32, #tpu.memory_space<vmem>>, %arg5: memref<1x256xf32, #tpu.memory_space<vmem>>, %arg6: memref<2x2000x128xf32, #tpu.memory_space<vmem>>) attributes {dimension_semantics = [#tpu.dimension_semantics<arbitrary>], iteration_bounds = array<i64: 5>, scalar_prefetch = 0 : i64, scratch_operands = 0 : i64, tpu.core_type = #tpu.core_type<tc>, window_params = [{transform_indices = @transform_0, window_bounds = array<i64: 2000, 256>}, {pipeline_mode = #tpu.pipeline_mode<synchronous>, transform_indices = @transform_1, window_bounds = array<i64: 5, 8, 256>}, {pipeline_mode = #tpu.pipeline_mode<synchronous>, transform_indices = @transform_2, window_bounds = array<i64: 5, 8, 256>}, {pipeline_mode = #tpu.pipeline_mode<synchronous>, transform_indices = @transform_3, window_bounds = array<i64: 1, 256>}, {pipeline_mode = #tpu.pipeline_mode<synchronous>, transform_indices = @transform_4, window_bounds = array<i64: 1, 256>}, {transform_indices = @transform_5, window_bounds = array<i64: 2, 2000, 128>}]} {
    %get3A = arith.constant 0 : index
    %get3A_0 = arith.constant 0 : index
    %get3A_1 = vector.load %arg1[%get3A, %get3A_0] : memref<2000x256xf32, #tpu.memory_space<vmem>>, vector<2000x256xf32>
    %get3A_2 = arith.constant 0 : index
    %get3A_3 = arith.constant 0 : index
    %get3A_4 = arith.constant 0 : index
    %get3A_5 = vector.load %arg2[%get3A_2, %get3A_3, %get3A_4] : memref<5x8x256xf32, #tpu.memory_space<vmem>>, vector<5x8x256xf32>
    %get3A_6 = arith.constant 0 : index
    %get3A_7 = arith.constant 0 : index
    %get3A_8 = arith.constant 0 : index
    %get3A_9 = vector.load %arg3[%get3A_6, %get3A_7, %get3A_8] : memref<5x8x256xf32, #tpu.memory_space<vmem>>, vector<5x8x256xf32>
    %get3A_10 = arith.constant 0 : index
    %get3A_11 = arith.constant 0 : index
    %get3A_12 = vector.load %arg4[%get3A_10, %get3A_11] : memref<1x256xf32, #tpu.memory_space<vmem>>, vector<1x256xf32>
    %get3A_13 = arith.constant 0 : index
    %get3A_14 = arith.constant 0 : index
    %get3A_15 = vector.load %arg5[%get3A_13, %get3A_14] : memref<1x256xf32, #tpu.memory_space<vmem>>, vector<1x256xf32>
    %slice3A = vector.extract_strided_slice %get3A_5 {offsets = [0, 0, 0], sizes = [5, 1, 256], strides = [1, 1, 1]} : vector<5x8x256xf32> to vector<5x1x256xf32>
    %reduce_sum3A = arith.constant dense<0.000000e+00> : vector<1x256xf32>
    %reduce_sum3A_16 = vector.multi_reduction <add>, %slice3A, %reduce_sum3A [0] : vector<5x1x256xf32> to vector<1x256xf32>
    %mul3A = arith.constant 9.99999974E-5 : f32
    %mul3A_17 = vector.broadcast %mul3A : f32 to vector<1x256xf32>
    %mul3A_18 = arith.mulf %reduce_sum3A_16, %mul3A_17 : vector<1x256xf32>
    %slice3A_19 = vector.extract_strided_slice %get3A_9 {offsets = [0, 0, 0], sizes = [5, 1, 256], strides = [1, 1, 1]} : vector<5x8x256xf32> to vector<5x1x256xf32>
    %reduce_sum3A_20 = arith.constant dense<0.000000e+00> : vector<1x256xf32>
    %reduce_sum3A_21 = vector.multi_reduction <add>, %slice3A_19, %reduce_sum3A_20 [0] : vector<5x1x256xf32> to vector<1x256xf32>
    %mul3A_22 = arith.constant 9.99999974E-5 : f32
    %mul3A_23 = vector.broadcast %mul3A_22 : f32 to vector<1x256xf32>
    %mul3A_24 = arith.mulf %reduce_sum3A_21, %mul3A_23 : vector<1x256xf32>
    %sub3A = vector.broadcast %mul3A_18 : vector<1x256xf32> to vector<2000x256xf32>
    %sub3A_25 = arith.subf %get3A_1, %sub3A : vector<2000x256xf32>
    %mul3A_26 = vector.broadcast %get3A_12 : vector<1x256xf32> to vector<2000x256xf32>
    %mul3A_27 = arith.mulf %mul3A_26, %sub3A_25 : vector<2000x256xf32>
    %add3A = arith.constant 9.99999974E-6 : f32
    %add3A_28 = vector.broadcast %add3A : f32 to vector<1x256xf32>
    %add3A_29 = arith.addf %mul3A_24, %add3A_28 : vector<1x256xf32>
    %sqrt3A = math.sqrt %add3A_29 : vector<1x256xf32>
    %div3A = vector.broadcast %sqrt3A : vector<1x256xf32> to vector<2000x256xf32>
    %div3A_30 = arith.divf %mul3A_27, %div3A : vector<2000x256xf32>
    %add3A_31 = vector.broadcast %get3A_15 : vector<1x256xf32> to vector<2000x256xf32>
    %add3A_32 = arith.addf %div3A_30, %add3A_31 : vector<2000x256xf32>
    %max3A = arith.constant 0.000000e+00 : f32
    %max3A_33 = vector.broadcast %max3A : f32 to vector<2000x256xf32>
    %max3A_34 = arith.maximumf %add3A_32, %max3A_33 : vector<2000x256xf32>
    %slice3A_35 = vector.extract_strided_slice %max3A_34 {offsets = [0, 0], sizes = [2000, 128], strides = [1, 1]} : vector<2000x256xf32> to vector<2000x128xf32>
    %swap3A = arith.constant 0 : index
    %swap3A_36 = arith.constant 0 : index
    %swap3A_37 = arith.constant 0 : index
    %swap3A_38 = vector.load %arg6[%swap3A, %swap3A_36, %swap3A_37] : memref<2x2000x128xf32, #tpu.memory_space<vmem>>, vector<1x2000x128xf32>
    %swap3A_39 = vector.shape_cast %swap3A_38 : vector<1x2000x128xf32> to vector<2000x128xf32>
    %swap3A_40 = vector.shape_cast %slice3A_35 : vector<2000x128xf32> to vector<1x2000x128xf32>
    tpu.vector_store %arg6[%swap3A, %swap3A_36, %swap3A_37], %swap3A_40 {strides = array<i32>} : memref<2x2000x128xf32, #tpu.memory_space<vmem>>, vector<1x2000x128xf32>,
    %slice3A_41 = vector.extract_strided_slice %max3A_34 {offsets = [0, 128], sizes = [2000, 128], strides = [1, 1]} : vector<2000x256xf32> to vector<2000x128xf32>
    %swap3A_42 = arith.constant 1 : index
    %swap3A_43 = arith.constant 0 : index
    %swap3A_44 = arith.constant 0 : index
    %swap3A_45 = vector.load %arg6[%swap3A_42, %swap3A_43, %swap3A_44] : memref<2x2000x128xf32, #tpu.memory_space<vmem>>, vector<1x2000x128xf32>
    %swap3A_46 = vector.shape_cast %swap3A_45 : vector<1x2000x128xf32> to vector<2000x128xf32>
    %swap3A_47 = vector.shape_cast %slice3A_41 : vector<2000x128xf32> to vector<1x2000x128xf32>
    tpu.vector_store %arg6[%swap3A_42, %swap3A_43, %swap3A_44], %swap3A_47 {strides = array<i32>} : memref<2x2000x128xf32, #tpu.memory_space<vmem>>, vector<1x2000x128xf32>,
    return
  }
  func.func @transform_0(%arg0: i32) -> (i32, i32) {
    %c0_i32 = arith.constant 0 : i32
    %c0_i32_0 = arith.constant 0 : i32
    return %arg0, %c0_i32 : i32, i32
  }
  func.func @transform_1(%arg0: i32) -> (i32, i32, i32) {
    %c0_i32 = arith.constant 0 : i32
    %c0_i32_0 = arith.constant 0 : i32
    %c0_i32_1 = arith.constant 0 : i32
    %c0_i32_2 = arith.constant 0 : i32
    return %c0_i32, %c0_i32_0, %c0_i32_1 : i32, i32, i32
  }
  func.func @transform_2(%arg0: i32) -> (i32, i32, i32) {
    %c0_i32 = arith.constant 0 : i32
    %c0_i32_0 = arith.constant 0 : i32
    %c0_i32_1 = arith.constant 0 : i32
    %c0_i32_2 = arith.constant 0 : i32
    return %c0_i32, %c0_i32_0, %c0_i32_1 : i32, i32, i32
  }
  func.func @transform_3(%arg0: i32) -> (i32, i32) {
    %c0_i32 = arith.constant 0 : i32
    %c0_i32_0 = arith.constant 0 : i32
    %c0_i32_1 = arith.constant 0 : i32
    return %c0_i32, %c0_i32_0 : i32, i32
  }
  func.func @transform_4(%arg0: i32) -> (i32, i32) {
    %c0_i32 = arith.constant 0 : i32
    %c0_i32_0 = arith.constant 0 : i32
    %c0_i32_1 = arith.constant 0 : i32
    return %c0_i32, %c0_i32_0 : i32, i32
  }
  func.func @transform_5(%arg0: i32) -> (i32, i32, i32) {
    %c0_i32 = arith.constant 0 : i32
    %c0_i32_0 = arith.constant 0 : i32
    %c0_i32_1 = arith.constant 0 : i32
    return %c0_i32, %arg0, %c0_i32_0 : i32, i32, i32
  }
}

module attributes {stable_mosaic.version = 14 : i64} {
  func.func @_stage_a_body(%arg0: i32, %arg1: memref<2x2000x128xf32, #tpu.memory_space<vmem>>, %arg2: memref<2x2000x128xf32, #tpu.memory_space<vmem>>, %arg3: memref<512x512xf32, #tpu.memory_space<vmem>>, %arg4: memref<1x512xf32, #tpu.memory_space<vmem>>, %arg5: memref<2000x512xf32, #tpu.memory_space<vmem>>, %arg6: memref<1x8x512xf32, #tpu.memory_space<vmem>>) attributes {dimension_semantics = [#tpu.dimension_semantics<arbitrary>], iteration_bounds = array<i64: 5>, scalar_prefetch = 0 : i64, scratch_operands = 0 : i64, tpu.core_type = #tpu.core_type<tc>, window_params = [{transform_indices = @transform_0, window_bounds = array<i64: 2, 2000, 128>}, {transform_indices = @transform_1, window_bounds = array<i64: 2, 2000, 128>}, {pipeline_mode = #tpu.pipeline_mode<synchronous>, transform_indices = @transform_2, window_bounds = array<i64: 512, 512>}, {pipeline_mode = #tpu.pipeline_mode<synchronous>, transform_indices = @transform_3, window_bounds = array<i64: 1, 512>}, {transform_indices = @transform_4, window_bounds = array<i64: 2000, 512>}, {transform_indices = @transform_5, window_bounds = array<i64: 1, 8, 512>}]} {
    %get3A = arith.constant 0 : index
    %get3A_0 = arith.constant 0 : index
    %get3A_1 = arith.constant 0 : index
    %get3A_2 = vector.load %arg1[%get3A, %get3A_0, %get3A_1] : memref<2x2000x128xf32, #tpu.memory_space<vmem>>, vector<1x2000x128xf32>
    %get3A_3 = vector.shape_cast %get3A_2 : vector<1x2000x128xf32> to vector<2000x128xf32>
    %get3A_4 = arith.constant 0 : index
    %get3A_5 = arith.constant 0 : index
    %get3A_6 = arith.constant 0 : index
    %get3A_7 = vector.load %arg2[%get3A_4, %get3A_5, %get3A_6] : memref<2x2000x128xf32, #tpu.memory_space<vmem>>, vector<1x2000x128xf32>
    %get3A_8 = vector.shape_cast %get3A_7 : vector<1x2000x128xf32> to vector<2000x128xf32>
    %add3A = arith.addf %get3A_3, %get3A_8 : vector<2000x128xf32>
    %get3A_9 = arith.constant 1 : index
    %get3A_10 = arith.constant 0 : index
    %get3A_11 = arith.constant 0 : index
    %get3A_12 = vector.load %arg1[%get3A_9, %get3A_10, %get3A_11] : memref<2x2000x128xf32, #tpu.memory_space<vmem>>, vector<1x2000x128xf32>
    %get3A_13 = vector.shape_cast %get3A_12 : vector<1x2000x128xf32> to vector<2000x128xf32>
    %get3A_14 = arith.constant 1 : index
    %get3A_15 = arith.constant 0 : index
    %get3A_16 = arith.constant 0 : index
    %get3A_17 = vector.load %arg2[%get3A_14, %get3A_15, %get3A_16] : memref<2x2000x128xf32, #tpu.memory_space<vmem>>, vector<1x2000x128xf32>
    %get3A_18 = vector.shape_cast %get3A_17 : vector<1x2000x128xf32> to vector<2000x128xf32>
    %add3A_19 = arith.addf %get3A_13, %get3A_18 : vector<2000x128xf32>
    %concatenate3A = tpu.concatenate %add3A, %add3A_19 in 1 : vector<2000x128xf32>, vector<2000x128xf32> -> vector<2000x256xf32>
    %concatenate3A_20 = tpu.concatenate %concatenate3A, %concatenate3A in 1 : vector<2000x256xf32>, vector<2000x256xf32> -> vector<2000x512xf32>
    %get3A_21 = arith.constant 0 : index
    %get3A_22 = arith.constant 0 : index
    %get3A_23 = vector.load %arg3[%get3A_21, %get3A_22] : memref<512x512xf32, #tpu.memory_space<vmem>>, vector<512x512xf32>
    %dot_general3A = arith.constant dense<0.000000e+00> : vector<2000x512xf32>
    %dot_general3A_24 = tpu.matmul %concatenate3A_20, %get3A_23, %dot_general3A {dimension_numbers = #tpu.dot_dimension_numbers<[1], [0], [0], [1], [0, 0, 1, 1], [], []>, transpose_lhs_hint = false} : vector<2000x512xf32>, vector<512x512xf32>, vector<2000x512xf32> -> vector<2000x512xf32>
    %get3A_25 = arith.constant 0 : index
    %get3A_26 = arith.constant 0 : index
    %get3A_27 = vector.load %arg4[%get3A_25, %get3A_26] : memref<1x512xf32, #tpu.memory_space<vmem>>, vector<1x512xf32>
    %add3A_28 = vector.broadcast %get3A_27 : vector<1x512xf32> to vector<2000x512xf32>
    %add3A_29 = arith.addf %dot_general3A_24, %add3A_28 : vector<2000x512xf32>
    %swap3A = arith.constant 0 : index
    %swap3A_30 = arith.constant 0 : index
    %swap3A_31 = vector.load %arg5[%swap3A, %swap3A_30] : memref<2000x512xf32, #tpu.memory_space<vmem>>, vector<2000x512xf32>
    tpu.vector_store %arg5[%swap3A, %swap3A_30], %add3A_29 {strides = array<i32>} : memref<2000x512xf32, #tpu.memory_space<vmem>>, vector<2000x512xf32>,
    %reduce_sum3A = arith.constant dense<0.000000e+00> : vector<512xf32>
    %reduce_sum3A_32 = vector.multi_reduction <add>, %add3A_29, %reduce_sum3A [0] : vector<2000x512xf32> to vector<512xf32>
    %broadcast_in_dim3A = vector.shape_cast %reduce_sum3A_32 : vector<512xf32> to vector<1x512xf32>
    %broadcast_in_dim3A_33 = arith.constant 0.000000e+00 : f32
    %broadcast_in_dim3A_34 = vector.broadcast %broadcast_in_dim3A_33 : f32 to vector<7x512xf32>
    %concatenate3A_35 = tpu.concatenate %broadcast_in_dim3A, %broadcast_in_dim3A_34 in 0 : vector<1x512xf32>, vector<7x512xf32> -> vector<8x512xf32>
    %swap3A_36 = arith.constant 0 : index
    %swap3A_37 = arith.constant 0 : index
    %swap3A_38 = arith.constant 0 : index
    %swap3A_39 = vector.load %arg6[%swap3A_36, %swap3A_37, %swap3A_38] : memref<1x8x512xf32, #tpu.memory_space<vmem>>, vector<1x8x512xf32>
    %swap3A_40 = vector.shape_cast %swap3A_39 : vector<1x8x512xf32> to vector<8x512xf32>
    %swap3A_41 = vector.shape_cast %concatenate3A_35 : vector<8x512xf32> to vector<1x8x512xf32>
    tpu.vector_store %arg6[%swap3A_36, %swap3A_37, %swap3A_38], %swap3A_41 {strides = array<i32>} : memref<1x8x512xf32, #tpu.memory_space<vmem>>, vector<1x8x512xf32>,
    return
  }
  func.func @transform_0(%arg0: i32) -> (i32, i32, i32) {
    %c0_i32 = arith.constant 0 : i32
    %c0_i32_0 = arith.constant 0 : i32
    %c0_i32_1 = arith.constant 0 : i32
    return %c0_i32, %arg0, %c0_i32_0 : i32, i32, i32
  }
  func.func @transform_1(%arg0: i32) -> (i32, i32, i32) {
    %c0_i32 = arith.constant 0 : i32
    %c0_i32_0 = arith.constant 0 : i32
    %c0_i32_1 = arith.constant 0 : i32
    return %c0_i32, %arg0, %c0_i32_0 : i32, i32, i32
  }
  func.func @transform_2(%arg0: i32) -> (i32, i32) {
    %c0_i32 = arith.constant 0 : i32
    %c0_i32_0 = arith.constant 0 : i32
    %c0_i32_1 = arith.constant 0 : i32
    return %c0_i32, %c0_i32_0 : i32, i32
  }
  func.func @transform_3(%arg0: i32) -> (i32, i32) {
    %c0_i32 = arith.constant 0 : i32
    %c0_i32_0 = arith.constant 0 : i32
    %c0_i32_1 = arith.constant 0 : i32
    return %c0_i32, %c0_i32_0 : i32, i32
  }
  func.func @transform_4(%arg0: i32) -> (i32, i32) {
    %c0_i32 = arith.constant 0 : i32
    %c0_i32_0 = arith.constant 0 : i32
    return %arg0, %c0_i32 : i32, i32
  }
  func.func @transform_5(%arg0: i32) -> (i32, i32, i32) {
    %c0_i32 = arith.constant 0 : i32
    %c0_i32_0 = arith.constant 0 : i32
    %c0_i32_1 = arith.constant 0 : i32
    return %arg0, %c0_i32, %c0_i32_0 : i32, i32, i32
  }
}

module attributes {stable_mosaic.version = 14 : i64} {
  func.func @_stage_dev_body(%arg0: i32, %arg1: memref<2000x512xf32, #tpu.memory_space<vmem>>, %arg2: memref<5x8x512xf32, #tpu.memory_space<vmem>>, %arg3: memref<1x8x512xf32, #tpu.memory_space<vmem>>) attributes {dimension_semantics = [#tpu.dimension_semantics<arbitrary>], iteration_bounds = array<i64: 5>, scalar_prefetch = 0 : i64, scratch_operands = 0 : i64, tpu.core_type = #tpu.core_type<tc>, window_params = [{transform_indices = @transform_0, window_bounds = array<i64: 2000, 512>}, {pipeline_mode = #tpu.pipeline_mode<synchronous>, transform_indices = @transform_1, window_bounds = array<i64: 5, 8, 512>}, {transform_indices = @transform_2, window_bounds = array<i64: 1, 8, 512>}]} {
    %get3A = arith.constant 0 : index
    %get3A_0 = arith.constant 0 : index
    %get3A_1 = arith.constant 0 : index
    %get3A_2 = vector.load %arg2[%get3A, %get3A_0, %get3A_1] : memref<5x8x512xf32, #tpu.memory_space<vmem>>, vector<5x8x512xf32>
    %slice3A = vector.extract_strided_slice %get3A_2 {offsets = [0, 0, 0], sizes = [5, 1, 512], strides = [1, 1, 1]} : vector<5x8x512xf32> to vector<5x1x512xf32>
    %reduce_sum3A = arith.constant dense<0.000000e+00> : vector<1x512xf32>
    %reduce_sum3A_3 = vector.multi_reduction <add>, %slice3A, %reduce_sum3A [0] : vector<5x1x512xf32> to vector<1x512xf32>
    %mul3A = arith.constant 9.99999974E-5 : f32
    %mul3A_4 = vector.broadcast %mul3A : f32 to vector<1x512xf32>
    %mul3A_5 = arith.mulf %reduce_sum3A_3, %mul3A_4 : vector<1x512xf32>
    %get3A_6 = arith.constant 0 : index
    %get3A_7 = arith.constant 0 : index
    %get3A_8 = vector.load %arg1[%get3A_6, %get3A_7] : memref<2000x512xf32, #tpu.memory_space<vmem>>, vector<2000x512xf32>
    %sub3A = vector.broadcast %mul3A_5 : vector<1x512xf32> to vector<2000x512xf32>
    %sub3A_9 = arith.subf %get3A_8, %sub3A : vector<2000x512xf32>
    %mul3A_10 = arith.mulf %sub3A_9, %sub3A_9 : vector<2000x512xf32>
    %reduce_sum3A_11 = arith.constant dense<0.000000e+00> : vector<512xf32>
    %reduce_sum3A_12 = vector.multi_reduction <add>, %mul3A_10, %reduce_sum3A_11 [0] : vector<2000x512xf32> to vector<512xf32>
    %broadcast_in_dim3A = vector.shape_cast %reduce_sum3A_12 : vector<512xf32> to vector<1x512xf32>
    %broadcast_in_dim3A_13 = arith.constant 0.000000e+00 : f32
    %broadcast_in_dim3A_14 = vector.broadcast %broadcast_in_dim3A_13 : f32 to vector<7x512xf32>
    %concatenate3A = tpu.concatenate %broadcast_in_dim3A, %broadcast_in_dim3A_14 in 0 : vector<1x512xf32>, vector<7x512xf32> -> vector<8x512xf32>
    %swap3A = arith.constant 0 : index
    %swap3A_15 = arith.constant 0 : index
    %swap3A_16 = arith.constant 0 : index
    %swap3A_17 = vector.load %arg3[%swap3A, %swap3A_15, %swap3A_16] : memref<1x8x512xf32, #tpu.memory_space<vmem>>, vector<1x8x512xf32>
    %swap3A_18 = vector.shape_cast %swap3A_17 : vector<1x8x512xf32> to vector<8x512xf32>
    %swap3A_19 = vector.shape_cast %concatenate3A : vector<8x512xf32> to vector<1x8x512xf32>
    tpu.vector_store %arg3[%swap3A, %swap3A_15, %swap3A_16], %swap3A_19 {strides = array<i32>} : memref<1x8x512xf32, #tpu.memory_space<vmem>>, vector<1x8x512xf32>,
    return
  }
  func.func @transform_0(%arg0: i32) -> (i32, i32) {
    %c0_i32 = arith.constant 0 : i32
    %c0_i32_0 = arith.constant 0 : i32
    return %arg0, %c0_i32 : i32, i32
  }
  func.func @transform_1(%arg0: i32) -> (i32, i32, i32) {
    %c0_i32 = arith.constant 0 : i32
    %c0_i32_0 = arith.constant 0 : i32
    %c0_i32_1 = arith.constant 0 : i32
    %c0_i32_2 = arith.constant 0 : i32
    return %c0_i32, %c0_i32_0, %c0_i32_1 : i32, i32, i32
  }
  func.func @transform_2(%arg0: i32) -> (i32, i32, i32) {
    %c0_i32 = arith.constant 0 : i32
    %c0_i32_0 = arith.constant 0 : i32
    %c0_i32_1 = arith.constant 0 : i32
    return %arg0, %c0_i32, %c0_i32_0 : i32, i32, i32
  }
}

module attributes {stable_mosaic.version = 14 : i64} {
  func.func @_stage_b_body(%arg0: i32, %arg1: memref<2000x512xf32, #tpu.memory_space<vmem>>, %arg2: memref<5x8x512xf32, #tpu.memory_space<vmem>>, %arg3: memref<5x8x512xf32, #tpu.memory_space<vmem>>, %arg4: memref<1x512xf32, #tpu.memory_space<vmem>>, %arg5: memref<1x512xf32, #tpu.memory_space<vmem>>, %arg6: memref<512x256xf32, #tpu.memory_space<vmem>>, %arg7: memref<1x256xf32, #tpu.memory_space<vmem>>, %arg8: memref<2000x256xf32, #tpu.memory_space<vmem>>, %arg9: memref<1x8x256xf32, #tpu.memory_space<vmem>>) attributes {dimension_semantics = [#tpu.dimension_semantics<arbitrary>], iteration_bounds = array<i64: 5>, scalar_prefetch = 0 : i64, scratch_operands = 0 : i64, tpu.core_type = #tpu.core_type<tc>, window_params = [{transform_indices = @transform_0, window_bounds = array<i64: 2000, 512>}, {pipeline_mode = #tpu.pipeline_mode<synchronous>, transform_indices = @transform_1, window_bounds = array<i64: 5, 8, 512>}, {pipeline_mode = #tpu.pipeline_mode<synchronous>, transform_indices = @transform_2, window_bounds = array<i64: 5, 8, 512>}, {pipeline_mode = #tpu.pipeline_mode<synchronous>, transform_indices = @transform_3, window_bounds = array<i64: 1, 512>}, {pipeline_mode = #tpu.pipeline_mode<synchronous>, transform_indices = @transform_4, window_bounds = array<i64: 1, 512>}, {pipeline_mode = #tpu.pipeline_mode<synchronous>, transform_indices = @transform_5, window_bounds = array<i64: 512, 256>}, {pipeline_mode = #tpu.pipeline_mode<synchronous>, transform_indices = @transform_6, window_bounds = array<i64: 1, 256>}, {transform_indices = @transform_7, window_bounds = array<i64: 2000, 256>}, {transform_indices = @transform_8, window_bounds = array<i64: 1, 8, 256>}]} {
    %get3A = arith.constant 0 : index
    %get3A_0 = arith.constant 0 : index
    %get3A_1 = vector.load %arg1[%get3A, %get3A_0] : memref<2000x512xf32, #tpu.memory_space<vmem>>, vector<2000x512xf32>
    %get3A_2 = arith.constant 0 : index
    %get3A_3 = arith.constant 0 : index
    %get3A_4 = arith.constant 0 : index
    %get3A_5 = vector.load %arg2[%get3A_2, %get3A_3, %get3A_4] : memref<5x8x512xf32, #tpu.memory_space<vmem>>, vector<5x8x512xf32>
    %get3A_6 = arith.constant 0 : index
    %get3A_7 = arith.constant 0 : index
    %get3A_8 = arith.constant 0 : index
    %get3A_9 = vector.load %arg3[%get3A_6, %get3A_7, %get3A_8] : memref<5x8x512xf32, #tpu.memory_space<vmem>>, vector<5x8x512xf32>
    %get3A_10 = arith.constant 0 : index
    %get3A_11 = arith.constant 0 : index
    %get3A_12 = vector.load %arg4[%get3A_10, %get3A_11] : memref<1x512xf32, #tpu.memory_space<vmem>>, vector<1x512xf32>
    %get3A_13 = arith.constant 0 : index
    %get3A_14 = arith.constant 0 : index
    %get3A_15 = vector.load %arg5[%get3A_13, %get3A_14] : memref<1x512xf32, #tpu.memory_space<vmem>>, vector<1x512xf32>
    %slice3A = vector.extract_strided_slice %get3A_5 {offsets = [0, 0, 0], sizes = [5, 1, 512], strides = [1, 1, 1]} : vector<5x8x512xf32> to vector<5x1x512xf32>
    %reduce_sum3A = arith.constant dense<0.000000e+00> : vector<1x512xf32>
    %reduce_sum3A_16 = vector.multi_reduction <add>, %slice3A, %reduce_sum3A [0] : vector<5x1x512xf32> to vector<1x512xf32>
    %mul3A = arith.constant 9.99999974E-5 : f32
    %mul3A_17 = vector.broadcast %mul3A : f32 to vector<1x512xf32>
    %mul3A_18 = arith.mulf %reduce_sum3A_16, %mul3A_17 : vector<1x512xf32>
    %slice3A_19 = vector.extract_strided_slice %get3A_9 {offsets = [0, 0, 0], sizes = [5, 1, 512], strides = [1, 1, 1]} : vector<5x8x512xf32> to vector<5x1x512xf32>
    %reduce_sum3A_20 = arith.constant dense<0.000000e+00> : vector<1x512xf32>
    %reduce_sum3A_21 = vector.multi_reduction <add>, %slice3A_19, %reduce_sum3A_20 [0] : vector<5x1x512xf32> to vector<1x512xf32>
    %mul3A_22 = arith.constant 9.99999974E-5 : f32
    %mul3A_23 = vector.broadcast %mul3A_22 : f32 to vector<1x512xf32>
    %mul3A_24 = arith.mulf %reduce_sum3A_21, %mul3A_23 : vector<1x512xf32>
    %sub3A = vector.broadcast %mul3A_18 : vector<1x512xf32> to vector<2000x512xf32>
    %sub3A_25 = arith.subf %get3A_1, %sub3A : vector<2000x512xf32>
    %mul3A_26 = vector.broadcast %get3A_12 : vector<1x512xf32> to vector<2000x512xf32>
    %mul3A_27 = arith.mulf %mul3A_26, %sub3A_25 : vector<2000x512xf32>
    %add3A = arith.constant 9.99999974E-6 : f32
    %add3A_28 = vector.broadcast %add3A : f32 to vector<1x512xf32>
    %add3A_29 = arith.addf %mul3A_24, %add3A_28 : vector<1x512xf32>
    %sqrt3A = math.sqrt %add3A_29 : vector<1x512xf32>
    %div3A = vector.broadcast %sqrt3A : vector<1x512xf32> to vector<2000x512xf32>
    %div3A_30 = arith.divf %mul3A_27, %div3A : vector<2000x512xf32>
    %add3A_31 = vector.broadcast %get3A_15 : vector<1x512xf32> to vector<2000x512xf32>
    %add3A_32 = arith.addf %div3A_30, %add3A_31 : vector<2000x512xf32>
    %max3A = arith.constant 0.000000e+00 : f32
    %max3A_33 = vector.broadcast %max3A : f32 to vector<2000x512xf32>
    %max3A_34 = arith.maximumf %add3A_32, %max3A_33 : vector<2000x512xf32>
    %get3A_35 = arith.constant 0 : index
    %get3A_36 = arith.constant 0 : index
    %get3A_37 = vector.load %arg6[%get3A_35, %get3A_36] : memref<512x256xf32, #tpu.memory_space<vmem>>, vector<512x256xf32>
    %dot_general3A = arith.constant dense<0.000000e+00> : vector<2000x256xf32>
    %dot_general3A_38 = tpu.matmul %max3A_34, %get3A_37, %dot_general3A {dimension_numbers = #tpu.dot_dimension_numbers<[1], [0], [0], [1], [0, 0, 1, 1], [], []>, transpose_lhs_hint = false} : vector<2000x512xf32>, vector<512x256xf32>, vector<2000x256xf32> -> vector<2000x256xf32>
    %get3A_39 = arith.constant 0 : index
    %get3A_40 = arith.constant 0 : index
    %get3A_41 = vector.load %arg7[%get3A_39, %get3A_40] : memref<1x256xf32, #tpu.memory_space<vmem>>, vector<1x256xf32>
    %add3A_42 = vector.broadcast %get3A_41 : vector<1x256xf32> to vector<2000x256xf32>
    %add3A_43 = arith.addf %dot_general3A_38, %add3A_42 : vector<2000x256xf32>
    %swap3A = arith.constant 0 : index
    %swap3A_44 = arith.constant 0 : index
    %swap3A_45 = vector.load %arg8[%swap3A, %swap3A_44] : memref<2000x256xf32, #tpu.memory_space<vmem>>, vector<2000x256xf32>
    tpu.vector_store %arg8[%swap3A, %swap3A_44], %add3A_43 {strides = array<i32>} : memref<2000x256xf32, #tpu.memory_space<vmem>>, vector<2000x256xf32>,
    %reduce_sum3A_46 = arith.constant dense<0.000000e+00> : vector<256xf32>
    %reduce_sum3A_47 = vector.multi_reduction <add>, %add3A_43, %reduce_sum3A_46 [0] : vector<2000x256xf32> to vector<256xf32>
    %broadcast_in_dim3A = vector.shape_cast %reduce_sum3A_47 : vector<256xf32> to vector<1x256xf32>
    %broadcast_in_dim3A_48 = arith.constant 0.000000e+00 : f32
    %broadcast_in_dim3A_49 = vector.broadcast %broadcast_in_dim3A_48 : f32 to vector<7x256xf32>
    %concatenate3A = tpu.concatenate %broadcast_in_dim3A, %broadcast_in_dim3A_49 in 0 : vector<1x256xf32>, vector<7x256xf32> -> vector<8x256xf32>
    %swap3A_50 = arith.constant 0 : index
    %swap3A_51 = arith.constant 0 : index
    %swap3A_52 = arith.constant 0 : index
    %swap3A_53 = vector.load %arg9[%swap3A_50, %swap3A_51, %swap3A_52] : memref<1x8x256xf32, #tpu.memory_space<vmem>>, vector<1x8x256xf32>
    %swap3A_54 = vector.shape_cast %swap3A_53 : vector<1x8x256xf32> to vector<8x256xf32>
    %swap3A_55 = vector.shape_cast %concatenate3A : vector<8x256xf32> to vector<1x8x256xf32>
    tpu.vector_store %arg9[%swap3A_50, %swap3A_51, %swap3A_52], %swap3A_55 {strides = array<i32>} : memref<1x8x256xf32, #tpu.memory_space<vmem>>, vector<1x8x256xf32>,
    return
  }
  func.func @transform_0(%arg0: i32) -> (i32, i32) {
    %c0_i32 = arith.constant 0 : i32
    %c0_i32_0 = arith.constant 0 : i32
    return %arg0, %c0_i32 : i32, i32
  }
  func.func @transform_1(%arg0: i32) -> (i32, i32, i32) {
    %c0_i32 = arith.constant 0 : i32
    %c0_i32_0 = arith.constant 0 : i32
    %c0_i32_1 = arith.constant 0 : i32
    %c0_i32_2 = arith.constant 0 : i32
    return %c0_i32, %c0_i32_0, %c0_i32_1 : i32, i32, i32
  }
  func.func @transform_2(%arg0: i32) -> (i32, i32, i32) {
    %c0_i32 = arith.constant 0 : i32
    %c0_i32_0 = arith.constant 0 : i32
    %c0_i32_1 = arith.constant 0 : i32
    %c0_i32_2 = arith.constant 0 : i32
    return %c0_i32, %c0_i32_0, %c0_i32_1 : i32, i32, i32
  }
  func.func @transform_3(%arg0: i32) -> (i32, i32) {
    %c0_i32 = arith.constant 0 : i32
    %c0_i32_0 = arith.constant 0 : i32
    %c0_i32_1 = arith.constant 0 : i32
    return %c0_i32, %c0_i32_0 : i32, i32
  }
  func.func @transform_4(%arg0: i32) -> (i32, i32) {
    %c0_i32 = arith.constant 0 : i32
    %c0_i32_0 = arith.constant 0 : i32
    %c0_i32_1 = arith.constant 0 : i32
    return %c0_i32, %c0_i32_0 : i32, i32
  }
  func.func @transform_5(%arg0: i32) -> (i32, i32) {
    %c0_i32 = arith.constant 0 : i32
    %c0_i32_0 = arith.constant 0 : i32
    %c0_i32_1 = arith.constant 0 : i32
    return %c0_i32, %c0_i32_0 : i32, i32
  }
  func.func @transform_6(%arg0: i32) -> (i32, i32) {
    %c0_i32 = arith.constant 0 : i32
    %c0_i32_0 = arith.constant 0 : i32
    %c0_i32_1 = arith.constant 0 : i32
    return %c0_i32, %c0_i32_0 : i32, i32
  }
  func.func @transform_7(%arg0: i32) -> (i32, i32) {
    %c0_i32 = arith.constant 0 : i32
    %c0_i32_0 = arith.constant 0 : i32
    return %arg0, %c0_i32 : i32, i32
  }
  func.func @transform_8(%arg0: i32) -> (i32, i32, i32) {
    %c0_i32 = arith.constant 0 : i32
    %c0_i32_0 = arith.constant 0 : i32
    %c0_i32_1 = arith.constant 0 : i32
    return %arg0, %c0_i32, %c0_i32_0 : i32, i32, i32
  }
}

module attributes {stable_mosaic.version = 14 : i64} {
  func.func @_stage_c_skip_body(%arg0: i32, %arg1: memref<2000x256xf32, #tpu.memory_space<vmem>>, %arg2: memref<5x8x256xf32, #tpu.memory_space<vmem>>, %arg3: memref<5x8x256xf32, #tpu.memory_space<vmem>>, %arg4: memref<1x256xf32, #tpu.memory_space<vmem>>, %arg5: memref<1x256xf32, #tpu.memory_space<vmem>>, %arg6: memref<2x2000x128xf32, #tpu.memory_space<vmem>>, %arg7: memref<2x2000x128xf32, #tpu.memory_space<vmem>>) attributes {dimension_semantics = [#tpu.dimension_semantics<arbitrary>], iteration_bounds = array<i64: 5>, scalar_prefetch = 0 : i64, scratch_operands = 0 : i64, tpu.core_type = #tpu.core_type<tc>, window_params = [{transform_indices = @transform_0, window_bounds = array<i64: 2000, 256>}, {pipeline_mode = #tpu.pipeline_mode<synchronous>, transform_indices = @transform_1, window_bounds = array<i64: 5, 8, 256>}, {pipeline_mode = #tpu.pipeline_mode<synchronous>, transform_indices = @transform_2, window_bounds = array<i64: 5, 8, 256>}, {pipeline_mode = #tpu.pipeline_mode<synchronous>, transform_indices = @transform_3, window_bounds = array<i64: 1, 256>}, {pipeline_mode = #tpu.pipeline_mode<synchronous>, transform_indices = @transform_4, window_bounds = array<i64: 1, 256>}, {transform_indices = @transform_5, window_bounds = array<i64: 2, 2000, 128>}, {transform_indices = @transform_6, window_bounds = array<i64: 2, 2000, 128>}]} {
    %get3A = arith.constant 0 : index
    %get3A_0 = arith.constant 0 : index
    %get3A_1 = vector.load %arg1[%get3A, %get3A_0] : memref<2000x256xf32, #tpu.memory_space<vmem>>, vector<2000x256xf32>
    %get3A_2 = arith.constant 0 : index
    %get3A_3 = arith.constant 0 : index
    %get3A_4 = arith.constant 0 : index
    %get3A_5 = vector.load %arg2[%get3A_2, %get3A_3, %get3A_4] : memref<5x8x256xf32, #tpu.memory_space<vmem>>, vector<5x8x256xf32>
    %get3A_6 = arith.constant 0 : index
    %get3A_7 = arith.constant 0 : index
    %get3A_8 = arith.constant 0 : index
    %get3A_9 = vector.load %arg3[%get3A_6, %get3A_7, %get3A_8] : memref<5x8x256xf32, #tpu.memory_space<vmem>>, vector<5x8x256xf32>
    %get3A_10 = arith.constant 0 : index
    %get3A_11 = arith.constant 0 : index
    %get3A_12 = vector.load %arg4[%get3A_10, %get3A_11] : memref<1x256xf32, #tpu.memory_space<vmem>>, vector<1x256xf32>
    %get3A_13 = arith.constant 0 : index
    %get3A_14 = arith.constant 0 : index
    %get3A_15 = vector.load %arg5[%get3A_13, %get3A_14] : memref<1x256xf32, #tpu.memory_space<vmem>>, vector<1x256xf32>
    %slice3A = vector.extract_strided_slice %get3A_5 {offsets = [0, 0, 0], sizes = [5, 1, 256], strides = [1, 1, 1]} : vector<5x8x256xf32> to vector<5x1x256xf32>
    %reduce_sum3A = arith.constant dense<0.000000e+00> : vector<1x256xf32>
    %reduce_sum3A_16 = vector.multi_reduction <add>, %slice3A, %reduce_sum3A [0] : vector<5x1x256xf32> to vector<1x256xf32>
    %mul3A = arith.constant 9.99999974E-5 : f32
    %mul3A_17 = vector.broadcast %mul3A : f32 to vector<1x256xf32>
    %mul3A_18 = arith.mulf %reduce_sum3A_16, %mul3A_17 : vector<1x256xf32>
    %slice3A_19 = vector.extract_strided_slice %get3A_9 {offsets = [0, 0, 0], sizes = [5, 1, 256], strides = [1, 1, 1]} : vector<5x8x256xf32> to vector<5x1x256xf32>
    %reduce_sum3A_20 = arith.constant dense<0.000000e+00> : vector<1x256xf32>
    %reduce_sum3A_21 = vector.multi_reduction <add>, %slice3A_19, %reduce_sum3A_20 [0] : vector<5x1x256xf32> to vector<1x256xf32>
    %mul3A_22 = arith.constant 9.99999974E-5 : f32
    %mul3A_23 = vector.broadcast %mul3A_22 : f32 to vector<1x256xf32>
    %mul3A_24 = arith.mulf %reduce_sum3A_21, %mul3A_23 : vector<1x256xf32>
    %sub3A = vector.broadcast %mul3A_18 : vector<1x256xf32> to vector<2000x256xf32>
    %sub3A_25 = arith.subf %get3A_1, %sub3A : vector<2000x256xf32>
    %mul3A_26 = vector.broadcast %get3A_12 : vector<1x256xf32> to vector<2000x256xf32>
    %mul3A_27 = arith.mulf %mul3A_26, %sub3A_25 : vector<2000x256xf32>
    %add3A = arith.constant 9.99999974E-6 : f32
    %add3A_28 = vector.broadcast %add3A : f32 to vector<1x256xf32>
    %add3A_29 = arith.addf %mul3A_24, %add3A_28 : vector<1x256xf32>
    %sqrt3A = math.sqrt %add3A_29 : vector<1x256xf32>
    %div3A = vector.broadcast %sqrt3A : vector<1x256xf32> to vector<2000x256xf32>
    %div3A_30 = arith.divf %mul3A_27, %div3A : vector<2000x256xf32>
    %add3A_31 = vector.broadcast %get3A_15 : vector<1x256xf32> to vector<2000x256xf32>
    %add3A_32 = arith.addf %div3A_30, %add3A_31 : vector<2000x256xf32>
    %max3A = arith.constant 0.000000e+00 : f32
    %max3A_33 = vector.broadcast %max3A : f32 to vector<2000x256xf32>
    %max3A_34 = arith.maximumf %add3A_32, %max3A_33 : vector<2000x256xf32>
    %get3A_35 = arith.constant 0 : index
    %get3A_36 = arith.constant 0 : index
    %get3A_37 = arith.constant 0 : index
    %get3A_38 = vector.load %arg6[%get3A_35, %get3A_36, %get3A_37] : memref<2x2000x128xf32, #tpu.memory_space<vmem>>, vector<1x2000x128xf32>
    %get3A_39 = vector.shape_cast %get3A_38 : vector<1x2000x128xf32> to vector<2000x128xf32>
    %slice3A_40 = vector.extract_strided_slice %max3A_34 {offsets = [0, 0], sizes = [2000, 128], strides = [1, 1]} : vector<2000x256xf32> to vector<2000x128xf32>
    %add3A_41 = arith.addf %get3A_39, %slice3A_40 : vector<2000x128xf32>
    %swap3A = arith.constant 0 : index
    %swap3A_42 = arith.constant 0 : index
    %swap3A_43 = arith.constant 0 : index
    %swap3A_44 = vector.load %arg7[%swap3A, %swap3A_42, %swap3A_43] : memref<2x2000x128xf32, #tpu.memory_space<vmem>>, vector<1x2000x128xf32>
    %swap3A_45 = vector.shape_cast %swap3A_44 : vector<1x2000x128xf32> to vector<2000x128xf32>
    %swap3A_46 = vector.shape_cast %add3A_41 : vector<2000x128xf32> to vector<1x2000x128xf32>
    tpu.vector_store %arg7[%swap3A, %swap3A_42, %swap3A_43], %swap3A_46 {strides = array<i32>} : memref<2x2000x128xf32, #tpu.memory_space<vmem>>, vector<1x2000x128xf32>,
    %get3A_47 = arith.constant 1 : index
    %get3A_48 = arith.constant 0 : index
    %get3A_49 = arith.constant 0 : index
    %get3A_50 = vector.load %arg6[%get3A_47, %get3A_48, %get3A_49] : memref<2x2000x128xf32, #tpu.memory_space<vmem>>, vector<1x2000x128xf32>
    %get3A_51 = vector.shape_cast %get3A_50 : vector<1x2000x128xf32> to vector<2000x128xf32>
    %slice3A_52 = vector.extract_strided_slice %max3A_34 {offsets = [0, 128], sizes = [2000, 128], strides = [1, 1]} : vector<2000x256xf32> to vector<2000x128xf32>
    %add3A_53 = arith.addf %get3A_51, %slice3A_52 : vector<2000x128xf32>
    %swap3A_54 = arith.constant 1 : index
    %swap3A_55 = arith.constant 0 : index
    %swap3A_56 = arith.constant 0 : index
    %swap3A_57 = vector.load %arg7[%swap3A_54, %swap3A_55, %swap3A_56] : memref<2x2000x128xf32, #tpu.memory_space<vmem>>, vector<1x2000x128xf32>
    %swap3A_58 = vector.shape_cast %swap3A_57 : vector<1x2000x128xf32> to vector<2000x128xf32>
    %swap3A_59 = vector.shape_cast %add3A_53 : vector<2000x128xf32> to vector<1x2000x128xf32>
    tpu.vector_store %arg7[%swap3A_54, %swap3A_55, %swap3A_56], %swap3A_59 {strides = array<i32>} : memref<2x2000x128xf32, #tpu.memory_space<vmem>>, vector<1x2000x128xf32>,
    return
  }
  func.func @transform_0(%arg0: i32) -> (i32, i32) {
    %c0_i32 = arith.constant 0 : i32
    %c0_i32_0 = arith.constant 0 : i32
    return %arg0, %c0_i32 : i32, i32
  }
  func.func @transform_1(%arg0: i32) -> (i32, i32, i32) {
    %c0_i32 = arith.constant 0 : i32
    %c0_i32_0 = arith.constant 0 : i32
    %c0_i32_1 = arith.constant 0 : i32
    %c0_i32_2 = arith.constant 0 : i32
    return %c0_i32, %c0_i32_0, %c0_i32_1 : i32, i32, i32
  }
  func.func @transform_2(%arg0: i32) -> (i32, i32, i32) {
    %c0_i32 = arith.constant 0 : i32
    %c0_i32_0 = arith.constant 0 : i32
    %c0_i32_1 = arith.constant 0 : i32
    %c0_i32_2 = arith.constant 0 : i32
    return %c0_i32, %c0_i32_0, %c0_i32_1 : i32, i32, i32
  }
  func.func @transform_3(%arg0: i32) -> (i32, i32) {
    %c0_i32 = arith.constant 0 : i32
    %c0_i32_0 = arith.constant 0 : i32
    %c0_i32_1 = arith.constant 0 : i32
    return %c0_i32, %c0_i32_0 : i32, i32
  }
  func.func @transform_4(%arg0: i32) -> (i32, i32) {
    %c0_i32 = arith.constant 0 : i32
    %c0_i32_0 = arith.constant 0 : i32
    %c0_i32_1 = arith.constant 0 : i32
    return %c0_i32, %c0_i32_0 : i32, i32
  }
  func.func @transform_5(%arg0: i32) -> (i32, i32, i32) {
    %c0_i32 = arith.constant 0 : i32
    %c0_i32_0 = arith.constant 0 : i32
    %c0_i32_1 = arith.constant 0 : i32
    return %c0_i32, %arg0, %c0_i32_0 : i32, i32, i32
  }
  func.func @transform_6(%arg0: i32) -> (i32, i32, i32) {
    %c0_i32 = arith.constant 0 : i32
    %c0_i32_0 = arith.constant 0 : i32
    %c0_i32_1 = arith.constant 0 : i32
    return %c0_i32, %arg0, %c0_i32_0 : i32, i32, i32
  }
}

module attributes {stable_mosaic.version = 14 : i64} {
  func.func @_stage_c_flat_body(%arg0: i32, %arg1: memref<2000x256xf32, #tpu.memory_space<vmem>>, %arg2: memref<5x8x256xf32, #tpu.memory_space<vmem>>, %arg3: memref<5x8x256xf32, #tpu.memory_space<vmem>>, %arg4: memref<1x256xf32, #tpu.memory_space<vmem>>, %arg5: memref<1x256xf32, #tpu.memory_space<vmem>>, %arg6: memref<2000x256xf32, #tpu.memory_space<vmem>>) attributes {dimension_semantics = [#tpu.dimension_semantics<arbitrary>], iteration_bounds = array<i64: 5>, scalar_prefetch = 0 : i64, scratch_operands = 0 : i64, tpu.core_type = #tpu.core_type<tc>, window_params = [{transform_indices = @transform_0, window_bounds = array<i64: 2000, 256>}, {pipeline_mode = #tpu.pipeline_mode<synchronous>, transform_indices = @transform_1, window_bounds = array<i64: 5, 8, 256>}, {pipeline_mode = #tpu.pipeline_mode<synchronous>, transform_indices = @transform_2, window_bounds = array<i64: 5, 8, 256>}, {pipeline_mode = #tpu.pipeline_mode<synchronous>, transform_indices = @transform_3, window_bounds = array<i64: 1, 256>}, {pipeline_mode = #tpu.pipeline_mode<synchronous>, transform_indices = @transform_4, window_bounds = array<i64: 1, 256>}, {transform_indices = @transform_5, window_bounds = array<i64: 2000, 256>}]} {
    %get3A = arith.constant 0 : index
    %get3A_0 = arith.constant 0 : index
    %get3A_1 = vector.load %arg1[%get3A, %get3A_0] : memref<2000x256xf32, #tpu.memory_space<vmem>>, vector<2000x256xf32>
    %get3A_2 = arith.constant 0 : index
    %get3A_3 = arith.constant 0 : index
    %get3A_4 = arith.constant 0 : index
    %get3A_5 = vector.load %arg2[%get3A_2, %get3A_3, %get3A_4] : memref<5x8x256xf32, #tpu.memory_space<vmem>>, vector<5x8x256xf32>
    %get3A_6 = arith.constant 0 : index
    %get3A_7 = arith.constant 0 : index
    %get3A_8 = arith.constant 0 : index
    %get3A_9 = vector.load %arg3[%get3A_6, %get3A_7, %get3A_8] : memref<5x8x256xf32, #tpu.memory_space<vmem>>, vector<5x8x256xf32>
    %get3A_10 = arith.constant 0 : index
    %get3A_11 = arith.constant 0 : index
    %get3A_12 = vector.load %arg4[%get3A_10, %get3A_11] : memref<1x256xf32, #tpu.memory_space<vmem>>, vector<1x256xf32>
    %get3A_13 = arith.constant 0 : index
    %get3A_14 = arith.constant 0 : index
    %get3A_15 = vector.load %arg5[%get3A_13, %get3A_14] : memref<1x256xf32, #tpu.memory_space<vmem>>, vector<1x256xf32>
    %slice3A = vector.extract_strided_slice %get3A_5 {offsets = [0, 0, 0], sizes = [5, 1, 256], strides = [1, 1, 1]} : vector<5x8x256xf32> to vector<5x1x256xf32>
    %reduce_sum3A = arith.constant dense<0.000000e+00> : vector<1x256xf32>
    %reduce_sum3A_16 = vector.multi_reduction <add>, %slice3A, %reduce_sum3A [0] : vector<5x1x256xf32> to vector<1x256xf32>
    %mul3A = arith.constant 9.99999974E-5 : f32
    %mul3A_17 = vector.broadcast %mul3A : f32 to vector<1x256xf32>
    %mul3A_18 = arith.mulf %reduce_sum3A_16, %mul3A_17 : vector<1x256xf32>
    %slice3A_19 = vector.extract_strided_slice %get3A_9 {offsets = [0, 0, 0], sizes = [5, 1, 256], strides = [1, 1, 1]} : vector<5x8x256xf32> to vector<5x1x256xf32>
    %reduce_sum3A_20 = arith.constant dense<0.000000e+00> : vector<1x256xf32>
    %reduce_sum3A_21 = vector.multi_reduction <add>, %slice3A_19, %reduce_sum3A_20 [0] : vector<5x1x256xf32> to vector<1x256xf32>
    %mul3A_22 = arith.constant 9.99999974E-5 : f32
    %mul3A_23 = vector.broadcast %mul3A_22 : f32 to vector<1x256xf32>
    %mul3A_24 = arith.mulf %reduce_sum3A_21, %mul3A_23 : vector<1x256xf32>
    %sub3A = vector.broadcast %mul3A_18 : vector<1x256xf32> to vector<2000x256xf32>
    %sub3A_25 = arith.subf %get3A_1, %sub3A : vector<2000x256xf32>
    %mul3A_26 = vector.broadcast %get3A_12 : vector<1x256xf32> to vector<2000x256xf32>
    %mul3A_27 = arith.mulf %mul3A_26, %sub3A_25 : vector<2000x256xf32>
    %add3A = arith.constant 9.99999974E-6 : f32
    %add3A_28 = vector.broadcast %add3A : f32 to vector<1x256xf32>
    %add3A_29 = arith.addf %mul3A_24, %add3A_28 : vector<1x256xf32>
    %sqrt3A = math.sqrt %add3A_29 : vector<1x256xf32>
    %div3A = vector.broadcast %sqrt3A : vector<1x256xf32> to vector<2000x256xf32>
    %div3A_30 = arith.divf %mul3A_27, %div3A : vector<2000x256xf32>
    %add3A_31 = vector.broadcast %get3A_15 : vector<1x256xf32> to vector<2000x256xf32>
    %add3A_32 = arith.addf %div3A_30, %add3A_31 : vector<2000x256xf32>
    %max3A = arith.constant 0.000000e+00 : f32
    %max3A_33 = vector.broadcast %max3A : f32 to vector<2000x256xf32>
    %max3A_34 = arith.maximumf %add3A_32, %max3A_33 : vector<2000x256xf32>
    %swap3A = arith.constant 0 : index
    %swap3A_35 = arith.constant 0 : index
    %swap3A_36 = vector.load %arg6[%swap3A, %swap3A_35] : memref<2000x256xf32, #tpu.memory_space<vmem>>, vector<2000x256xf32>
    tpu.vector_store %arg6[%swap3A, %swap3A_35], %max3A_34 {strides = array<i32>} : memref<2000x256xf32, #tpu.memory_space<vmem>>, vector<2000x256xf32>,
    return
  }
  func.func @transform_0(%arg0: i32) -> (i32, i32) {
    %c0_i32 = arith.constant 0 : i32
    %c0_i32_0 = arith.constant 0 : i32
    return %arg0, %c0_i32 : i32, i32
  }
  func.func @transform_1(%arg0: i32) -> (i32, i32, i32) {
    %c0_i32 = arith.constant 0 : i32
    %c0_i32_0 = arith.constant 0 : i32
    %c0_i32_1 = arith.constant 0 : i32
    %c0_i32_2 = arith.constant 0 : i32
    return %c0_i32, %c0_i32_0, %c0_i32_1 : i32, i32, i32
  }
  func.func @transform_2(%arg0: i32) -> (i32, i32, i32) {
    %c0_i32 = arith.constant 0 : i32
    %c0_i32_0 = arith.constant 0 : i32
    %c0_i32_1 = arith.constant 0 : i32
    %c0_i32_2 = arith.constant 0 : i32
    return %c0_i32, %c0_i32_0, %c0_i32_1 : i32, i32, i32
  }
  func.func @transform_3(%arg0: i32) -> (i32, i32) {
    %c0_i32 = arith.constant 0 : i32
    %c0_i32_0 = arith.constant 0 : i32
    %c0_i32_1 = arith.constant 0 : i32
    return %c0_i32, %c0_i32_0 : i32, i32
  }
  func.func @transform_4(%arg0: i32) -> (i32, i32) {
    %c0_i32 = arith.constant 0 : i32
    %c0_i32_0 = arith.constant 0 : i32
    %c0_i32_1 = arith.constant 0 : i32
    return %c0_i32, %c0_i32_0 : i32, i32
  }
  func.func @transform_5(%arg0: i32) -> (i32, i32) {
    %c0_i32 = arith.constant 0 : i32
    %c0_i32_0 = arith.constant 0 : i32
    return %arg0, %c0_i32 : i32, i32
  }
}

</mosaic_0001>

<sc_bundles>
// kernel: kernel.32.cloned.1.call-start
scs
__scs_entry_jumppad:
0x0: {  	(pc) =	sbr.rel $0x88, $3  }
0x1: {  	(tag) =	ssettag $0x0;
	lr =	simm.s32 $0x1  }
0x2: {  	[smem:$0x3F77] =	sst lr;
	_ =	strace $0xD0000000  }
0x3: {  	_ = 	snop  }
0x4: {  	_ = 	snop  }
0x5: {  	_ = 	snop  }
0x6: {  	_ = 	snop  }
0x7: {  	_ = 	snop  }
__scs_overlays_trampoline_lowered:
0x8: {  	[smem:$0x3F86] =	sst s0  }
0x9: {  	[smem:$0x3F87] =	sst s1  }
0xa: {  	[smem:$0x3F88] =	sst s2  }
0xb: {  	[smem:$0x3F89] =	sst s3  }
0xc: {  	[smem:$0x3F8A] =	sst s4  }
0xd: {  	[smem:$0x3F8B] =	sst s5  }
0xe: {  	[smem:$0x3F8C] =	sst s6  }
0xf: {  	[smem:$0x3F8D] =	sst s7  }
0x10: {  	[smem:$0x3F8E] =	sst s8  }
0x11: {  	[smem:$0x3F8F] =	sst s9;
	s0 =	simm.s32 @!p0 $0x0  }
0x12: {  	s1 =	sld [smem:$0x3F75];
	s0 =	simm.s32 @p0 $0x1  }
0x13: {  	[smem:$0x3F90] =	sst s0;
	s0 =	simm.s32 @!p1 $0x0  }
0x14: {  	s2 =	sld [smem:$0x3F74];
	s0 =	simm.s32 @p1 $0x1  }
0x15: {  	[smem:$0x3F91] =	sst s0;
	s0 =	simm.s32 @!p2 $0x0  }
0x16: {  	s3 =	sld [smem:$0x3FDB];
	s0 =	simm.s32 @p2 $0x1  }
0x17: {  	s4 =	simm.s32 $0x1BF5;
	[smem:$0x3F93] =	sst s0  }
0x18: {  	s0 =	sld [smem:$0x3F76];
	_ =	swait.ge [sflag:s4], $0x0  }
0x19: {  	s7 =	sld [smem:$0x3F77]  }
0x1a: {  	s8 =	sadd.s32 $0xFFFFE003, lr  }
0x1b: {  	s9 =	sadd.s32 $0xFFFFFEF7, lr;
	s5 =	simm.s32 $0xFFFFFFFF;
	p2 =	slt.u32 s8, $0xFFFFF086  }
0x1c: {  	p1 =	slt.u32 s9, $0xF7A;
	s5 =	simm.s32 @!p2 $0x0  }
0x1d: {  	s5 =	simm.s32 @p1 $0x1;
	p0 =	seq.s32 s7, s2  }
0x1e: {  	s7 =	smul.u32 @!p0 $0xF7A, s2;
	p2 =	seq.s32 @!p0 s5, $0x0  }
0x1f: {  	s9 =	smul.u32 $0xF7A, s1;
	s8 =	simm.s32 @!p0 $0x1BF5;
	p2 =	por !p2, p0  }
0x20: {  	[sflag:s8] =	ssyncset.s32 @!p0 $0xFFFFF086;
	s6 =	sadd.s32 @!p0 s3, s7;
	s7 =	simm.s32 @!p0 $0x108  }
0x21: {  	s3 =	sadd.s32 s3, s9;
	s6 =	sadd.s32 @!p0 $0x88, s6;
	s7 =	simm.s32 @p2 $0x1082  }
0x22: {  	[simem:s7], [sflag:s8] =	dma.local @!p0 [hbm:s6], $0xF7A  }
0x23: {  	s9 =	sor.u32 $0xD0000000, s2;
	s6 =	simm.s32 $0x108;
	_ =	swait.ge @!p0 [sflag:s8], $0x0  }
0x24: {  	s3 =	sadd.s32 $0x88, s3;
	s6 =	simm.s32 @!p1 $0x1082;
	[sflag:s4] =	ssyncset.s32 $0xFFFFF086  }
0x25: {  	[simem:s6], [sflag:s4] =	dma.local [hbm:s3], $0xF7A  }
0x26: {  	[smem:$0x3F77] =	sst s1;
	(tag) =	ssettag s2;
	_ =	strace s9  }
0x27: {  	s1 =	sld [smem:$0x3F87]  }
0x28: {  	s2 =	sld [smem:$0x3F88]  }
0x29: {  	s4 =	sld [smem:$0x3F8A]  }
0x2a: {  	p0 =	seq.s32 s5, $0x0;
	s5 =	sld [smem:$0x3F8B]  }
0x2b: {  	s6 =	sld [smem:$0x3F8C]  }
0x2c: {  	s7 =	sld [smem:$0x3F8D]  }
0x2d: {  	s3 =	simm.s32 $0x108;
	s8 =	sld [smem:$0x3F8E]  }
0x2e: {  	s3 =	simm.s32 @!p0 $0x1082;
	s9 =	sld [smem:$0x3F8F]  }
0x2f: {  	lr =	sadd.s32 s0, s3;
	s0 =	sld [smem:$0x3F86]  }
0x30: {  	s3 =	sld [smem:$0x3F89]  }
0x31: {  	[smem:$0x3F92] =	sst s10  }
0x32: {  	s10 =	sld [smem:$0x3F90];
	_ =	sdelay $0x3  }
0x33: {  	p0 =	seq.s32 s10, $0x1;
	s10 =	sld [smem:$0x3F92];
	_ =	sdelay $0x3  }
0x34: {  	[smem:$0x3F92] =	sst s10  }
0x35: {  	s10 =	sld [smem:$0x3F91];
	_ =	sdelay $0x3  }
0x36: {  	p1 =	seq.s32 s10, $0x1;
	s10 =	sld [smem:$0x3F92];
	_ =	sdelay $0x3  }
0x37: {  	[smem:$0x3F92] =	sst s10  }
0x38: {  	s10 =	sld [smem:$0x3F93]  }
0x39: {  	_ = 	snop;
	(pc) =	sbr.ind lr, $3  }
0x3a: {  	_ = 	snop  }
0x3b: {  	_ = 	snop  }
0x3c: {  	p2 =	seq.s32 s10, $0x1;
	s10 =	sld [smem:$0x3F92]  }
0x3d: {  	_ =	shalt  }
0x3e: {  	_ =	shalt  }
0x3f: {  	_ =	shalt  }
0x40: {  	_ =	shalt  }
0x41: {  	_ =	shalt  }
0x42: {  	_ =	shalt  }
0x43: {  	_ =	shalt  }
0x44: {  	_ =	shalt  }
0x45: {  	_ =	shalt  }
0x46: {  	_ =	shalt  }
0x47: {  	_ =	shalt  }
0x48: {  	_ =	shalt  }
0x49: {  	_ =	shalt  }
0x4a: {  	_ =	shalt  }
0x4b: {  	_ =	shalt  }
0x4c: {  	_ =	shalt  }
0x4d: {  	_ =	shalt  }
0x4e: {  	_ =	shalt  }
0x4f: {  	_ =	shalt  }
0x50: {  	_ =	shalt  }
0x51: {  	_ =	shalt  }
0x52: {  	_ =	shalt  }
0x53: {  	_ =	shalt  }
0x54: {  	_ =	shalt  }
0x55: {  	_ =	shalt  }
0x56: {  	_ =	shalt  }
0x57: {  	_ =	shalt  }
0x58: {  	_ =	shalt  }
0x59: {  	_ =	shalt  }
0x5a: {  	_ =	shalt  }
0x5b: {  	_ =	shalt  }
0x5c: {  	_ =	shalt  }
0x5d: {  	_ =	shalt  }
0x5e: {  	_ =	shalt  }
0x5f: {  	_ =	shalt  }
0x60: {  	_ =	shalt  }
0x61: {  	_ =	shalt  }
0x62: {  	_ =	shalt  }
0x63: {  	_ =	shalt  }
0x64: {  	_ =	shalt  }
0x65: {  	_ =	shalt  }
0x66: {  	_ =	shalt  }
0x67: {  	_ =	shalt  }
0x68: {  	_ =	shalt  }
0x69: {  	_ =	shalt  }
0x6a: {  	_ =	shalt  }
0x6b: {  	_ =	shalt  }
0x6c: {  	_ =	shalt  }
0x6d: {  	_ =	shalt  }
0x6e: {  	_ =	shalt  }
0x6f: {  	_ =	shalt  }
0x70: {  	_ =	shalt  }
0x71: {  	_ =	shalt  }
0x72: {  	_ =	shalt  }
0x73: {  	_ =	shalt  }
0x74: {  	_ =	shalt  }
0x75: {  	_ =	shalt  }
0x76: {  	_ =	shalt  }
0x77: {  	_ =	shalt  }
0x78: {  	_ =	shalt  }
0x79: {  	_ =	shalt  }
0x7a: {  	_ =	shalt  }
0x7b: {  	_ =	shalt  }
0x7c: {  	_ =	shalt  }
0x7d: {  	_ =	shalt  }
0x7e: {  	_ =	shalt  }
0x7f: {  	_ =	shalt  }
0x80: {  	_ =	shalt  }
0x81: {  	_ =	shalt  }
0x82: {  	_ =	shalt  }
0x83: {  	_ =	shalt  }
0x84: {  	_ =	shalt  }
0x85: {  	_ =	shalt  }
0x86: {  	_ =	shalt  }
0x87: {  	_ =	shalt  }
.Lfunc_end0:
.L_simem_size_0:
called_computation_lowered:
.L_overlay_start_0:
0x88: {  	s2 =	sld [smem:$0x3FD9]  }
0x89: {  	s3 =	sld [smem:$0x3FFE];
	_ =	sdelay $0x1  }
0x8a: {  	s1 =	srdreg.scid  }
0x8b: {  	s0 =	sand.u32 $0x1, s1  }
0x8c: {  	s17 =	sshll.u32 s0, $0xA;
	s2 =	sadd.s32 s3, s2  }
0x8d: {  	s2 =	sadd.s32 s2, s17  }
0x8e: {  	[smem:$0x3F9E] =	sst s2  }
0x8f: {  	_ = 	snop  }
0x90: {  	s2 =	sld [smem:$0x3FD0];
	(tm) =	ssettm $0x1  }
0x91: {  	s18 =	sld [smem:$0x3FFB];
	_ =	sdelay $0x3  }
0x92: {  	_ =	strace s18  }
0x93: {  	s3 =	sld [smem:$0x3FFC];
	_ =	sdelay $0x3  }
0x94: {  	_ =	strace s3  }
0x95: {  	s3 =	sld [smem:$0x3FFD];
	_ =	sdelay $0x3  }
0x96: {  	_ =	strace s3  }
0x97: {  	_ =	strace $0x8FFFFFFF  }
0x98: {  	s19 =	sld [smem:$0x3FDB];
	_ =	sdelay $0x1  }
0x99: {  	s4 =	simm.s32 $_scs_section_size  }
0x9a: {  	s5 =	simm.s32 $_size__tile_overlayer_lowered;
	s6 =	simm.s32 $_tile_overlayer_lowered  }
0x9b: {  	s22 =	simm.s32 $0x1BFF;
	s21 =	sshll.u32 s6, $0x1;
	s3 =	sadd.s32 s4, s19  }
0x9c: {  	s7 =	simm.s32 $0x0;
	s20 =	sshll.u32 s5, $0x1;
	s5 =	sadd.s32 s21, s3  }
0x9d: {  	[timem:s7], [sflag:s22] =	dma.local [hbm:s5], s20  }
0x9e: {  	_ =	swait.ge [sflag:s22], s20  }
0x9f: {  	s4 =	ssub.s32 $0x0, s20;
	[sflag:s22] =	ssyncset.done $0x0  }
0xa0: {  	[sflag:s22] =	ssyncadd.s32 s4;
	_ =	sdelay $0x1  }
0xa1: {  	s23 =	simm.s32 $0x1B8B  }
0xa2: {  	_ =	swait.ge [sflag:s23], $0x1  }
0xa3: {  	[sflag:s23] =	ssyncset.done $0x0  }
0xa4: {  	s25 =	simm.s32 $0x1B8E;
	s24 =	sld [smem:$0x3FFE];
	[sflag:s23] =	ssyncadd.s32 $0xFFFFFFFF  }
0xa5: {  	s26 =	simm.s32 $execute0_lowered;
	[smem:$0x3FD2] =	sst s25  }
0xa6: {  	s5 =	sshll.u32 s26, $0x1;
	_ =	strace $0x80000046;
	[dreg:$0x1] =	wrdreg $0xFFFFFFFF  }
0xa7: {  	s28 =	simm.s32 $_size_execute0_lowered;
	s3 =	sadd.s32 s3, s5;
	[dreg:$0x0] =	wrdreg $0x0  }
0xa8: {  	s5 =	sshll.u32 s28, $0x1;
	[dreg:$0x2] =	wrdreg s3  }
0xa9: {  	[dreg:$0x3] =	wrdreg s5  }
0xaa: {  	[dreg:$0x4] =	wrdreg $0xC0  }
0xab: {  	_ =	task [dreg:s7], $0x5FFFF  }
0xac: {  	[dreg:$0x1] =	wrdreg $0xFFFFFFFF  }
0xad: {  	[dreg:$0x0] =	wrdreg $0x60  }
0xae: {  	[dreg:$0x2] =	wrdreg s2  }
0xaf: {  	[dreg:$0x3] =	wrdreg s24  }
0xb0: {  	[dreg:$0x4] =	wrdreg $0x90000  }
0xb1: {  	[dreg:$0x5] =	wrdreg $0x9  }
0xb2: {  	_ =	task.clear_ibuf [dreg:s7], $0x6FFFF;
	_ =	strace $0x90000046  }
0xb3: {  	s29 =	simm.s32 $0x9;
	_ =	strace $0x80000048  }
0xb4: {  	_ =	swait.ge [sflag:s29], $0x1  }
0xb5: {  	[sflag:s29] =	ssyncadd.s32 $0xFFFFFFFF  }
0xb6: {  	_ =	strace $0x90000048  }
0xb7: {  	_ =	sfence  }
0xb8: {  	s30 =	sld [smem:$0x0];
	_ =	sdelay $0x2  }
0xb9: {  	s31 =	sshll.u32 s1, $0xD;
	s1 =	sshrl.u32 s1, $0x2  }
0xba: {  	s3 =	sand.u32 $0x4000, s31;
	s1 =	sadd.s32 s1, s30  }
0xbb: {  	s0 =	sor.u32 s3, s0;
	s1 =	sshll.u32 s1, $0x11  }
0xbc: {  	s0 =	sor.u32 s1, s0  }
0xbd: {  	s0 =	sadd.s32 $0x8F2B, s0  }
0xbe: {  	[sflag:s0] =	ssyncadd.remote.s32 $0x1  }
0xbf: {  	_ =	sfence.sel $0xFFFF  }
0xc0: {  	[dreg:$0x0] =	wrdreg $0xFFFFFFFF;
	(pc) =	sbr.abs _section_cstart, $3  }
0xc1: {  	[dreg:$0x1] =	wrdreg $0xFFFFFFFF  }
0xc2: {  	_ =	task.clear_ibuf [dreg:s7], $0x2FFFF;
	_ =	strace $0x9FFFFFFF  }
0xc3: {  	(tm) =	ssettm $0x7FFFFFFF  }
tec
execute0_lowered:
.L_overlay_start_1:
0x0: {  	(tag) =	ssettag $0x1  }
0x1: {  	s7 =	rddreg [dreg:$0x0]  }
0x2: {  	s4 =	rddreg [dreg:$0x1]  }
0x3: {  	s2 =	rddreg [dreg:$0x2]  }
0x4: {  	s0 =	rddreg [dreg:$0x3];
	s3 =	simm.s32 $0x0;
	s1 =	stileid.u32  }
0x5: {  	s6 =	srdreg.scid;
	s13 =	simm.s32 $0x80;
	s5 =	smul.u32 $0x500, s1  }
0x6: {  	s14 =	simm.s32 $0x5000;
	s15 =	simm.s32 $0x1;
	s16 =	smul.u32 $0x2780, s1  }
0x7: {  	[smem:$0x7FF] =	sst s3;
	s6 =	sand.u32 $0x1, s6;
	s12 =	smul.u32 $0x4F000, s1  }
0x8: {  	s31 =	sshll.u32 s1, $0x6;
	_ =	strace $0x80000047;
	s8 =	smul.u32 $0x27800, s6  }
0x9: {  	s9 =	ssub.s32 $0x2, s6;
	s29 =	smul.u32 $0x27100, s6;
	s5 =	sadd.s32 s5, s4  }
0xa: {  	s10 =	sadd.s32 s16, s4;
	s11 =	sshrl.u32 s9, $0x1;
	s30 =	sshrl.u32 s12, $0x2  }
0xb: {  	s8 =	sadd.s32 s8, s4;
	s9 =	ssub.s32 s9, s11;
	s4 =	sadd.s32 $0xF200, s5  }
0xc: {  	s5 =	sadd.s32 $0xA200, s5;
	s12 =	sadd.s32 s30, s2;
	s6 =	sadd.s32 $0x14200, s10  }
0xd: {  	s7 =	sadd.s32 s7, s29;
	s10 =	simm.s32 $0x2800;
	s11 =	sor.u32 $0x1C02, s31  }
0xe: {  	s17 =	sadd.s32 $0x3BA00, s8;
	s8 =	smax.u32 s9, $0x1;
	s9 =	simm.s32 $0x2  }
0xf: {  	s12 =	sshrl.u32 s12, $0x3;
	s16 =	sadd.s32 s16, s17;
	s17 =	simm.s32 $0x0  }
.LBB2_1:
0x10: {  	[tilespmem:s3], [sflag:$0x2] =	stream.linear.gather [hbm4b:s4+s3], $0x2800, $0x38;
	[tilespmem:$0x1CC00] =	vst v63  }
0x11: {  	_ =	swait.ge [sflag:s9], $0x2800  }
0x12: {  	[sflag:s9] =	ssyncset.done $0x0  }
0x13: {  	[sflag:s9] =	ssyncadd.s32 $0xFFFFD800  }
0x14: {  	[tilespmem:s10], [sflag:$0x2] =	stream.linear.gather [hbm4b:s5+s3], $0x2800, $0x38;
	[tilespmem:$0x1CC00] =	vst v63  }
0x15: {  	_ =	swait.ge [sflag:s9], $0x2800  }
0x16: {  	[sflag:s9] =	ssyncset.done $0x0  }
0x17: {  	[sflag:s9] =	ssyncadd.s32 $0xFFFFD800  }
0x18: {  	[spmem:s12], [sflag:s11] =	dma.local [hbm:s6], $0x2780  }
0x19: {  	_ =	swait.ge [sflag:s9], $0x2780  }
0x1a: {  	[sflag:s9] =	ssyncset.done $0x0  }
0x1b: {  	[sflag:s9] =	ssyncadd.s32 $0xFFFFD880  }
0x1c: {  	s18 =	simm.s32 $0x0;
	[bflag:$0x0] =	sbarrier.arrive $0xFFFF  }
0x1d: {  	[tilespmem:s14], [sflag:$0x1] =	stream.indirect.gather [hbm4b:s7+s13], $0x80, s18, s13, $0xb8;
	[tilespmem:$0x1CC00] =	vst v63  }
0x1e: {  	_ =	swait.ge [sflag:s15], $0x4000  }
0x1f: {  	[sflag:s15] =	ssyncset.done $0x0  }
0x20: {  	s31 =	simm.s32 $0x2800;
	[sflag:s15] =	ssyncadd.s32 $0xFFFFC000  }
0x21: {  	[spmem:s2] =	stream.indirect.scatter.add.f32 [tilespmem:s14], [sflag:$0x2], $0x80, s31, s13, $0xb8;
	[tilespmem:$0x1CC00] =	vst v63  }
0x22: {  	_ =	swait.ge [sflag:s9], $0x4000  }
0x23: {  	s19 =	simm.s32 $0x400;
	s18 =	simm.s32 $0x200;
	[sflag:s9] =	ssyncset.done $0x0  }
.LBB2_2:
0x24: {  	s20 =	sshra.s32 s18, $0x2  }
0x25: {  	[sflag:s9] =	ssyncadd.s32 $0xFFFFC000;
	s18 =	smov.u32 s19;
	s21 =	sadd.s32 $0x200, s19  }
0x26: {  	[tilespmem:s14], [sflag:$0x1] =	stream.indirect.gather [hbm4b:s7+s13], $0x80, s20, s13, $0xb8;
	[tilespmem:$0x1CC00] =	vst v63  }
0x27: {  	p0 =	sne.s32 s19, $0x9E00;
	_ =	swait.ge [sflag:s15], $0x4000  }
.Ltmp0:
0x28: {  	[sflag:s15] =	ssyncset.done $0x0;
	(pc) =	sbr.rel @p0 .LBB2_2-.Ltmp0, $4  }
0x29: {  	s19 =	sadd.s32 $0x2800, s20;
	[sflag:s15] =	ssyncadd.s32 $0xFFFFC000  }
0x2a: {  	[spmem:s2] =	stream.indirect.scatter.add.f32 [tilespmem:s14], [sflag:$0x2], $0x80, s19, s13, $0xb8;
	[tilespmem:$0x1CC00] =	vst v63  }
0x2b: {  	_ =	swait.ge [sflag:s9], $0x4000  }
0x2c: {  	s19 =	smov.u32 s21;
	[sflag:s9] =	ssyncset.done $0x0  }
0x2d: {  	s18 =	sshra.s32 s18, $0x2;
	[sflag:s9] =	ssyncadd.s32 $0xFFFFC000  }
0x2e: {  	[tilespmem:s14], [sflag:$0x1] =	stream.indirect.gather [hbm4b:s7+s13], $0x80, s18, s13, $0xb8;
	[tilespmem:$0x1CC00] =	vst v63  }
0x2f: {  	_ =	swait.ge [sflag:s15], $0x4000  }
0x30: {  	[sflag:s15] =	ssyncset.done $0x0  }
0x31: {  	s18 =	sadd.s32 $0x2800, s18;
	[sflag:s15] =	ssyncadd.s32 $0xFFFFC000  }
0x32: {  	[spmem:s2] =	stream.indirect.scatter.add.f32 [tilespmem:s14], [sflag:$0x2], $0x80, s18, s13, $0xb8;
	[tilespmem:$0x1CC00] =	vst v63  }
0x33: {  	_ =	swait.ge [sflag:s9], $0x4000  }
0x34: {  	s17 =	sadd.s32 $0x1, s17;
	[sflag:s9] =	ssyncset.done $0x0  }
0x35: {  	p0 =	sne.s32 s17, s8;
	[sflag:s9] =	ssyncadd.s32 $0xFFFFC000  }
.Ltmp1:
0x36: {  	[bflag:$0x0] =	sbarrier.arrive $0xFFFF;
	(pc) =	sbr.rel @p0 .LBB2_1-.Ltmp1, $4  }
0x37: {  	[hbm:s16], [sflag:s11] =	dma.local [spmem:s12], $0x2780  }
0x38: {  	_ =	swait.ge [sflag:s9], $0x2780  }
0x39: {  	[sflag:s9] =	ssyncset.done $0x0  }
0x3a: {  	[sflag:s9] =	ssyncadd.s32 $0xFFFFD880  }
0x3b: {  	_ =	sfence.sel $0x180000  }
0x3c: {  	[bflag:$0x0] =	sbarrier.arrive $0xFFFF  }
0x3d: {  	p0 =	sne.s32 s1, $0x0;
	_ =	strace $0x90000047  }
0x3e: {  	s0 =	sadd.s32 @!p0 $0x100000, s0;
	[bflag:$0x2] =	sbarrier.arrive $0xFFFF  }
0x3f: {  	[sflag:s0] =	ssyncadd.tile.s32 @!p0 $0x1;
	_ =	shalt  }
.Lfunc_end2:
_tile_overlayer_lowered:
.L_overlay_start_2:
0x40: {  	(tag) =	ssettag $0x2  }
0x41: {  	s0 =	rddreg [dreg:$0x0];
	s2 =	stileid.u32  }
0x42: {  	s1 =	rddreg [dreg:$0x1];
	p0 =	sne.s32 s2, $0x0  }
0x43: {  	s3 =	rddreg [dreg:$0x2];
	[bflag:$0x3] =	sbarrier.arrive $0xFFFF;
	s2 =	simm.s32 @!p0 $0x1C02  }
0x44: {  	[timem:s3], [sflag:s2] =	dma.local @!p0 [hbm:s0], s1  }
0x45: {  	s0 =	simm.s32 @!p0 $0x2  }
0x46: {  	_ =	swait.ge @!p0 [sflag:s0], s1  }
0x47: {  	s1 =	ssub.s32 @!p0 $0x0, s1;
	[sflag:s0] =	ssyncset.done @!p0 $0x0  }
0x48: {  	[sflag:s0] =	ssyncadd.s32 @!p0 s1  }
0x49: {  	[bflag:$0x3] =	sbarrier.arrive $0xFFFF  }
0x4a: {  	_ =	shalt  }

// kernel: kernel.35.cloned.1.call-start
scs
__scs_entry_jumppad:
0x0: {  	(pc) =	sbr.rel $0x88, $3  }
0x1: {  	(tag) =	ssettag $0x0;
	lr =	simm.s32 $0x1  }
0x2: {  	[smem:$0x3F77] =	sst lr;
	_ =	strace $0xD0000000  }
0x3: {  	_ = 	snop  }
0x4: {  	_ = 	snop  }
0x5: {  	_ = 	snop  }
0x6: {  	_ = 	snop  }
0x7: {  	_ = 	snop  }
__scs_overlays_trampoline_lowered:
0x8: {  	[smem:$0x3F86] =	sst s0  }
0x9: {  	[smem:$0x3F87] =	sst s1  }
0xa: {  	[smem:$0x3F88] =	sst s2  }
0xb: {  	[smem:$0x3F89] =	sst s3  }
0xc: {  	[smem:$0x3F8A] =	sst s4  }
0xd: {  	[smem:$0x3F8B] =	sst s5  }
0xe: {  	[smem:$0x3F8C] =	sst s6  }
0xf: {  	[smem:$0x3F8D] =	sst s7  }
0x10: {  	[smem:$0x3F8E] =	sst s8  }
0x11: {  	[smem:$0x3F8F] =	sst s9;
	s0 =	simm.s32 @!p0 $0x0  }
0x12: {  	s1 =	sld [smem:$0x3F75];
	s0 =	simm.s32 @p0 $0x1  }
0x13: {  	[smem:$0x3F90] =	sst s0;
	s0 =	simm.s32 @!p1 $0x0  }
0x14: {  	s2 =	sld [smem:$0x3F74];
	s0 =	simm.s32 @p1 $0x1  }
0x15: {  	[smem:$0x3F91] =	sst s0;
	s0 =	simm.s32 @!p2 $0x0  }
0x16: {  	s3 =	sld [smem:$0x3FDB];
	s0 =	simm.s32 @p2 $0x1  }
0x17: {  	s4 =	simm.s32 $0x1BF5;
	[smem:$0x3F93] =	sst s0  }
0x18: {  	s0 =	sld [smem:$0x3F76];
	_ =	swait.ge [sflag:s4], $0x0  }
0x19: {  	s7 =	sld [smem:$0x3F77]  }
0x1a: {  	s8 =	sadd.s32 $0xFFFFE003, lr  }
0x1b: {  	s9 =	sadd.s32 $0xFFFFFEF7, lr;
	s5 =	simm.s32 $0xFFFFFFFF;
	p2 =	slt.u32 s8, $0xFFFFF086  }
0x1c: {  	p1 =	slt.u32 s9, $0xF7A;
	s5 =	simm.s32 @!p2 $0x0  }
0x1d: {  	s5 =	simm.s32 @p1 $0x1;
	p0 =	seq.s32 s7, s2  }
0x1e: {  	s7 =	smul.u32 @!p0 $0xF7A, s2;
	p2 =	seq.s32 @!p0 s5, $0x0  }
0x1f: {  	s9 =	smul.u32 $0xF7A, s1;
	s8 =	simm.s32 @!p0 $0x1BF5;
	p2 =	por !p2, p0  }
0x20: {  	[sflag:s8] =	ssyncset.s32 @!p0 $0xFFFFF086;
	s6 =	sadd.s32 @!p0 s3, s7;
	s7 =	simm.s32 @!p0 $0x108  }
0x21: {  	s3 =	sadd.s32 s3, s9;
	s6 =	sadd.s32 @!p0 $0x88, s6;
	s7 =	simm.s32 @p2 $0x1082  }
0x22: {  	[simem:s7], [sflag:s8] =	dma.local @!p0 [hbm:s6], $0xF7A  }
0x23: {  	s9 =	sor.u32 $0xD0000000, s2;
	s6 =	simm.s32 $0x108;
	_ =	swait.ge @!p0 [sflag:s8], $0x0  }
0x24: {  	s3 =	sadd.s32 $0x88, s3;
	s6 =	simm.s32 @!p1 $0x1082;
	[sflag:s4] =	ssyncset.s32 $0xFFFFF086  }
0x25: {  	[simem:s6], [sflag:s4] =	dma.local [hbm:s3], $0xF7A  }
0x26: {  	[smem:$0x3F77] =	sst s1;
	(tag) =	ssettag s2;
	_ =	strace s9  }
0x27: {  	s1 =	sld [smem:$0x3F87]  }
0x28: {  	s2 =	sld [smem:$0x3F88]  }
0x29: {  	s4 =	sld [smem:$0x3F8A]  }
0x2a: {  	p0 =	seq.s32 s5, $0x0;
	s5 =	sld [smem:$0x3F8B]  }
0x2b: {  	s6 =	sld [smem:$0x3F8C]  }
0x2c: {  	s7 =	sld [smem:$0x3F8D]  }
0x2d: {  	s3 =	simm.s32 $0x108;
	s8 =	sld [smem:$0x3F8E]  }
0x2e: {  	s3 =	simm.s32 @!p0 $0x1082;
	s9 =	sld [smem:$0x3F8F]  }
0x2f: {  	lr =	sadd.s32 s0, s3;
	s0 =	sld [smem:$0x3F86]  }
0x30: {  	s3 =	sld [smem:$0x3F89]  }
0x31: {  	[smem:$0x3F92] =	sst s10  }
0x32: {  	s10 =	sld [smem:$0x3F90];
	_ =	sdelay $0x3  }
0x33: {  	p0 =	seq.s32 s10, $0x1;
	s10 =	sld [smem:$0x3F92];
	_ =	sdelay $0x3  }
0x34: {  	[smem:$0x3F92] =	sst s10  }
0x35: {  	s10 =	sld [smem:$0x3F91];
	_ =	sdelay $0x3  }
0x36: {  	p1 =	seq.s32 s10, $0x1;
	s10 =	sld [smem:$0x3F92];
	_ =	sdelay $0x3  }
0x37: {  	[smem:$0x3F92] =	sst s10  }
0x38: {  	s10 =	sld [smem:$0x3F93]  }
0x39: {  	_ = 	snop;
	(pc) =	sbr.ind lr, $3  }
0x3a: {  	_ = 	snop  }
0x3b: {  	_ = 	snop  }
0x3c: {  	p2 =	seq.s32 s10, $0x1;
	s10 =	sld [smem:$0x3F92]  }
0x3d: {  	_ =	shalt  }
0x3e: {  	_ =	shalt  }
0x3f: {  	_ =	shalt  }
0x40: {  	_ =	shalt  }
0x41: {  	_ =	shalt  }
0x42: {  	_ =	shalt  }
0x43: {  	_ =	shalt  }
0x44: {  	_ =	shalt  }
0x45: {  	_ =	shalt  }
0x46: {  	_ =	shalt  }
0x47: {  	_ =	shalt  }
0x48: {  	_ =	shalt  }
0x49: {  	_ =	shalt  }
0x4a: {  	_ =	shalt  }
0x4b: {  	_ =	shalt  }
0x4c: {  	_ =	shalt  }
0x4d: {  	_ =	shalt  }
0x4e: {  	_ =	shalt  }
0x4f: {  	_ =	shalt  }
0x50: {  	_ =	shalt  }
0x51: {  	_ =	shalt  }
0x52: {  	_ =	shalt  }
0x53: {  	_ =	shalt  }
0x54: {  	_ =	shalt  }
0x55: {  	_ =	shalt  }
0x56: {  	_ =	shalt  }
0x57: {  	_ =	shalt  }
0x58: {  	_ =	shalt  }
0x59: {  	_ =	shalt  }
0x5a: {  	_ =	shalt  }
0x5b: {  	_ =	shalt  }
0x5c: {  	_ =	shalt  }
0x5d: {  	_ =	shalt  }
0x5e: {  	_ =	shalt  }
0x5f: {  	_ =	shalt  }
0x60: {  	_ =	shalt  }
0x61: {  	_ =	shalt  }
0x62: {  	_ =	shalt  }
0x63: {  	_ =	shalt  }
0x64: {  	_ =	shalt  }
0x65: {  	_ =	shalt  }
0x66: {  	_ =	shalt  }
0x67: {  	_ =	shalt  }
0x68: {  	_ =	shalt  }
0x69: {  	_ =	shalt  }
0x6a: {  	_ =	shalt  }
0x6b: {  	_ =	shalt  }
0x6c: {  	_ =	shalt  }
0x6d: {  	_ =	shalt  }
0x6e: {  	_ =	shalt  }
0x6f: {  	_ =	shalt  }
0x70: {  	_ =	shalt  }
0x71: {  	_ =	shalt  }
0x72: {  	_ =	shalt  }
0x73: {  	_ =	shalt  }
0x74: {  	_ =	shalt  }
0x75: {  	_ =	shalt  }
0x76: {  	_ =	shalt  }
0x77: {  	_ =	shalt  }
0x78: {  	_ =	shalt  }
0x79: {  	_ =	shalt  }
0x7a: {  	_ =	shalt  }
0x7b: {  	_ =	shalt  }
0x7c: {  	_ =	shalt  }
0x7d: {  	_ =	shalt  }
0x7e: {  	_ =	shalt  }
0x7f: {  	_ =	shalt  }
0x80: {  	_ =	shalt  }
0x81: {  	_ =	shalt  }
0x82: {  	_ =	shalt  }
0x83: {  	_ =	shalt  }
0x84: {  	_ =	shalt  }
0x85: {  	_ =	shalt  }
0x86: {  	_ =	shalt  }
0x87: {  	_ =	shalt  }
.Lfunc_end0:
.L_simem_size_0:
called_computation.1_lowered:
.L_overlay_start_0:
0x88: {  	s2 =	sld [smem:$0x3FD9]  }
0x89: {  	s3 =	sld [smem:$0x3FFE];
	_ =	sdelay $0x1  }
0x8a: {  	s1 =	srdreg.scid  }
0x8b: {  	s0 =	sand.u32 $0x1, s1  }
0x8c: {  	s17 =	sshll.u32 s0, $0xA;
	s2 =	sadd.s32 s3, s2  }
0x8d: {  	s2 =	sadd.s32 s2, s17  }
0x8e: {  	[smem:$0x3F9E] =	sst s2  }
0x8f: {  	_ = 	snop  }
0x90: {  	s2 =	sld [smem:$0x3FD0];
	(tm) =	ssettm $0x1  }
0x91: {  	s18 =	sld [smem:$0x3FFB];
	_ =	sdelay $0x3  }
0x92: {  	_ =	strace s18  }
0x93: {  	s3 =	sld [smem:$0x3FFC];
	_ =	sdelay $0x3  }
0x94: {  	_ =	strace s3  }
0x95: {  	s3 =	sld [smem:$0x3FFD];
	_ =	sdelay $0x3  }
0x96: {  	_ =	strace s3  }
0x97: {  	_ =	strace $0x8FFFFFFF  }
0x98: {  	s19 =	sld [smem:$0x3FDB];
	_ =	sdelay $0x1  }
0x99: {  	s4 =	simm.s32 $_scs_section_size  }
0x9a: {  	s5 =	simm.s32 $_size__tile_overlayer_lowered;
	s6 =	simm.s32 $_tile_overlayer_lowered  }
0x9b: {  	s22 =	simm.s32 $0x1BFF;
	s21 =	sshll.u32 s6, $0x1;
	s3 =	sadd.s32 s4, s19  }
0x9c: {  	s7 =	simm.s32 $0x0;
	s20 =	sshll.u32 s5, $0x1;
	s5 =	sadd.s32 s21, s3  }
0x9d: {  	[timem:s7], [sflag:s22] =	dma.local [hbm:s5], s20  }
0x9e: {  	_ =	swait.ge [sflag:s22], s20  }
0x9f: {  	s4 =	ssub.s32 $0x0, s20;
	[sflag:s22] =	ssyncset.done $0x0  }
0xa0: {  	[sflag:s22] =	ssyncadd.s32 s4;
	_ =	sdelay $0x1  }
0xa1: {  	s23 =	simm.s32 $0x1B8B  }
0xa2: {  	_ =	swait.ge [sflag:s23], $0x1  }
0xa3: {  	[sflag:s23] =	ssyncset.done $0x0  }
0xa4: {  	s25 =	simm.s32 $0x1B8E;
	s24 =	sld [smem:$0x3FFE];
	[sflag:s23] =	ssyncadd.s32 $0xFFFFFFFF  }
0xa5: {  	s26 =	simm.s32 $execute0_lowered;
	[smem:$0x3FD2] =	sst s25  }
0xa6: {  	s5 =	sshll.u32 s26, $0x1;
	_ =	strace $0x80000049;
	[dreg:$0x1] =	wrdreg $0xFFFFFFFF  }
0xa7: {  	s28 =	simm.s32 $_size_execute0_lowered;
	s3 =	sadd.s32 s3, s5;
	[dreg:$0x0] =	wrdreg $0x0  }
0xa8: {  	s5 =	sshll.u32 s28, $0x1;
	[dreg:$0x2] =	wrdreg s3  }
0xa9: {  	[dreg:$0x3] =	wrdreg s5  }
0xaa: {  	[dreg:$0x4] =	wrdreg $0xC0  }
0xab: {  	_ =	task [dreg:s7], $0x5FFFF  }
0xac: {  	[dreg:$0x1] =	wrdreg $0xFFFFFFFF  }
0xad: {  	[dreg:$0x0] =	wrdreg $0x60  }
0xae: {  	[dreg:$0x2] =	wrdreg s2  }
0xaf: {  	[dreg:$0x3] =	wrdreg s24  }
0xb0: {  	[dreg:$0x4] =	wrdreg $0x90000  }
0xb1: {  	[dreg:$0x5] =	wrdreg $0x9  }
0xb2: {  	_ =	task.clear_ibuf [dreg:s7], $0x6FFFF;
	_ =	strace $0x90000049  }
0xb3: {  	s29 =	simm.s32 $0x9;
	_ =	strace $0x8000004B  }
0xb4: {  	_ =	swait.ge [sflag:s29], $0x1  }
0xb5: {  	[sflag:s29] =	ssyncadd.s32 $0xFFFFFFFF  }
0xb6: {  	_ =	strace $0x9000004B  }
0xb7: {  	_ =	sfence  }
0xb8: {  	s30 =	sld [smem:$0x0];
	_ =	sdelay $0x2  }
0xb9: {  	s31 =	sshll.u32 s1, $0xD;
	s1 =	sshrl.u32 s1, $0x2  }
0xba: {  	s3 =	sand.u32 $0x4000, s31;
	s1 =	sadd.s32 s1, s30  }
0xbb: {  	s0 =	sor.u32 s3, s0;
	s1 =	sshll.u32 s1, $0x11  }
0xbc: {  	s0 =	sor.u32 s1, s0  }
0xbd: {  	s0 =	sadd.s32 $0x8F2B, s0  }
0xbe: {  	[sflag:s0] =	ssyncadd.remote.s32 $0x1  }
0xbf: {  	_ =	sfence.sel $0xFFFF  }
0xc0: {  	[dreg:$0x0] =	wrdreg $0xFFFFFFFF;
	(pc) =	sbr.abs _section_cstart, $3  }
0xc1: {  	[dreg:$0x1] =	wrdreg $0xFFFFFFFF  }
0xc2: {  	_ =	task.clear_ibuf [dreg:s7], $0x2FFFF;
	_ =	strace $0x9FFFFFFF  }
0xc3: {  	(tm) =	ssettm $0x7FFFFFFF  }
tec
execute0_lowered:
.L_overlay_start_1:
0x0: {  	(tag) =	ssettag $0x1  }
0x1: {  	s7 =	rddreg [dreg:$0x0]  }
0x2: {  	s4 =	rddreg [dreg:$0x1]  }
0x3: {  	s2 =	rddreg [dreg:$0x2]  }
0x4: {  	s0 =	rddreg [dreg:$0x3];
	s3 =	simm.s32 $0x0;
	s1 =	stileid.u32  }
0x5: {  	s6 =	srdreg.scid;
	s13 =	simm.s32 $0x80;
	s5 =	smul.u32 $0x500, s1  }
0x6: {  	s14 =	simm.s32 $0x5000;
	s15 =	simm.s32 $0x1;
	s16 =	smul.u32 $0x2780, s1  }
0x7: {  	[smem:$0x7FF] =	sst s3;
	s6 =	sand.u32 $0x1, s6;
	s12 =	smul.u32 $0x4F000, s1  }
0x8: {  	s31 =	sshll.u32 s1, $0x6;
	_ =	strace $0x8000004A;
	s8 =	smul.u32 $0x27800, s6  }
0x9: {  	s9 =	ssub.s32 $0x2, s6;
	s29 =	smul.u32 $0x27100, s6;
	s5 =	sadd.s32 s5, s4  }
0xa: {  	s10 =	sadd.s32 s16, s4;
	s11 =	sshrl.u32 s9, $0x1;
	s30 =	sshrl.u32 s12, $0x2  }
0xb: {  	s8 =	sadd.s32 s8, s4;
	s9 =	ssub.s32 s9, s11;
	s4 =	sadd.s32 $0xF200, s5  }
0xc: {  	s5 =	sadd.s32 $0xA200, s5;
	s12 =	sadd.s32 s30, s2;
	s6 =	sadd.s32 $0x14200, s10  }
0xd: {  	s7 =	sadd.s32 s7, s29;
	s10 =	simm.s32 $0x2800;
	s11 =	sor.u32 $0x1C02, s31  }
0xe: {  	s17 =	sadd.s32 $0x3BA00, s8;
	s8 =	smax.u32 s9, $0x1;
	s9 =	simm.s32 $0x2  }
0xf: {  	s12 =	sshrl.u32 s12, $0x3;
	s16 =	sadd.s32 s16, s17;
	s17 =	simm.s32 $0x0  }
.LBB2_1:
0x10: {  	[tilespmem:s3], [sflag:$0x2] =	stream.linear.gather [hbm4b:s4+s3], $0x2800, $0x38;
	[tilespmem:$0x1CC00] =	vst v63  }
0x11: {  	_ =	swait.ge [sflag:s9], $0x2800  }
0x12: {  	[sflag:s9] =	ssyncset.done $0x0  }
0x13: {  	[sflag:s9] =	ssyncadd.s32 $0xFFFFD800  }
0x14: {  	[tilespmem:s10], [sflag:$0x2] =	stream.linear.gather [hbm4b:s5+s3], $0x2800, $0x38;
	[tilespmem:$0x1CC00] =	vst v63  }
0x15: {  	_ =	swait.ge [sflag:s9], $0x2800  }
0x16: {  	[sflag:s9] =	ssyncset.done $0x0  }
0x17: {  	[sflag:s9] =	ssyncadd.s32 $0xFFFFD800  }
0x18: {  	[spmem:s12], [sflag:s11] =	dma.local [hbm:s6], $0x2780  }
0x19: {  	_ =	swait.ge [sflag:s9], $0x2780  }
0x1a: {  	[sflag:s9] =	ssyncset.done $0x0  }
0x1b: {  	[sflag:s9] =	ssyncadd.s32 $0xFFFFD880  }
0x1c: {  	s18 =	simm.s32 $0x0;
	[bflag:$0x0] =	sbarrier.arrive $0xFFFF  }
0x1d: {  	[tilespmem:s14], [sflag:$0x1] =	stream.indirect.gather [hbm4b:s7+s13], $0x80, s18, s13, $0xb8;
	[tilespmem:$0x1CC00] =	vst v63  }
0x1e: {  	_ =	swait.ge [sflag:s15], $0x4000  }
0x1f: {  	[sflag:s15] =	ssyncset.done $0x0  }
0x20: {  	s31 =	simm.s32 $0x2800;
	[sflag:s15] =	ssyncadd.s32 $0xFFFFC000  }
0x21: {  	[spmem:s2] =	stream.indirect.scatter.add.f32 [tilespmem:s14], [sflag:$0x2], $0x80, s31, s13, $0xb8;
	[tilespmem:$0x1CC00] =	vst v63  }
0x22: {  	_ =	swait.ge [sflag:s9], $0x4000  }
0x23: {  	s19 =	simm.s32 $0x400;
	s18 =	simm.s32 $0x200;
	[sflag:s9] =	ssyncset.done $0x0  }
.LBB2_2:
0x24: {  	s20 =	sshra.s32 s18, $0x2  }
0x25: {  	[sflag:s9] =	ssyncadd.s32 $0xFFFFC000;
	s18 =	smov.u32 s19;
	s21 =	sadd.s32 $0x200, s19  }
0x26: {  	[tilespmem:s14], [sflag:$0x1] =	stream.indirect.gather [hbm4b:s7+s13], $0x80, s20, s13, $0xb8;
	[tilespmem:$0x1CC00] =	vst v63  }
0x27: {  	p0 =	sne.s32 s19, $0x9E00;
	_ =	swait.ge [sflag:s15], $0x4000  }
.Ltmp0:
0x28: {  	[sflag:s15] =	ssyncset.done $0x0;
	(pc) =	sbr.rel @p0 .LBB2_2-.Ltmp0, $4  }
0x29: {  	s19 =	sadd.s32 $0x2800, s20;
	[sflag:s15] =	ssyncadd.s32 $0xFFFFC000  }
0x2a: {  	[spmem:s2] =	stream.indirect.scatter.add.f32 [tilespmem:s14], [sflag:$0x2], $0x80, s19, s13, $0xb8;
	[tilespmem:$0x1CC00] =	vst v63  }
0x2b: {  	_ =	swait.ge [sflag:s9], $0x4000  }
0x2c: {  	s19 =	smov.u32 s21;
	[sflag:s9] =	ssyncset.done $0x0  }
0x2d: {  	s18 =	sshra.s32 s18, $0x2;
	[sflag:s9] =	ssyncadd.s32 $0xFFFFC000  }
0x2e: {  	[tilespmem:s14], [sflag:$0x1] =	stream.indirect.gather [hbm4b:s7+s13], $0x80, s18, s13, $0xb8;
	[tilespmem:$0x1CC00] =	vst v63  }
0x2f: {  	_ =	swait.ge [sflag:s15], $0x4000  }
0x30: {  	[sflag:s15] =	ssyncset.done $0x0  }
0x31: {  	s18 =	sadd.s32 $0x2800, s18;
	[sflag:s15] =	ssyncadd.s32 $0xFFFFC000  }
0x32: {  	[spmem:s2] =	stream.indirect.scatter.add.f32 [tilespmem:s14], [sflag:$0x2], $0x80, s18, s13, $0xb8;
	[tilespmem:$0x1CC00] =	vst v63  }
0x33: {  	_ =	swait.ge [sflag:s9], $0x4000  }
0x34: {  	s17 =	sadd.s32 $0x1, s17;
	[sflag:s9] =	ssyncset.done $0x0  }
0x35: {  	p0 =	sne.s32 s17, s8;
	[sflag:s9] =	ssyncadd.s32 $0xFFFFC000  }
.Ltmp1:
0x36: {  	[bflag:$0x0] =	sbarrier.arrive $0xFFFF;
	(pc) =	sbr.rel @p0 .LBB2_1-.Ltmp1, $4  }
0x37: {  	[hbm:s16], [sflag:s11] =	dma.local [spmem:s12], $0x2780  }
0x38: {  	_ =	swait.ge [sflag:s9], $0x2780  }
0x39: {  	[sflag:s9] =	ssyncset.done $0x0  }
0x3a: {  	[sflag:s9] =	ssyncadd.s32 $0xFFFFD880  }
0x3b: {  	_ =	sfence.sel $0x180000  }
0x3c: {  	[bflag:$0x0] =	sbarrier.arrive $0xFFFF  }
0x3d: {  	p0 =	sne.s32 s1, $0x0;
	_ =	strace $0x9000004A  }
0x3e: {  	s0 =	sadd.s32 @!p0 $0x100000, s0;
	[bflag:$0x2] =	sbarrier.arrive $0xFFFF  }
0x3f: {  	[sflag:s0] =	ssyncadd.tile.s32 @!p0 $0x1;
	_ =	shalt  }
.Lfunc_end2:
_tile_overlayer_lowered:
.L_overlay_start_2:
0x40: {  	(tag) =	ssettag $0x2  }
0x41: {  	s0 =	rddreg [dreg:$0x0];
	s2 =	stileid.u32  }
0x42: {  	s1 =	rddreg [dreg:$0x1];
	p0 =	sne.s32 s2, $0x0  }
0x43: {  	s3 =	rddreg [dreg:$0x2];
	[bflag:$0x3] =	sbarrier.arrive $0xFFFF;
	s2 =	simm.s32 @!p0 $0x1C02  }
0x44: {  	[timem:s3], [sflag:s2] =	dma.local @!p0 [hbm:s0], s1  }
0x45: {  	s0 =	simm.s32 @!p0 $0x2  }
0x46: {  	_ =	swait.ge @!p0 [sflag:s0], s1  }
0x47: {  	s1 =	ssub.s32 @!p0 $0x0, s1;
	[sflag:s0] =	ssyncset.done @!p0 $0x0  }
0x48: {  	[sflag:s0] =	ssyncadd.s32 @!p0 s1  }
0x49: {  	[bflag:$0x3] =	sbarrier.arrive $0xFFFF  }
0x4a: {  	_ =	shalt  }

// kernel: kernel.38.cloned.1.call-start
scs
__scs_entry_jumppad:
0x0: {  	(pc) =	sbr.rel $0x88, $3  }
0x1: {  	(tag) =	ssettag $0x0;
	lr =	simm.s32 $0x1  }
0x2: {  	[smem:$0x3F77] =	sst lr;
	_ =	strace $0xD0000000  }
0x3: {  	_ = 	snop  }
0x4: {  	_ = 	snop  }
0x5: {  	_ = 	snop  }
0x6: {  	_ = 	snop  }
0x7: {  	_ = 	snop  }
__scs_overlays_trampoline_lowered:
0x8: {  	[smem:$0x3F86] =	sst s0  }
0x9: {  	[smem:$0x3F87] =	sst s1  }
0xa: {  	[smem:$0x3F88] =	sst s2  }
0xb: {  	[smem:$0x3F89] =	sst s3  }
0xc: {  	[smem:$0x3F8A] =	sst s4  }
0xd: {  	[smem:$0x3F8B] =	sst s5  }
0xe: {  	[smem:$0x3F8C] =	sst s6  }
0xf: {  	[smem:$0x3F8D] =	sst s7  }
0x10: {  	[smem:$0x3F8E] =	sst s8  }
0x11: {  	[smem:$0x3F8F] =	sst s9;
	s0 =	simm.s32 @!p0 $0x0  }
0x12: {  	s1 =	sld [smem:$0x3F75];
	s0 =	simm.s32 @p0 $0x1  }
0x13: {  	[smem:$0x3F90] =	sst s0;
	s0 =	simm.s32 @!p1 $0x0  }
0x14: {  	s2 =	sld [smem:$0x3F74];
	s0 =	simm.s32 @p1 $0x1  }
0x15: {  	[smem:$0x3F91] =	sst s0;
	s0 =	simm.s32 @!p2 $0x0  }
0x16: {  	s3 =	sld [smem:$0x3FDB];
	s0 =	simm.s32 @p2 $0x1  }
0x17: {  	s4 =	simm.s32 $0x1BF5;
	[smem:$0x3F93] =	sst s0  }
0x18: {  	s0 =	sld [smem:$0x3F76];
	_ =	swait.ge [sflag:s4], $0x0  }
0x19: {  	s7 =	sld [smem:$0x3F77]  }
0x1a: {  	s8 =	sadd.s32 $0xFFFFE003, lr  }
0x1b: {  	s9 =	sadd.s32 $0xFFFFFEF7, lr;
	s5 =	simm.s32 $0xFFFFFFFF;
	p2 =	slt.u32 s8, $0xFFFFF086  }
0x1c: {  	p1 =	slt.u32 s9, $0xF7A;
	s5 =	simm.s32 @!p2 $0x0  }
0x1d: {  	s5 =	simm.s32 @p1 $0x1;
	p0 =	seq.s32 s7, s2  }
0x1e: {  	s7 =	smul.u32 @!p0 $0xF7A, s2;
	p2 =	seq.s32 @!p0 s5, $0x0  }
0x1f: {  	s9 =	smul.u32 $0xF7A, s1;
	s8 =	simm.s32 @!p0 $0x1BF5;
	p2 =	por !p2, p0  }
0x20: {  	[sflag:s8] =	ssyncset.s32 @!p0 $0xFFFFF086;
	s6 =	sadd.s32 @!p0 s3, s7;
	s7 =	simm.s32 @!p0 $0x108  }
0x21: {  	s3 =	sadd.s32 s3, s9;
	s6 =	sadd.s32 @!p0 $0x88, s6;
	s7 =	simm.s32 @p2 $0x1082  }
0x22: {  	[simem:s7], [sflag:s8] =	dma.local @!p0 [hbm:s6], $0xF7A  }
0x23: {  	s9 =	sor.u32 $0xD0000000, s2;
	s6 =	simm.s32 $0x108;
	_ =	swait.ge @!p0 [sflag:s8], $0x0  }
0x24: {  	s3 =	sadd.s32 $0x88, s3;
	s6 =	simm.s32 @!p1 $0x1082;
	[sflag:s4] =	ssyncset.s32 $0xFFFFF086  }
0x25: {  	[simem:s6], [sflag:s4] =	dma.local [hbm:s3], $0xF7A  }
0x26: {  	[smem:$0x3F77] =	sst s1;
	(tag) =	ssettag s2;
	_ =	strace s9  }
0x27: {  	s1 =	sld [smem:$0x3F87]  }
0x28: {  	s2 =	sld [smem:$0x3F88]  }
0x29: {  	s4 =	sld [smem:$0x3F8A]  }
0x2a: {  	p0 =	seq.s32 s5, $0x0;
	s5 =	sld [smem:$0x3F8B]  }
0x2b: {  	s6 =	sld [smem:$0x3F8C]  }
0x2c: {  	s7 =	sld [smem:$0x3F8D]  }
0x2d: {  	s3 =	simm.s32 $0x108;
	s8 =	sld [smem:$0x3F8E]  }
0x2e: {  	s3 =	simm.s32 @!p0 $0x1082;
	s9 =	sld [smem:$0x3F8F]  }
0x2f: {  	lr =	sadd.s32 s0, s3;
	s0 =	sld [smem:$0x3F86]  }
0x30: {  	s3 =	sld [smem:$0x3F89]  }
0x31: {  	[smem:$0x3F92] =	sst s10  }
0x32: {  	s10 =	sld [smem:$0x3F90];
	_ =	sdelay $0x3  }
0x33: {  	p0 =	seq.s32 s10, $0x1;
	s10 =	sld [smem:$0x3F92];
	_ =	sdelay $0x3  }
0x34: {  	[smem:$0x3F92] =	sst s10  }
0x35: {  	s10 =	sld [smem:$0x3F91];
	_ =	sdelay $0x3  }
0x36: {  	p1 =	seq.s32 s10, $0x1;
	s10 =	sld [smem:$0x3F92];
	_ =	sdelay $0x3  }
0x37: {  	[smem:$0x3F92] =	sst s10  }
0x38: {  	s10 =	sld [smem:$0x3F93]  }
0x39: {  	_ = 	snop;
	(pc) =	sbr.ind lr, $3  }
0x3a: {  	_ = 	snop  }
0x3b: {  	_ = 	snop  }
0x3c: {  	p2 =	seq.s32 s10, $0x1;
	s10 =	sld [smem:$0x3F92]  }
0x3d: {  	_ =	shalt  }
0x3e: {  	_ =	shalt  }
0x3f: {  	_ =	shalt  }
0x40: {  	_ =	shalt  }
0x41: {  	_ =	shalt  }
0x42: {  	_ =	shalt  }
0x43: {  	_ =	shalt  }
0x44: {  	_ =	shalt  }
0x45: {  	_ =	shalt  }
0x46: {  	_ =	shalt  }
0x47: {  	_ =	shalt  }
0x48: {  	_ =	shalt  }
0x49: {  	_ =	shalt  }
0x4a: {  	_ =	shalt  }
0x4b: {  	_ =	shalt  }
0x4c: {  	_ =	shalt  }
0x4d: {  	_ =	shalt  }
0x4e: {  	_ =	shalt  }
0x4f: {  	_ =	shalt  }
0x50: {  	_ =	shalt  }
0x51: {  	_ =	shalt  }
0x52: {  	_ =	shalt  }
0x53: {  	_ =	shalt  }
0x54: {  	_ =	shalt  }
0x55: {  	_ =	shalt  }
0x56: {  	_ =	shalt  }
0x57: {  	_ =	shalt  }
0x58: {  	_ =	shalt  }
0x59: {  	_ =	shalt  }
0x5a: {  	_ =	shalt  }
0x5b: {  	_ =	shalt  }
0x5c: {  	_ =	shalt  }
0x5d: {  	_ =	shalt  }
0x5e: {  	_ =	shalt  }
0x5f: {  	_ =	shalt  }
0x60: {  	_ =	shalt  }
0x61: {  	_ =	shalt  }
0x62: {  	_ =	shalt  }
0x63: {  	_ =	shalt  }
0x64: {  	_ =	shalt  }
0x65: {  	_ =	shalt  }
0x66: {  	_ =	shalt  }
0x67: {  	_ =	shalt  }
0x68: {  	_ =	shalt  }
0x69: {  	_ =	shalt  }
0x6a: {  	_ =	shalt  }
0x6b: {  	_ =	shalt  }
0x6c: {  	_ =	shalt  }
0x6d: {  	_ =	shalt  }
0x6e: {  	_ =	shalt  }
0x6f: {  	_ =	shalt  }
0x70: {  	_ =	shalt  }
0x71: {  	_ =	shalt  }
0x72: {  	_ =	shalt  }
0x73: {  	_ =	shalt  }
0x74: {  	_ =	shalt  }
0x75: {  	_ =	shalt  }
0x76: {  	_ =	shalt  }
0x77: {  	_ =	shalt  }
0x78: {  	_ =	shalt  }
0x79: {  	_ =	shalt  }
0x7a: {  	_ =	shalt  }
0x7b: {  	_ =	shalt  }
0x7c: {  	_ =	shalt  }
0x7d: {  	_ =	shalt  }
0x7e: {  	_ =	shalt  }
0x7f: {  	_ =	shalt  }
0x80: {  	_ =	shalt  }
0x81: {  	_ =	shalt  }
0x82: {  	_ =	shalt  }
0x83: {  	_ =	shalt  }
0x84: {  	_ =	shalt  }
0x85: {  	_ =	shalt  }
0x86: {  	_ =	shalt  }
0x87: {  	_ =	shalt  }
.Lfunc_end0:
.L_simem_size_0:
called_computation.2_lowered:
.L_overlay_start_0:
0x88: {  	s2 =	sld [smem:$0x3FD9]  }
0x89: {  	s3 =	sld [smem:$0x3FFE];
	_ =	sdelay $0x1  }
0x8a: {  	s1 =	srdreg.scid  }
0x8b: {  	s0 =	sand.u32 $0x1, s1  }
0x8c: {  	s16 =	sshll.u32 s0, $0xA;
	s2 =	sadd.s32 s3, s2  }
0x8d: {  	s2 =	sadd.s32 s2, s16  }
0x8e: {  	[smem:$0x3F9E] =	sst s2  }
0x8f: {  	_ = 	snop  }
0x90: {  	(tm) =	ssettm $0x1  }
0x91: {  	s17 =	sld [smem:$0x3FFB];
	_ =	sdelay $0x3  }
0x92: {  	_ =	strace s17  }
0x93: {  	s2 =	sld [smem:$0x3FFC];
	_ =	sdelay $0x3  }
0x94: {  	_ =	strace s2  }
0x95: {  	s2 =	sld [smem:$0x3FFD];
	_ =	sdelay $0x3  }
0x96: {  	_ =	strace s2  }
0x97: {  	_ =	strace $0x8FFFFFFF  }
0x98: {  	s18 =	sld [smem:$0x3FDB];
	_ =	sdelay $0x1  }
0x99: {  	s19 =	simm.s32 $_scs_section_size  }
0x9a: {  	s4 =	simm.s32 $_size__tile_overlayer_lowered;
	s5 =	simm.s32 $_tile_overlayer_lowered  }
0x9b: {  	s22 =	simm.s32 $0x1BFF;
	s21 =	sshll.u32 s5, $0x1;
	s2 =	sadd.s32 s19, s18  }
0x9c: {  	s6 =	simm.s32 $0x0;
	s20 =	sshll.u32 s4, $0x1;
	s4 =	sadd.s32 s21, s2  }
0x9d: {  	[timem:s6], [sflag:s22] =	dma.local [hbm:s4], s20  }
0x9e: {  	_ =	swait.ge [sflag:s22], s20  }
0x9f: {  	s3 =	ssub.s32 $0x0, s20;
	[sflag:s22] =	ssyncset.done $0x0  }
0xa0: {  	[sflag:s22] =	ssyncadd.s32 s3;
	_ =	sdelay $0x1  }
0xa1: {  	s23 =	simm.s32 $0x1B8B  }
0xa2: {  	_ =	swait.ge [sflag:s23], $0x1  }
0xa3: {  	[sflag:s23] =	ssyncset.done $0x0  }
0xa4: {  	s25 =	simm.s32 $0x1B8E;
	s24 =	sld [smem:$0x3FFE];
	[sflag:s23] =	ssyncadd.s32 $0xFFFFFFFF  }
0xa5: {  	s26 =	simm.s32 $execute0_lowered;
	[smem:$0x3FD2] =	sst s25  }
0xa6: {  	s4 =	sshll.u32 s26, $0x1;
	_ =	strace $0x8000004C;
	[dreg:$0x1] =	wrdreg $0xFFFFFFFF  }
0xa7: {  	s28 =	simm.s32 $_size_execute0_lowered;
	s2 =	sadd.s32 s2, s4;
	[dreg:$0x0] =	wrdreg $0x0  }
0xa8: {  	s4 =	sshll.u32 s28, $0x1;
	[dreg:$0x2] =	wrdreg s2  }
0xa9: {  	[dreg:$0x3] =	wrdreg s4  }
0xaa: {  	[dreg:$0x4] =	wrdreg $0xC0  }
0xab: {  	_ =	task [dreg:s6], $0x5FFFF  }
0xac: {  	[dreg:$0x1] =	wrdreg $0xFFFFFFFF  }
0xad: {  	[dreg:$0x0] =	wrdreg $0x60  }
0xae: {  	[dreg:$0x2] =	wrdreg s24  }
0xaf: {  	[dreg:$0x3] =	wrdreg $0x90000  }
0xb0: {  	[dreg:$0x4] =	wrdreg $0x9  }
0xb1: {  	_ =	task.clear_ibuf [dreg:s6], $0x5FFFF;
	_ =	strace $0x9000004C  }
0xb2: {  	s29 =	simm.s32 $0x9;
	_ =	strace $0x8000004E  }
0xb3: {  	_ =	swait.ge [sflag:s29], $0x1  }
0xb4: {  	[sflag:s29] =	ssyncadd.s32 $0xFFFFFFFF  }
0xb5: {  	_ =	strace $0x9000004E  }
0xb6: {  	_ =	sfence  }
0xb7: {  	s30 =	sld [smem:$0x0];
	_ =	sdelay $0x2  }
0xb8: {  	s31 =	sshll.u32 s1, $0xD;
	s1 =	sshrl.u32 s1, $0x2  }
0xb9: {  	s3 =	sand.u32 $0x4000, s31;
	s1 =	sadd.s32 s1, s30  }
0xba: {  	s0 =	sor.u32 s3, s0;
	s1 =	sshll.u32 s1, $0x11  }
0xbb: {  	s0 =	sor.u32 s1, s0  }
0xbc: {  	s0 =	sadd.s32 $0x8F2B, s0  }
0xbd: {  	[sflag:s0] =	ssyncadd.remote.s32 $0x1  }
0xbe: {  	_ =	sfence.sel $0xFFFF  }
0xbf: {  	[dreg:$0x0] =	wrdreg $0xFFFFFFFF;
	(pc) =	sbr.abs _section_cstart, $3  }
0xc0: {  	[dreg:$0x1] =	wrdreg $0xFFFFFFFF  }
0xc1: {  	_ =	task.clear_ibuf [dreg:s6], $0x2FFFF;
	_ =	strace $0x9FFFFFFF  }
0xc2: {  	(tm) =	ssettm $0x7FFFFFFF  }
0xc3: {  	_ =	shalt  }
tec
execute0_lowered:
.L_overlay_start_1:
0x0: {  	(tag) =	ssettag $0x1  }
0x1: {  	s4 =	rddreg [dreg:$0x0];
	s2 =	srdreg.scid  }
0x2: {  	s1 =	rddreg [dreg:$0x1];
	s5 =	sand.u32 $0x1, s2  }
0x3: {  	s2 =	stileid.u32;
	s6 =	smul.u32 $0x27100, s5  }
0x4: {  	s0 =	rddreg [dreg:$0x2];
	s3 =	simm.s32 $0x0;
	s7 =	smul.u32 $0x500, s2  }
0x5: {  	s14 =	simm.s32 $0x5000;
	[smem:$0x7FF] =	sst s3;
	s16 =	smul.u32 $0x2780, s2  }
0x6: {  	s15 =	simm.s32 $0x1;
	_ =	strace $0x8000004D;
	s29 =	smul.u32 $0x27800, s5  }
0x7: {  	s5 =	ssub.s32 $0x2, s5;
	s10 =	smul.u32 $0x4F000, s2;
	s31 =	sshll.u32 s2, $0x6  }
0x8: {  	s9 =	sshrl.u32 s5, $0x1;
	s8 =	sadd.s32 s6, s4;
	s7 =	sadd.s32 s7, s4  }
0x9: {  	s11 =	sadd.s32 s16, s4;
	s12 =	sadd.s32 s29, s4;
	s9 =	ssub.s32 s5, s9  }
0xa: {  	s30 =	sshrl.u32 s10, $0x2;
	s10 =	simm.s32 $0x2800;
	s4 =	sadd.s32 $0xF200, s7  }
0xb: {  	s5 =	sadd.s32 $0xA200, s7;
	s13 =	sadd.s32 s30, s1;
	s6 =	sadd.s32 $0x14200, s11  }
0xc: {  	s7 =	sadd.s32 $0x3BA00, s8;
	s17 =	sadd.s32 $0x89C00, s12;
	s8 =	smax.u32 s9, $0x1  }
0xd: {  	s9 =	simm.s32 $0x2;
	s11 =	sor.u32 $0x1C02, s31;
	s12 =	sshrl.u32 s13, $0x3  }
0xe: {  	s13 =	simm.s32 $0x80;
	s16 =	sadd.s32 s16, s17;
	s17 =	simm.s32 $0x0  }
.LBB2_1:
0xf: {  	[tilespmem:s3], [sflag:$0x2] =	stream.linear.gather [hbm4b:s4+s3], $0x2800, $0x38;
	[tilespmem:$0x1CC00] =	vst v63  }
0x10: {  	_ =	swait.ge [sflag:s9], $0x2800  }
0x11: {  	[sflag:s9] =	ssyncset.done $0x0  }
0x12: {  	[sflag:s9] =	ssyncadd.s32 $0xFFFFD800  }
0x13: {  	[tilespmem:s10], [sflag:$0x2] =	stream.linear.gather [hbm4b:s5+s3], $0x2800, $0x38;
	[tilespmem:$0x1CC00] =	vst v63  }
0x14: {  	_ =	swait.ge [sflag:s9], $0x2800  }
0x15: {  	[sflag:s9] =	ssyncset.done $0x0  }
0x16: {  	[sflag:s9] =	ssyncadd.s32 $0xFFFFD800  }
0x17: {  	[spmem:s12], [sflag:s11] =	dma.local [hbm:s6], $0x2780  }
0x18: {  	_ =	swait.ge [sflag:s9], $0x2780  }
0x19: {  	[sflag:s9] =	ssyncset.done $0x0  }
0x1a: {  	[sflag:s9] =	ssyncadd.s32 $0xFFFFD880  }
0x1b: {  	s18 =	simm.s32 $0x0;
	[bflag:$0x0] =	sbarrier.arrive $0xFFFF  }
0x1c: {  	[tilespmem:s14], [sflag:$0x1] =	stream.indirect.gather [hbm4b:s7+s13], $0x80, s18, s13, $0xb8;
	[tilespmem:$0x1CC00] =	vst v63  }
0x1d: {  	_ =	swait.ge [sflag:s15], $0x4000  }
0x1e: {  	[sflag:s15] =	ssyncset.done $0x0  }
0x1f: {  	s31 =	simm.s32 $0x2800;
	[sflag:s15] =	ssyncadd.s32 $0xFFFFC000  }
0x20: {  	[spmem:s1] =	stream.indirect.scatter.add.f32 [tilespmem:s14], [sflag:$0x2], $0x80, s31, s13, $0xb8;
	[tilespmem:$0x1CC00] =	vst v63  }
0x21: {  	_ =	swait.ge [sflag:s9], $0x4000  }
0x22: {  	s19 =	simm.s32 $0x400;
	s18 =	simm.s32 $0x200;
	[sflag:s9] =	ssyncset.done $0x0  }
.LBB2_2:
0x23: {  	s20 =	sshra.s32 s18, $0x2  }
0x24: {  	[sflag:s9] =	ssyncadd.s32 $0xFFFFC000;
	s18 =	smov.u32 s19;
	s21 =	sadd.s32 $0x200, s19  }
0x25: {  	[tilespmem:s14], [sflag:$0x1] =	stream.indirect.gather [hbm4b:s7+s13], $0x80, s20, s13, $0xb8;
	[tilespmem:$0x1CC00] =	vst v63  }
0x26: {  	p0 =	sne.s32 s19, $0x9E00;
	_ =	swait.ge [sflag:s15], $0x4000  }
.Ltmp0:
0x27: {  	[sflag:s15] =	ssyncset.done $0x0;
	(pc) =	sbr.rel @p0 .LBB2_2-.Ltmp0, $4  }
0x28: {  	s19 =	sadd.s32 $0x2800, s20;
	[sflag:s15] =	ssyncadd.s32 $0xFFFFC000  }
0x29: {  	[spmem:s1] =	stream.indirect.scatter.add.f32 [tilespmem:s14], [sflag:$0x2], $0x80, s19, s13, $0xb8;
	[tilespmem:$0x1CC00] =	vst v63  }
0x2a: {  	_ =	swait.ge [sflag:s9], $0x4000  }
0x2b: {  	s19 =	smov.u32 s21;
	[sflag:s9] =	ssyncset.done $0x0  }
0x2c: {  	s18 =	sshra.s32 s18, $0x2;
	[sflag:s9] =	ssyncadd.s32 $0xFFFFC000  }
0x2d: {  	[tilespmem:s14], [sflag:$0x1] =	stream.indirect.gather [hbm4b:s7+s13], $0x80, s18, s13, $0xb8;
	[tilespmem:$0x1CC00] =	vst v63  }
0x2e: {  	_ =	swait.ge [sflag:s15], $0x4000  }
0x2f: {  	[sflag:s15] =	ssyncset.done $0x0  }
0x30: {  	s18 =	sadd.s32 $0x2800, s18;
	[sflag:s15] =	ssyncadd.s32 $0xFFFFC000  }
0x31: {  	[spmem:s1] =	stream.indirect.scatter.add.f32 [tilespmem:s14], [sflag:$0x2], $0x80, s18, s13, $0xb8;
	[tilespmem:$0x1CC00] =	vst v63  }
0x32: {  	_ =	swait.ge [sflag:s9], $0x4000  }
0x33: {  	s17 =	sadd.s32 $0x1, s17;
	[sflag:s9] =	ssyncset.done $0x0  }
0x34: {  	p0 =	sne.s32 s17, s8;
	[sflag:s9] =	ssyncadd.s32 $0xFFFFC000  }
.Ltmp1:
0x35: {  	[bflag:$0x0] =	sbarrier.arrive $0xFFFF;
	(pc) =	sbr.rel @p0 .LBB2_1-.Ltmp1, $4  }
0x36: {  	[hbm:s16], [sflag:s11] =	dma.local [spmem:s12], $0x2780  }
0x37: {  	_ =	swait.ge [sflag:s9], $0x2780  }
0x38: {  	[sflag:s9] =	ssyncset.done $0x0  }
0x39: {  	[sflag:s9] =	ssyncadd.s32 $0xFFFFD880  }
0x3a: {  	_ =	sfence.sel $0x180000  }
0x3b: {  	[bflag:$0x0] =	sbarrier.arrive $0xFFFF  }
0x3c: {  	p0 =	sne.s32 s2, $0x0;
	_ =	strace $0x9000004D  }
0x3d: {  	s0 =	sadd.s32 @!p0 $0x100000, s0;
	[bflag:$0x2] =	sbarrier.arrive $0xFFFF  }
0x3e: {  	[sflag:s0] =	ssyncadd.tile.s32 @!p0 $0x1;
	_ =	shalt  }
.Lfunc_end2:
_tile_overlayer_lowered:
.L_overlay_start_2:
0x3f: {  	(tag) =	ssettag $0x2  }
0x40: {  	s0 =	rddreg [dreg:$0x0];
	s2 =	stileid.u32  }
0x41: {  	s1 =	rddreg [dreg:$0x1];
	p0 =	sne.s32 s2, $0x0  }
0x42: {  	s3 =	rddreg [dreg:$0x2];
	[bflag:$0x3] =	sbarrier.arrive $0xFFFF;
	s2 =	simm.s32 @!p0 $0x1C02  }
0x43: {  	[timem:s3], [sflag:s2] =	dma.local @!p0 [hbm:s0], s1  }
0x44: {  	s0 =	simm.s32 @!p0 $0x2  }
0x45: {  	_ =	swait.ge @!p0 [sflag:s0], s1  }
0x46: {  	s1 =	ssub.s32 @!p0 $0x0, s1;
	[sflag:s0] =	ssyncset.done @!p0 $0x0  }
0x47: {  	[sflag:s0] =	ssyncadd.s32 @!p0 s1  }
0x48: {  	[bflag:$0x3] =	sbarrier.arrive $0xFFFF  }
0x49: {  	_ =	shalt  }

// kernel: kernel.41.cloned.1.call-start
scs
__scs_entry_jumppad:
0x0: {  	(pc) =	sbr.rel $0x88, $3  }
0x1: {  	(tag) =	ssettag $0x0;
	lr =	simm.s32 $0x1  }
0x2: {  	[smem:$0x3F77] =	sst lr;
	_ =	strace $0xD0000000  }
0x3: {  	_ = 	snop  }
0x4: {  	_ = 	snop  }
0x5: {  	_ = 	snop  }
0x6: {  	_ = 	snop  }
0x7: {  	_ = 	snop  }
__scs_overlays_trampoline_lowered:
0x8: {  	[smem:$0x3F86] =	sst s0  }
0x9: {  	[smem:$0x3F87] =	sst s1  }
0xa: {  	[smem:$0x3F88] =	sst s2  }
0xb: {  	[smem:$0x3F89] =	sst s3  }
0xc: {  	[smem:$0x3F8A] =	sst s4  }
0xd: {  	[smem:$0x3F8B] =	sst s5  }
0xe: {  	[smem:$0x3F8C] =	sst s6  }
0xf: {  	[smem:$0x3F8D] =	sst s7  }
0x10: {  	[smem:$0x3F8E] =	sst s8  }
0x11: {  	[smem:$0x3F8F] =	sst s9;
	s0 =	simm.s32 @!p0 $0x0  }
0x12: {  	s1 =	sld [smem:$0x3F75];
	s0 =	simm.s32 @p0 $0x1  }
0x13: {  	[smem:$0x3F90] =	sst s0;
	s0 =	simm.s32 @!p1 $0x0  }
0x14: {  	s2 =	sld [smem:$0x3F74];
	s0 =	simm.s32 @p1 $0x1  }
0x15: {  	[smem:$0x3F91] =	sst s0;
	s0 =	simm.s32 @!p2 $0x0  }
0x16: {  	s3 =	sld [smem:$0x3FDB];
	s0 =	simm.s32 @p2 $0x1  }
0x17: {  	s4 =	simm.s32 $0x1BF5;
	[smem:$0x3F93] =	sst s0  }
0x18: {  	s0 =	sld [smem:$0x3F76];
	_ =	swait.ge [sflag:s4], $0x0  }
0x19: {  	s7 =	sld [smem:$0x3F77]  }
0x1a: {  	s8 =	sadd.s32 $0xFFFFE003, lr  }
0x1b: {  	s9 =	sadd.s32 $0xFFFFFEF7, lr;
	s5 =	simm.s32 $0xFFFFFFFF;
	p2 =	slt.u32 s8, $0xFFFFF086  }
0x1c: {  	p1 =	slt.u32 s9, $0xF7A;
	s5 =	simm.s32 @!p2 $0x0  }
0x1d: {  	s5 =	simm.s32 @p1 $0x1;
	p0 =	seq.s32 s7, s2  }
0x1e: {  	s7 =	smul.u32 @!p0 $0xF7A, s2;
	p2 =	seq.s32 @!p0 s5, $0x0  }
0x1f: {  	s9 =	smul.u32 $0xF7A, s1;
	s8 =	simm.s32 @!p0 $0x1BF5;
	p2 =	por !p2, p0  }
0x20: {  	[sflag:s8] =	ssyncset.s32 @!p0 $0xFFFFF086;
	s6 =	sadd.s32 @!p0 s3, s7;
	s7 =	simm.s32 @!p0 $0x108  }
0x21: {  	s3 =	sadd.s32 s3, s9;
	s6 =	sadd.s32 @!p0 $0x88, s6;
	s7 =	simm.s32 @p2 $0x1082  }
0x22: {  	[simem:s7], [sflag:s8] =	dma.local @!p0 [hbm:s6], $0xF7A  }
0x23: {  	s9 =	sor.u32 $0xD0000000, s2;
	s6 =	simm.s32 $0x108;
	_ =	swait.ge @!p0 [sflag:s8], $0x0  }
0x24: {  	s3 =	sadd.s32 $0x88, s3;
	s6 =	simm.s32 @!p1 $0x1082;
	[sflag:s4] =	ssyncset.s32 $0xFFFFF086  }
0x25: {  	[simem:s6], [sflag:s4] =	dma.local [hbm:s3], $0xF7A  }
0x26: {  	[smem:$0x3F77] =	sst s1;
	(tag) =	ssettag s2;
	_ =	strace s9  }
0x27: {  	s1 =	sld [smem:$0x3F87]  }
0x28: {  	s2 =	sld [smem:$0x3F88]  }
0x29: {  	s4 =	sld [smem:$0x3F8A]  }
0x2a: {  	p0 =	seq.s32 s5, $0x0;
	s5 =	sld [smem:$0x3F8B]  }
0x2b: {  	s6 =	sld [smem:$0x3F8C]  }
0x2c: {  	s7 =	sld [smem:$0x3F8D]  }
0x2d: {  	s3 =	simm.s32 $0x108;
	s8 =	sld [smem:$0x3F8E]  }
0x2e: {  	s3 =	simm.s32 @!p0 $0x1082;
	s9 =	sld [smem:$0x3F8F]  }
0x2f: {  	lr =	sadd.s32 s0, s3;
	s0 =	sld [smem:$0x3F86]  }
0x30: {  	s3 =	sld [smem:$0x3F89]  }
0x31: {  	[smem:$0x3F92] =	sst s10  }
0x32: {  	s10 =	sld [smem:$0x3F90];
	_ =	sdelay $0x3  }
0x33: {  	p0 =	seq.s32 s10, $0x1;
	s10 =	sld [smem:$0x3F92];
	_ =	sdelay $0x3  }
0x34: {  	[smem:$0x3F92] =	sst s10  }
0x35: {  	s10 =	sld [smem:$0x3F91];
	_ =	sdelay $0x3  }
0x36: {  	p1 =	seq.s32 s10, $0x1;
	s10 =	sld [smem:$0x3F92];
	_ =	sdelay $0x3  }
0x37: {  	[smem:$0x3F92] =	sst s10  }
0x38: {  	s10 =	sld [smem:$0x3F93]  }
0x39: {  	_ = 	snop;
	(pc) =	sbr.ind lr, $3  }
0x3a: {  	_ = 	snop  }
0x3b: {  	_ = 	snop  }
0x3c: {  	p2 =	seq.s32 s10, $0x1;
	s10 =	sld [smem:$0x3F92]  }
0x3d: {  	_ =	shalt  }
0x3e: {  	_ =	shalt  }
0x3f: {  	_ =	shalt  }
0x40: {  	_ =	shalt  }
0x41: {  	_ =	shalt  }
0x42: {  	_ =	shalt  }
0x43: {  	_ =	shalt  }
0x44: {  	_ =	shalt  }
0x45: {  	_ =	shalt  }
0x46: {  	_ =	shalt  }
0x47: {  	_ =	shalt  }
0x48: {  	_ =	shalt  }
0x49: {  	_ =	shalt  }
0x4a: {  	_ =	shalt  }
0x4b: {  	_ =	shalt  }
0x4c: {  	_ =	shalt  }
0x4d: {  	_ =	shalt  }
0x4e: {  	_ =	shalt  }
0x4f: {  	_ =	shalt  }
0x50: {  	_ =	shalt  }
0x51: {  	_ =	shalt  }
0x52: {  	_ =	shalt  }
0x53: {  	_ =	shalt  }
0x54: {  	_ =	shalt  }
0x55: {  	_ =	shalt  }
0x56: {  	_ =	shalt  }
0x57: {  	_ =	shalt  }
0x58: {  	_ =	shalt  }
0x59: {  	_ =	shalt  }
0x5a: {  	_ =	shalt  }
0x5b: {  	_ =	shalt  }
0x5c: {  	_ =	shalt  }
0x5d: {  	_ =	shalt  }
0x5e: {  	_ =	shalt  }
0x5f: {  	_ =	shalt  }
0x60: {  	_ =	shalt  }
0x61: {  	_ =	shalt  }
0x62: {  	_ =	shalt  }
0x63: {  	_ =	shalt  }
0x64: {  	_ =	shalt  }
0x65: {  	_ =	shalt  }
0x66: {  	_ =	shalt  }
0x67: {  	_ =	shalt  }
0x68: {  	_ =	shalt  }
0x69: {  	_ =	shalt  }
0x6a: {  	_ =	shalt  }
0x6b: {  	_ =	shalt  }
0x6c: {  	_ =	shalt  }
0x6d: {  	_ =	shalt  }
0x6e: {  	_ =	shalt  }
0x6f: {  	_ =	shalt  }
0x70: {  	_ =	shalt  }
0x71: {  	_ =	shalt  }
0x72: {  	_ =	shalt  }
0x73: {  	_ =	shalt  }
0x74: {  	_ =	shalt  }
0x75: {  	_ =	shalt  }
0x76: {  	_ =	shalt  }
0x77: {  	_ =	shalt  }
0x78: {  	_ =	shalt  }
0x79: {  	_ =	shalt  }
0x7a: {  	_ =	shalt  }
0x7b: {  	_ =	shalt  }
0x7c: {  	_ =	shalt  }
0x7d: {  	_ =	shalt  }
0x7e: {  	_ =	shalt  }
0x7f: {  	_ =	shalt  }
0x80: {  	_ =	shalt  }
0x81: {  	_ =	shalt  }
0x82: {  	_ =	shalt  }
0x83: {  	_ =	shalt  }
0x84: {  	_ =	shalt  }
0x85: {  	_ =	shalt  }
0x86: {  	_ =	shalt  }
0x87: {  	_ =	shalt  }
.Lfunc_end0:
.L_simem_size_0:
called_computation.3_lowered:
.L_overlay_start_0:
0x88: {  	s2 =	sld [smem:$0x3FD9]  }
0x89: {  	s3 =	sld [smem:$0x3FFE];
	_ =	sdelay $0x1  }
0x8a: {  	s1 =	srdreg.scid  }
0x8b: {  	s0 =	sand.u32 $0x1, s1  }
0x8c: {  	s16 =	sshll.u32 s0, $0xA;
	s2 =	sadd.s32 s3, s2  }
0x8d: {  	s2 =	sadd.s32 s2, s16  }
0x8e: {  	[smem:$0x3F9E] =	sst s2  }
0x8f: {  	_ = 	snop  }
0x90: {  	(tm) =	ssettm $0x1  }
0x91: {  	s17 =	sld [smem:$0x3FFB];
	_ =	sdelay $0x3  }
0x92: {  	_ =	strace s17  }
0x93: {  	s2 =	sld [smem:$0x3FFC];
	_ =	sdelay $0x3  }
0x94: {  	_ =	strace s2  }
0x95: {  	s2 =	sld [smem:$0x3FFD];
	_ =	sdelay $0x3  }
0x96: {  	_ =	strace s2  }
0x97: {  	_ =	strace $0x8FFFFFFF  }
0x98: {  	s18 =	sld [smem:$0x3FDB];
	_ =	sdelay $0x1  }
0x99: {  	s19 =	simm.s32 $_scs_section_size  }
0x9a: {  	s4 =	simm.s32 $_size__tile_overlayer_lowered;
	s5 =	simm.s32 $_tile_overlayer_lowered  }
0x9b: {  	s22 =	simm.s32 $0x1BFF;
	s21 =	sshll.u32 s5, $0x1;
	s2 =	sadd.s32 s19, s18  }
0x9c: {  	s6 =	simm.s32 $0x0;
	s20 =	sshll.u32 s4, $0x1;
	s4 =	sadd.s32 s21, s2  }
0x9d: {  	[timem:s6], [sflag:s22] =	dma.local [hbm:s4], s20  }
0x9e: {  	_ =	swait.ge [sflag:s22], s20  }
0x9f: {  	s3 =	ssub.s32 $0x0, s20;
	[sflag:s22] =	ssyncset.done $0x0  }
0xa0: {  	[sflag:s22] =	ssyncadd.s32 s3;
	_ =	sdelay $0x1  }
0xa1: {  	s23 =	simm.s32 $0x1B8B  }
0xa2: {  	_ =	swait.ge [sflag:s23], $0x1  }
0xa3: {  	[sflag:s23] =	ssyncset.done $0x0  }
0xa4: {  	s25 =	simm.s32 $0x1B8E;
	s24 =	sld [smem:$0x3FFE];
	[sflag:s23] =	ssyncadd.s32 $0xFFFFFFFF  }
0xa5: {  	s26 =	simm.s32 $execute0_lowered;
	[smem:$0x3FD2] =	sst s25  }
0xa6: {  	s4 =	sshll.u32 s26, $0x1;
	_ =	strace $0x8000004F;
	[dreg:$0x1] =	wrdreg $0xFFFFFFFF  }
0xa7: {  	s28 =	simm.s32 $_size_execute0_lowered;
	s2 =	sadd.s32 s2, s4;
	[dreg:$0x0] =	wrdreg $0x0  }
0xa8: {  	s4 =	sshll.u32 s28, $0x1;
	[dreg:$0x2] =	wrdreg s2  }
0xa9: {  	[dreg:$0x3] =	wrdreg s4  }
0xaa: {  	[dreg:$0x4] =	wrdreg $0xC0  }
0xab: {  	_ =	task [dreg:s6], $0x5FFFF  }
0xac: {  	[dreg:$0x1] =	wrdreg $0xFFFFFFFF  }
0xad: {  	[dreg:$0x0] =	wrdreg $0x60  }
0xae: {  	[dreg:$0x2] =	wrdreg s24  }
0xaf: {  	[dreg:$0x3] =	wrdreg $0x90000  }
0xb0: {  	[dreg:$0x4] =	wrdreg $0x9  }
0xb1: {  	_ =	task.clear_ibuf [dreg:s6], $0x5FFFF;
	_ =	strace $0x9000004F  }
0xb2: {  	s29 =	simm.s32 $0x9;
	_ =	strace $0x80000051  }
0xb3: {  	_ =	swait.ge [sflag:s29], $0x1  }
0xb4: {  	[sflag:s29] =	ssyncadd.s32 $0xFFFFFFFF  }
0xb5: {  	_ =	strace $0x90000051  }
0xb6: {  	_ =	sfence  }
0xb7: {  	s30 =	sld [smem:$0x0];
	_ =	sdelay $0x2  }
0xb8: {  	s31 =	sshll.u32 s1, $0xD;
	s1 =	sshrl.u32 s1, $0x2  }
0xb9: {  	s3 =	sand.u32 $0x4000, s31;
	s1 =	sadd.s32 s1, s30  }
0xba: {  	s0 =	sor.u32 s3, s0;
	s1 =	sshll.u32 s1, $0x11  }
0xbb: {  	s0 =	sor.u32 s1, s0  }
0xbc: {  	s0 =	sadd.s32 $0x8F2B, s0  }
0xbd: {  	[sflag:s0] =	ssyncadd.remote.s32 $0x1  }
0xbe: {  	_ =	sfence.sel $0xFFFF  }
0xbf: {  	[dreg:$0x0] =	wrdreg $0xFFFFFFFF;
	(pc) =	sbr.abs _section_cstart, $3  }
0xc0: {  	[dreg:$0x1] =	wrdreg $0xFFFFFFFF  }
0xc1: {  	_ =	task.clear_ibuf [dreg:s6], $0x2FFFF;
	_ =	strace $0x9FFFFFFF  }
0xc2: {  	(tm) =	ssettm $0x7FFFFFFF  }
0xc3: {  	_ =	shalt  }
tec
execute0_lowered:
.L_overlay_start_1:
0x0: {  	(tag) =	ssettag $0x1  }
0x1: {  	s4 =	rddreg [dreg:$0x0];
	s2 =	srdreg.scid  }
0x2: {  	s1 =	rddreg [dreg:$0x1];
	s5 =	sand.u32 $0x1, s2  }
0x3: {  	s2 =	stileid.u32;
	s6 =	smul.u32 $0x27100, s5  }
0x4: {  	s0 =	rddreg [dreg:$0x2];
	s3 =	simm.s32 $0x0;
	s7 =	smul.u32 $0x500, s2  }
0x5: {  	s14 =	simm.s32 $0x5000;
	[smem:$0x7FF] =	sst s3;
	s16 =	smul.u32 $0x2780, s2  }
0x6: {  	s15 =	simm.s32 $0x1;
	_ =	strace $0x80000050;
	s29 =	smul.u32 $0x27800, s5  }
0x7: {  	s5 =	ssub.s32 $0x2, s5;
	s10 =	smul.u32 $0x4F000, s2;
	s31 =	sshll.u32 s2, $0x6  }
0x8: {  	s9 =	sshrl.u32 s5, $0x1;
	s8 =	sadd.s32 s6, s4;
	s7 =	sadd.s32 s7, s4  }
0x9: {  	s11 =	sadd.s32 s16, s4;
	s12 =	sadd.s32 s29, s4;
	s9 =	ssub.s32 s5, s9  }
0xa: {  	s30 =	sshrl.u32 s10, $0x2;
	s10 =	simm.s32 $0x2800;
	s4 =	sadd.s32 $0xF200, s7  }
0xb: {  	s5 =	sadd.s32 $0xA200, s7;
	s13 =	sadd.s32 s30, s1;
	s6 =	sadd.s32 $0x14200, s11  }
0xc: {  	s7 =	sadd.s32 $0x3BA00, s8;
	s17 =	sadd.s32 $0x89C00, s12;
	s8 =	smax.u32 s9, $0x1  }
0xd: {  	s9 =	simm.s32 $0x2;
	s11 =	sor.u32 $0x1C02, s31;
	s12 =	sshrl.u32 s13, $0x3  }
0xe: {  	s13 =	simm.s32 $0x80;
	s16 =	sadd.s32 s16, s17;
	s17 =	simm.s32 $0x0  }
.LBB2_1:
0xf: {  	[tilespmem:s3], [sflag:$0x2] =	stream.linear.gather [hbm4b:s4+s3], $0x2800, $0x38;
	[tilespmem:$0x1CC00] =	vst v63  }
0x10: {  	_ =	swait.ge [sflag:s9], $0x2800  }
0x11: {  	[sflag:s9] =	ssyncset.done $0x0  }
0x12: {  	[sflag:s9] =	ssyncadd.s32 $0xFFFFD800  }
0x13: {  	[tilespmem:s10], [sflag:$0x2] =	stream.linear.gather [hbm4b:s5+s3], $0x2800, $0x38;
	[tilespmem:$0x1CC00] =	vst v63  }
0x14: {  	_ =	swait.ge [sflag:s9], $0x2800  }
0x15: {  	[sflag:s9] =	ssyncset.done $0x0  }
0x16: {  	[sflag:s9] =	ssyncadd.s32 $0xFFFFD800  }
0x17: {  	[spmem:s12], [sflag:s11] =	dma.local [hbm:s6], $0x2780  }
0x18: {  	_ =	swait.ge [sflag:s9], $0x2780  }
0x19: {  	[sflag:s9] =	ssyncset.done $0x0  }
0x1a: {  	[sflag:s9] =	ssyncadd.s32 $0xFFFFD880  }
0x1b: {  	s18 =	simm.s32 $0x0;
	[bflag:$0x0] =	sbarrier.arrive $0xFFFF  }
0x1c: {  	[tilespmem:s14], [sflag:$0x1] =	stream.indirect.gather [hbm4b:s7+s13], $0x80, s18, s13, $0xb8;
	[tilespmem:$0x1CC00] =	vst v63  }
0x1d: {  	_ =	swait.ge [sflag:s15], $0x4000  }
0x1e: {  	[sflag:s15] =	ssyncset.done $0x0  }
0x1f: {  	s31 =	simm.s32 $0x2800;
	[sflag:s15] =	ssyncadd.s32 $0xFFFFC000  }
0x20: {  	[spmem:s1] =	stream.indirect.scatter.add.f32 [tilespmem:s14], [sflag:$0x2], $0x80, s31, s13, $0xb8;
	[tilespmem:$0x1CC00] =	vst v63  }
0x21: {  	_ =	swait.ge [sflag:s9], $0x4000  }
0x22: {  	s19 =	simm.s32 $0x400;
	s18 =	simm.s32 $0x200;
	[sflag:s9] =	ssyncset.done $0x0  }
.LBB2_2:
0x23: {  	s20 =	sshra.s32 s18, $0x2  }
0x24: {  	[sflag:s9] =	ssyncadd.s32 $0xFFFFC000;
	s18 =	smov.u32 s19;
	s21 =	sadd.s32 $0x200, s19  }
0x25: {  	[tilespmem:s14], [sflag:$0x1] =	stream.indirect.gather [hbm4b:s7+s13], $0x80, s20, s13, $0xb8;
	[tilespmem:$0x1CC00] =	vst v63  }
0x26: {  	p0 =	sne.s32 s19, $0x9E00;
	_ =	swait.ge [sflag:s15], $0x4000  }
.Ltmp0:
0x27: {  	[sflag:s15] =	ssyncset.done $0x0;
	(pc) =	sbr.rel @p0 .LBB2_2-.Ltmp0, $4  }
0x28: {  	s19 =	sadd.s32 $0x2800, s20;
	[sflag:s15] =	ssyncadd.s32 $0xFFFFC000  }
0x29: {  	[spmem:s1] =	stream.indirect.scatter.add.f32 [tilespmem:s14], [sflag:$0x2], $0x80, s19, s13, $0xb8;
	[tilespmem:$0x1CC00] =	vst v63  }
0x2a: {  	_ =	swait.ge [sflag:s9], $0x4000  }
0x2b: {  	s19 =	smov.u32 s21;
	[sflag:s9] =	ssyncset.done $0x0  }
0x2c: {  	s18 =	sshra.s32 s18, $0x2;
	[sflag:s9] =	ssyncadd.s32 $0xFFFFC000  }
0x2d: {  	[tilespmem:s14], [sflag:$0x1] =	stream.indirect.gather [hbm4b:s7+s13], $0x80, s18, s13, $0xb8;
	[tilespmem:$0x1CC00] =	vst v63  }
0x2e: {  	_ =	swait.ge [sflag:s15], $0x4000  }
0x2f: {  	[sflag:s15] =	ssyncset.done $0x0  }
0x30: {  	s18 =	sadd.s32 $0x2800, s18;
	[sflag:s15] =	ssyncadd.s32 $0xFFFFC000  }
0x31: {  	[spmem:s1] =	stream.indirect.scatter.add.f32 [tilespmem:s14], [sflag:$0x2], $0x80, s18, s13, $0xb8;
	[tilespmem:$0x1CC00] =	vst v63  }
0x32: {  	_ =	swait.ge [sflag:s9], $0x4000  }
0x33: {  	s17 =	sadd.s32 $0x1, s17;
	[sflag:s9] =	ssyncset.done $0x0  }
0x34: {  	p0 =	sne.s32 s17, s8;
	[sflag:s9] =	ssyncadd.s32 $0xFFFFC000  }
.Ltmp1:
0x35: {  	[bflag:$0x0] =	sbarrier.arrive $0xFFFF;
	(pc) =	sbr.rel @p0 .LBB2_1-.Ltmp1, $4  }
0x36: {  	[hbm:s16], [sflag:s11] =	dma.local [spmem:s12], $0x2780  }
0x37: {  	_ =	swait.ge [sflag:s9], $0x2780  }
0x38: {  	[sflag:s9] =	ssyncset.done $0x0  }
0x39: {  	[sflag:s9] =	ssyncadd.s32 $0xFFFFD880  }
0x3a: {  	_ =	sfence.sel $0x180000  }
0x3b: {  	[bflag:$0x0] =	sbarrier.arrive $0xFFFF  }
0x3c: {  	p0 =	sne.s32 s2, $0x0;
	_ =	strace $0x90000050  }
0x3d: {  	s0 =	sadd.s32 @!p0 $0x100000, s0;
	[bflag:$0x2] =	sbarrier.arrive $0xFFFF  }
0x3e: {  	[sflag:s0] =	ssyncadd.tile.s32 @!p0 $0x1;
	_ =	shalt  }
.Lfunc_end2:
_tile_overlayer_lowered:
.L_overlay_start_2:
0x3f: {  	(tag) =	ssettag $0x2  }
0x40: {  	s0 =	rddreg [dreg:$0x0];
	s2 =	stileid.u32  }
0x41: {  	s1 =	rddreg [dreg:$0x1];
	p0 =	sne.s32 s2, $0x0  }
0x42: {  	s3 =	rddreg [dreg:$0x2];
	[bflag:$0x3] =	sbarrier.arrive $0xFFFF;
	s2 =	simm.s32 @!p0 $0x1C02  }
0x43: {  	[timem:s3], [sflag:s2] =	dma.local @!p0 [hbm:s0], s1  }
0x44: {  	s0 =	simm.s32 @!p0 $0x2  }
0x45: {  	_ =	swait.ge @!p0 [sflag:s0], s1  }
0x46: {  	s1 =	ssub.s32 @!p0 $0x0, s1;
	[sflag:s0] =	ssyncset.done @!p0 $0x0  }
0x47: {  	[sflag:s0] =	ssyncadd.s32 @!p0 s1  }
0x48: {  	[bflag:$0x3] =	sbarrier.arrive $0xFFFF  }
0x49: {  	_ =	shalt  }

// kernel: kernel.44.cloned.1.call-start
scs
__scs_entry_jumppad:
0x0: {  	(pc) =	sbr.rel $0x88, $3  }
0x1: {  	(tag) =	ssettag $0x0;
	lr =	simm.s32 $0x1  }
0x2: {  	[smem:$0x3F77] =	sst lr;
	_ =	strace $0xD0000000  }
0x3: {  	_ = 	snop  }
0x4: {  	_ = 	snop  }
0x5: {  	_ = 	snop  }
0x6: {  	_ = 	snop  }
0x7: {  	_ = 	snop  }
__scs_overlays_trampoline_lowered:
0x8: {  	[smem:$0x3F86] =	sst s0  }
0x9: {  	[smem:$0x3F87] =	sst s1  }
0xa: {  	[smem:$0x3F88] =	sst s2  }
0xb: {  	[smem:$0x3F89] =	sst s3  }
0xc: {  	[smem:$0x3F8A] =	sst s4  }
0xd: {  	[smem:$0x3F8B] =	sst s5  }
0xe: {  	[smem:$0x3F8C] =	sst s6  }
0xf: {  	[smem:$0x3F8D] =	sst s7  }
0x10: {  	[smem:$0x3F8E] =	sst s8  }
0x11: {  	[smem:$0x3F8F] =	sst s9;
	s0 =	simm.s32 @!p0 $0x0  }
0x12: {  	s1 =	sld [smem:$0x3F75];
	s0 =	simm.s32 @p0 $0x1  }
0x13: {  	[smem:$0x3F90] =	sst s0;
	s0 =	simm.s32 @!p1 $0x0  }
0x14: {  	s2 =	sld [smem:$0x3F74];
	s0 =	simm.s32 @p1 $0x1  }
0x15: {  	[smem:$0x3F91] =	sst s0;
	s0 =	simm.s32 @!p2 $0x0  }
0x16: {  	s3 =	sld [smem:$0x3FDB];
	s0 =	simm.s32 @p2 $0x1  }
0x17: {  	s4 =	simm.s32 $0x1BF5;
	[smem:$0x3F93] =	sst s0  }
0x18: {  	s0 =	sld [smem:$0x3F76];
	_ =	swait.ge [sflag:s4], $0x0  }
0x19: {  	s7 =	sld [smem:$0x3F77]  }
0x1a: {  	s8 =	sadd.s32 $0xFFFFE003, lr  }
0x1b: {  	s9 =	sadd.s32 $0xFFFFFEF7, lr;
	s5 =	simm.s32 $0xFFFFFFFF;
	p2 =	slt.u32 s8, $0xFFFFF086  }
0x1c: {  	p1 =	slt.u32 s9, $0xF7A;
	s5 =	simm.s32 @!p2 $0x0  }
0x1d: {  	s5 =	simm.s32 @p1 $0x1;
	p0 =	seq.s32 s7, s2  }
0x1e: {  	s7 =	smul.u32 @!p0 $0xF7A, s2;
	p2 =	seq.s32 @!p0 s5, $0x0  }
0x1f: {  	s9 =	smul.u32 $0xF7A, s1;
	s8 =	simm.s32 @!p0 $0x1BF5;
	p2 =	por !p2, p0  }
0x20: {  	[sflag:s8] =	ssyncset.s32 @!p0 $0xFFFFF086;
	s6 =	sadd.s32 @!p0 s3, s7;
	s7 =	simm.s32 @!p0 $0x108  }
0x21: {  	s3 =	sadd.s32 s3, s9;
	s6 =	sadd.s32 @!p0 $0x88, s6;
	s7 =	simm.s32 @p2 $0x1082  }
0x22: {  	[simem:s7], [sflag:s8] =	dma.local @!p0 [hbm:s6], $0xF7A  }
0x23: {  	s9 =	sor.u32 $0xD0000000, s2;
	s6 =	simm.s32 $0x108;
	_ =	swait.ge @!p0 [sflag:s8], $0x0  }
0x24: {  	s3 =	sadd.s32 $0x88, s3;
	s6 =	simm.s32 @!p1 $0x1082;
	[sflag:s4] =	ssyncset.s32 $0xFFFFF086  }
0x25: {  	[simem:s6], [sflag:s4] =	dma.local [hbm:s3], $0xF7A  }
0x26: {  	[smem:$0x3F77] =	sst s1;
	(tag) =	ssettag s2;
	_ =	strace s9  }
0x27: {  	s1 =	sld [smem:$0x3F87]  }
0x28: {  	s2 =	sld [smem:$0x3F88]  }
0x29: {  	s4 =	sld [smem:$0x3F8A]  }
0x2a: {  	p0 =	seq.s32 s5, $0x0;
	s5 =	sld [smem:$0x3F8B]  }
0x2b: {  	s6 =	sld [smem:$0x3F8C]  }
0x2c: {  	s7 =	sld [smem:$0x3F8D]  }
0x2d: {  	s3 =	simm.s32 $0x108;
	s8 =	sld [smem:$0x3F8E]  }
0x2e: {  	s3 =	simm.s32 @!p0 $0x1082;
	s9 =	sld [smem:$0x3F8F]  }
0x2f: {  	lr =	sadd.s32 s0, s3;
	s0 =	sld [smem:$0x3F86]  }
0x30: {  	s3 =	sld [smem:$0x3F89]  }
0x31: {  	[smem:$0x3F92] =	sst s10  }
0x32: {  	s10 =	sld [smem:$0x3F90];
	_ =	sdelay $0x3  }
0x33: {  	p0 =	seq.s32 s10, $0x1;
	s10 =	sld [smem:$0x3F92];
	_ =	sdelay $0x3  }
0x34: {  	[smem:$0x3F92] =	sst s10  }
0x35: {  	s10 =	sld [smem:$0x3F91];
	_ =	sdelay $0x3  }
0x36: {  	p1 =	seq.s32 s10, $0x1;
	s10 =	sld [smem:$0x3F92];
	_ =	sdelay $0x3  }
0x37: {  	[smem:$0x3F92] =	sst s10  }
0x38: {  	s10 =	sld [smem:$0x3F93]  }
0x39: {  	_ = 	snop;
	(pc) =	sbr.ind lr, $3  }
0x3a: {  	_ = 	snop  }
0x3b: {  	_ = 	snop  }
0x3c: {  	p2 =	seq.s32 s10, $0x1;
	s10 =	sld [smem:$0x3F92]  }
0x3d: {  	_ =	shalt  }
0x3e: {  	_ =	shalt  }
0x3f: {  	_ =	shalt  }
0x40: {  	_ =	shalt  }
0x41: {  	_ =	shalt  }
0x42: {  	_ =	shalt  }
0x43: {  	_ =	shalt  }
0x44: {  	_ =	shalt  }
0x45: {  	_ =	shalt  }
0x46: {  	_ =	shalt  }
0x47: {  	_ =	shalt  }
0x48: {  	_ =	shalt  }
0x49: {  	_ =	shalt  }
0x4a: {  	_ =	shalt  }
0x4b: {  	_ =	shalt  }
0x4c: {  	_ =	shalt  }
0x4d: {  	_ =	shalt  }
0x4e: {  	_ =	shalt  }
0x4f: {  	_ =	shalt  }
0x50: {  	_ =	shalt  }
0x51: {  	_ =	shalt  }
0x52: {  	_ =	shalt  }
0x53: {  	_ =	shalt  }
0x54: {  	_ =	shalt  }
0x55: {  	_ =	shalt  }
0x56: {  	_ =	shalt  }
0x57: {  	_ =	shalt  }
0x58: {  	_ =	shalt  }
0x59: {  	_ =	shalt  }
0x5a: {  	_ =	shalt  }
0x5b: {  	_ =	shalt  }
0x5c: {  	_ =	shalt  }
0x5d: {  	_ =	shalt  }
0x5e: {  	_ =	shalt  }
0x5f: {  	_ =	shalt  }
0x60: {  	_ =	shalt  }
0x61: {  	_ =	shalt  }
0x62: {  	_ =	shalt  }
0x63: {  	_ =	shalt  }
0x64: {  	_ =	shalt  }
0x65: {  	_ =	shalt  }
0x66: {  	_ =	shalt  }
0x67: {  	_ =	shalt  }
0x68: {  	_ =	shalt  }
0x69: {  	_ =	shalt  }
0x6a: {  	_ =	shalt  }
0x6b: {  	_ =	shalt  }
0x6c: {  	_ =	shalt  }
0x6d: {  	_ =	shalt  }
0x6e: {  	_ =	shalt  }
0x6f: {  	_ =	shalt  }
0x70: {  	_ =	shalt  }
0x71: {  	_ =	shalt  }
0x72: {  	_ =	shalt  }
0x73: {  	_ =	shalt  }
0x74: {  	_ =	shalt  }
0x75: {  	_ =	shalt  }
0x76: {  	_ =	shalt  }
0x77: {  	_ =	shalt  }
0x78: {  	_ =	shalt  }
0x79: {  	_ =	shalt  }
0x7a: {  	_ =	shalt  }
0x7b: {  	_ =	shalt  }
0x7c: {  	_ =	shalt  }
0x7d: {  	_ =	shalt  }
0x7e: {  	_ =	shalt  }
0x7f: {  	_ =	shalt  }
0x80: {  	_ =	shalt  }
0x81: {  	_ =	shalt  }
0x82: {  	_ =	shalt  }
0x83: {  	_ =	shalt  }
0x84: {  	_ =	shalt  }
0x85: {  	_ =	shalt  }
0x86: {  	_ =	shalt  }
0x87: {  	_ =	shalt  }
.Lfunc_end0:
.L_simem_size_0:
called_computation.4_lowered:
.L_overlay_start_0:
0x88: {  	s2 =	sld [smem:$0x3FD9]  }
0x89: {  	s3 =	sld [smem:$0x3FFE];
	_ =	sdelay $0x1  }
0x8a: {  	s1 =	srdreg.scid  }
0x8b: {  	s0 =	sand.u32 $0x1, s1  }
0x8c: {  	s17 =	sshll.u32 s0, $0xA;
	s2 =	sadd.s32 s3, s2  }
0x8d: {  	s2 =	sadd.s32 s2, s17  }
0x8e: {  	[smem:$0x3F9E] =	sst s2  }
0x8f: {  	_ = 	snop  }
0x90: {  	s2 =	sld [smem:$0x3FD0];
	(tm) =	ssettm $0x1  }
0x91: {  	s18 =	sld [smem:$0x3FFB];
	_ =	sdelay $0x3  }
0x92: {  	_ =	strace s18  }
0x93: {  	s3 =	sld [smem:$0x3FFC];
	_ =	sdelay $0x3  }
0x94: {  	_ =	strace s3  }
0x95: {  	s3 =	sld [smem:$0x3FFD];
	_ =	sdelay $0x3  }
0x96: {  	_ =	strace s3  }
0x97: {  	_ =	strace $0x8FFFFFFF  }
0x98: {  	s19 =	sld [smem:$0x3FDB];
	_ =	sdelay $0x1  }
0x99: {  	s4 =	simm.s32 $_scs_section_size  }
0x9a: {  	s5 =	simm.s32 $_size__tile_overlayer_lowered;
	s6 =	simm.s32 $_tile_overlayer_lowered  }
0x9b: {  	s22 =	simm.s32 $0x1BFF;
	s21 =	sshll.u32 s6, $0x1;
	s3 =	sadd.s32 s4, s19  }
0x9c: {  	s7 =	simm.s32 $0x0;
	s20 =	sshll.u32 s5, $0x1;
	s5 =	sadd.s32 s21, s3  }
0x9d: {  	[timem:s7], [sflag:s22] =	dma.local [hbm:s5], s20  }
0x9e: {  	_ =	swait.ge [sflag:s22], s20  }
0x9f: {  	s4 =	ssub.s32 $0x0, s20;
	[sflag:s22] =	ssyncset.done $0x0  }
0xa0: {  	[sflag:s22] =	ssyncadd.s32 s4;
	_ =	sdelay $0x1  }
0xa1: {  	s23 =	simm.s32 $0x1B8B  }
0xa2: {  	_ =	swait.ge [sflag:s23], $0x1  }
0xa3: {  	[sflag:s23] =	ssyncset.done $0x0  }
0xa4: {  	s25 =	simm.s32 $0x1B8E;
	s24 =	sld [smem:$0x3FFE];
	[sflag:s23] =	ssyncadd.s32 $0xFFFFFFFF  }
0xa5: {  	s26 =	simm.s32 $execute0_lowered;
	[smem:$0x3FD2] =	sst s25  }
0xa6: {  	s5 =	sshll.u32 s26, $0x1;
	_ =	strace $0x80000052;
	[dreg:$0x1] =	wrdreg $0xFFFFFFFF  }
0xa7: {  	s28 =	simm.s32 $_size_execute0_lowered;
	s3 =	sadd.s32 s3, s5;
	[dreg:$0x0] =	wrdreg $0x0  }
0xa8: {  	s5 =	sshll.u32 s28, $0x1;
	[dreg:$0x2] =	wrdreg s3  }
0xa9: {  	[dreg:$0x3] =	wrdreg s5  }
0xaa: {  	[dreg:$0x4] =	wrdreg $0xC0  }
0xab: {  	_ =	task [dreg:s7], $0x5FFFF  }
0xac: {  	[dreg:$0x1] =	wrdreg $0xFFFFFFFF  }
0xad: {  	[dreg:$0x0] =	wrdreg $0x60  }
0xae: {  	[dreg:$0x2] =	wrdreg s2  }
0xaf: {  	[dreg:$0x3] =	wrdreg s24  }
0xb0: {  	[dreg:$0x4] =	wrdreg $0x90000  }
0xb1: {  	[dreg:$0x5] =	wrdreg $0x9  }
0xb2: {  	_ =	task.clear_ibuf [dreg:s7], $0x6FFFF;
	_ =	strace $0x90000052  }
0xb3: {  	s29 =	simm.s32 $0x9;
	_ =	strace $0x80000054  }
0xb4: {  	_ =	swait.ge [sflag:s29], $0x1  }
0xb5: {  	[sflag:s29] =	ssyncadd.s32 $0xFFFFFFFF  }
0xb6: {  	_ =	strace $0x90000054  }
0xb7: {  	_ =	sfence  }
0xb8: {  	s30 =	sld [smem:$0x0];
	_ =	sdelay $0x2  }
0xb9: {  	s31 =	sshll.u32 s1, $0xD;
	s1 =	sshrl.u32 s1, $0x2  }
0xba: {  	s3 =	sand.u32 $0x4000, s31;
	s1 =	sadd.s32 s1, s30  }
0xbb: {  	s0 =	sor.u32 s3, s0;
	s1 =	sshll.u32 s1, $0x11  }
0xbc: {  	s0 =	sor.u32 s1, s0  }
0xbd: {  	s0 =	sadd.s32 $0x8F2B, s0  }
0xbe: {  	[sflag:s0] =	ssyncadd.remote.s32 $0x1  }
0xbf: {  	_ =	sfence.sel $0xFFFF  }
0xc0: {  	[dreg:$0x0] =	wrdreg $0xFFFFFFFF;
	(pc) =	sbr.abs _section_cstart, $3  }
0xc1: {  	[dreg:$0x1] =	wrdreg $0xFFFFFFFF  }
0xc2: {  	_ =	task.clear_ibuf [dreg:s7], $0x2FFFF;
	_ =	strace $0x9FFFFFFF  }
0xc3: {  	(tm) =	ssettm $0x7FFFFFFF  }
tec
execute0_lowered:
.L_overlay_start_1:
0x0: {  	(tag) =	ssettag $0x1  }
0x1: {  	s7 =	rddreg [dreg:$0x0]  }
0x2: {  	s4 =	rddreg [dreg:$0x1]  }
0x3: {  	s2 =	rddreg [dreg:$0x2]  }
0x4: {  	s0 =	rddreg [dreg:$0x3];
	s3 =	simm.s32 $0x0;
	s1 =	stileid.u32  }
0x5: {  	s6 =	srdreg.scid;
	s13 =	simm.s32 $0x80;
	s5 =	smul.u32 $0x500, s1  }
0x6: {  	s14 =	simm.s32 $0x5000;
	s15 =	simm.s32 $0x1;
	s16 =	smul.u32 $0x2780, s1  }
0x7: {  	[smem:$0x7FF] =	sst s3;
	s6 =	sand.u32 $0x1, s6;
	s12 =	smul.u32 $0x4F000, s1  }
0x8: {  	s31 =	sshll.u32 s1, $0x6;
	_ =	strace $0x80000053;
	s8 =	smul.u32 $0x27800, s6  }
0x9: {  	s9 =	ssub.s32 $0x2, s6;
	s29 =	smul.u32 $0x27100, s6;
	s5 =	sadd.s32 s5, s4  }
0xa: {  	s10 =	sadd.s32 s16, s4;
	s11 =	sshrl.u32 s9, $0x1;
	s30 =	sshrl.u32 s12, $0x2  }
0xb: {  	s8 =	sadd.s32 s8, s4;
	s9 =	ssub.s32 s9, s11;
	s4 =	sadd.s32 $0xF200, s5  }
0xc: {  	s5 =	sadd.s32 $0xA200, s5;
	s12 =	sadd.s32 s30, s2;
	s6 =	sadd.s32 $0x14200, s10  }
0xd: {  	s7 =	sadd.s32 s7, s29;
	s10 =	simm.s32 $0x2800;
	s11 =	sor.u32 $0x1C02, s31  }
0xe: {  	s17 =	sadd.s32 $0x3BA00, s8;
	s8 =	smax.u32 s9, $0x1;
	s9 =	simm.s32 $0x2  }
0xf: {  	s12 =	sshrl.u32 s12, $0x3;
	s16 =	sadd.s32 s16, s17;
	s17 =	simm.s32 $0x0  }
.LBB2_1:
0x10: {  	[tilespmem:s3], [sflag:$0x2] =	stream.linear.gather [hbm4b:s4+s3], $0x2800, $0x38;
	[tilespmem:$0x1CC00] =	vst v63  }
0x11: {  	_ =	swait.ge [sflag:s9], $0x2800  }
0x12: {  	[sflag:s9] =	ssyncset.done $0x0  }
0x13: {  	[sflag:s9] =	ssyncadd.s32 $0xFFFFD800  }
0x14: {  	[tilespmem:s10], [sflag:$0x2] =	stream.linear.gather [hbm4b:s5+s3], $0x2800, $0x38;
	[tilespmem:$0x1CC00] =	vst v63  }
0x15: {  	_ =	swait.ge [sflag:s9], $0x2800  }
0x16: {  	[sflag:s9] =	ssyncset.done $0x0  }
0x17: {  	[sflag:s9] =	ssyncadd.s32 $0xFFFFD800  }
0x18: {  	[spmem:s12], [sflag:s11] =	dma.local [hbm:s6], $0x2780  }
0x19: {  	_ =	swait.ge [sflag:s9], $0x2780  }
0x1a: {  	[sflag:s9] =	ssyncset.done $0x0  }
0x1b: {  	[sflag:s9] =	ssyncadd.s32 $0xFFFFD880  }
0x1c: {  	s18 =	simm.s32 $0x0;
	[bflag:$0x0] =	sbarrier.arrive $0xFFFF  }
0x1d: {  	[tilespmem:s14], [sflag:$0x1] =	stream.indirect.gather [hbm4b:s7+s13], $0x80, s18, s13, $0xb8;
	[tilespmem:$0x1CC00] =	vst v63  }
0x1e: {  	_ =	swait.ge [sflag:s15], $0x4000  }
0x1f: {  	[sflag:s15] =	ssyncset.done $0x0  }
0x20: {  	s31 =	simm.s32 $0x2800;
	[sflag:s15] =	ssyncadd.s32 $0xFFFFC000  }
0x21: {  	[spmem:s2] =	stream.indirect.scatter.add.f32 [tilespmem:s14], [sflag:$0x2], $0x80, s31, s13, $0xb8;
	[tilespmem:$0x1CC00] =	vst v63  }
0x22: {  	_ =	swait.ge [sflag:s9], $0x4000  }
0x23: {  	s19 =	simm.s32 $0x400;
	s18 =	simm.s32 $0x200;
	[sflag:s9] =	ssyncset.done $0x0  }
.LBB2_2:
0x24: {  	s20 =	sshra.s32 s18, $0x2  }
0x25: {  	[sflag:s9] =	ssyncadd.s32 $0xFFFFC000;
	s18 =	smov.u32 s19;
	s21 =	sadd.s32 $0x200, s19  }
0x26: {  	[tilespmem:s14], [sflag:$0x1] =	stream.indirect.gather [hbm4b:s7+s13], $0x80, s20, s13, $0xb8;
	[tilespmem:$0x1CC00] =	vst v63  }
0x27: {  	p0 =	sne.s32 s19, $0x9E00;
	_ =	swait.ge [sflag:s15], $0x4000  }
.Ltmp0:
0x28: {  	[sflag:s15] =	ssyncset.done $0x0;
	(pc) =	sbr.rel @p0 .LBB2_2-.Ltmp0, $4  }
0x29: {  	s19 =	sadd.s32 $0x2800, s20;
	[sflag:s15] =	ssyncadd.s32 $0xFFFFC000  }
0x2a: {  	[spmem:s2] =	stream.indirect.scatter.add.f32 [tilespmem:s14], [sflag:$0x2], $0x80, s19, s13, $0xb8;
	[tilespmem:$0x1CC00] =	vst v63  }
0x2b: {  	_ =	swait.ge [sflag:s9], $0x4000  }
0x2c: {  	s19 =	smov.u32 s21;
	[sflag:s9] =	ssyncset.done $0x0  }
0x2d: {  	s18 =	sshra.s32 s18, $0x2;
	[sflag:s9] =	ssyncadd.s32 $0xFFFFC000  }
0x2e: {  	[tilespmem:s14], [sflag:$0x1] =	stream.indirect.gather [hbm4b:s7+s13], $0x80, s18, s13, $0xb8;
	[tilespmem:$0x1CC00] =	vst v63  }
0x2f: {  	_ =	swait.ge [sflag:s15], $0x4000  }
0x30: {  	[sflag:s15] =	ssyncset.done $0x0  }
0x31: {  	s18 =	sadd.s32 $0x2800, s18;
	[sflag:s15] =	ssyncadd.s32 $0xFFFFC000  }
0x32: {  	[spmem:s2] =	stream.indirect.scatter.add.f32 [tilespmem:s14], [sflag:$0x2], $0x80, s18, s13, $0xb8;
	[tilespmem:$0x1CC00] =	vst v63  }
0x33: {  	_ =	swait.ge [sflag:s9], $0x4000  }
0x34: {  	s17 =	sadd.s32 $0x1, s17;
	[sflag:s9] =	ssyncset.done $0x0  }
0x35: {  	p0 =	sne.s32 s17, s8;
	[sflag:s9] =	ssyncadd.s32 $0xFFFFC000  }
.Ltmp1:
0x36: {  	[bflag:$0x0] =	sbarrier.arrive $0xFFFF;
	(pc) =	sbr.rel @p0 .LBB2_1-.Ltmp1, $4  }
0x37: {  	[hbm:s16], [sflag:s11] =	dma.local [spmem:s12], $0x2780  }
0x38: {  	_ =	swait.ge [sflag:s9], $0x2780  }
0x39: {  	[sflag:s9] =	ssyncset.done $0x0  }
0x3a: {  	[sflag:s9] =	ssyncadd.s32 $0xFFFFD880  }
0x3b: {  	_ =	sfence.sel $0x180000  }
0x3c: {  	[bflag:$0x0] =	sbarrier.arrive $0xFFFF  }
0x3d: {  	p0 =	sne.s32 s1, $0x0;
	_ =	strace $0x90000053  }
0x3e: {  	s0 =	sadd.s32 @!p0 $0x100000, s0;
	[bflag:$0x2] =	sbarrier.arrive $0xFFFF  }
0x3f: {  	[sflag:s0] =	ssyncadd.tile.s32 @!p0 $0x1;
	_ =	shalt  }
.Lfunc_end2:
_tile_overlayer_lowered:
.L_overlay_start_2:
0x40: {  	(tag) =	ssettag $0x2  }
0x41: {  	s0 =	rddreg [dreg:$0x0];
	s2 =	stileid.u32  }
0x42: {  	s1 =	rddreg [dreg:$0x1];
	p0 =	sne.s32 s2, $0x0  }
0x43: {  	s3 =	rddreg [dreg:$0x2];
	[bflag:$0x3] =	sbarrier.arrive $0xFFFF;
	s2 =	simm.s32 @!p0 $0x1C02  }
0x44: {  	[timem:s3], [sflag:s2] =	dma.local @!p0 [hbm:s0], s1  }
0x45: {  	s0 =	simm.s32 @!p0 $0x2  }
0x46: {  	_ =	swait.ge @!p0 [sflag:s0], s1  }
0x47: {  	s1 =	ssub.s32 @!p0 $0x0, s1;
	[sflag:s0] =	ssyncset.done @!p0 $0x0  }
0x48: {  	[sflag:s0] =	ssyncadd.s32 @!p0 s1  }
0x49: {  	[bflag:$0x3] =	sbarrier.arrive $0xFFFF  }
0x4a: {  	_ =	shalt  }

</sc_bundles>
